<compile_context>
chip_gen: v7x
topology: tpu7x:2x2x1
jax: 0.10.2.dev20260603
libtpu: 0.0.44.dev20260713+nightly
codegen_flags: <defaults>
</compile_context>

<pallas_src>
import functools

import jax
import jax.numpy as jnp
from jax import lax
from jax.experimental import pallas as pl
from jax.experimental.pallas import tpu as pltpu
from jax.experimental.pallas import tpu_sc as plsc

N = 10000
E = 160000
P = 10240
C = 128
NC = 2
NS = 16
NW = NC * NS
EB = 125
NB = E // EB
NB_W = NB // NW
RPS = P // NS
R = 1024
GRID = P // R

_mesh = plsc.VectorSubcoreMesh(core_axis_name="c", subcore_axis_name="s")


@functools.partial(
    pl.kernel,
    out_type=jax.ShapeDtypeStruct((NC, P, C), jnp.float32),
    mesh=_mesh,
    scratch_types=[
        pltpu.VMEM_SHARED((P, C), jnp.float32),
        pltpu.VMEM((NB_W, EB), jnp.int32),
        pltpu.VMEM((EB, C), jnp.float32),
    ],
)
def _sc_deg(dst_hbm, ones_hbm, zeros_hbm, out_hbm, acc, dstbuf, ones):
    cid = lax.axis_index("c")
    sid = lax.axis_index("s")
    w = cid * NS + sid
    pltpu.sync_copy(ones_hbm, ones)
    pltpu.sync_copy(zeros_hbm.at[pl.ds(sid * RPS, RPS)],
                    acc.at[pl.ds(sid * RPS, RPS)])
    pltpu.sync_copy(dst_hbm.at[pl.ds(w * NB_W, NB_W)], dstbuf)
    plsc.subcore_barrier()

    @pl.loop(0, NB_W)
    def _(j):
        pltpu.sync_copy(ones, acc.at[dstbuf.at[j]], add=True)

    plsc.subcore_barrier()
    pltpu.sync_copy(acc.at[pl.ds(sid * RPS, RPS)],
                    out_hbm.at[cid].at[pl.ds(sid * RPS, RPS)])


def _make_sc_agg(K):
    @functools.partial(
        pl.kernel,
        out_type=[jax.ShapeDtypeStruct((NC, P, C), jnp.float32)
                  for _ in range(K)],
        mesh=_mesh,
        scratch_types=[
            pltpu.VMEM_SHARED((P, C), jnp.float32),
            pltpu.VMEM((NB_W, EB), jnp.int32),
            pltpu.VMEM((NB_W, EB), jnp.int32),
            pltpu.VMEM((EB, C), jnp.float32),
            pltpu.VMEM((EB, C), jnp.float32),
            pltpu.SemaphoreType.DMA,
            pltpu.SemaphoreType.DMA,
        ],
    )
    def agg(src_hbm, dst_hbm, zeros_hbm, *rest):
        ys = rest[:K]
        outs = rest[K:2 * K]
        acc, srcbuf, dstbuf, rows_a, rows_b, sem_a, sem_b = rest[2 * K:]
        cid = lax.axis_index("c")
        sid = lax.axis_index("s")
        w = cid * NS + sid
        pltpu.sync_copy(src_hbm.at[pl.ds(w * NB_W, NB_W)], srcbuf)
        pltpu.sync_copy(dst_hbm.at[pl.ds(w * NB_W, NB_W)], dstbuf)

        for k in range(K):
            @pl.when(cid == 0)
            def _(k=k):
                pltpu.sync_copy(ys[k].at[pl.ds(sid * RPS, RPS)],
                                acc.at[pl.ds(sid * RPS, RPS)])

            @pl.when(cid != 0)
            def _():
                pltpu.sync_copy(zeros_hbm.at[pl.ds(sid * RPS, RPS)],
                                acc.at[pl.ds(sid * RPS, RPS)])

            plsc.subcore_barrier()

            def _gather(j, buf, sem, k=k):
                pltpu.async_copy(ys[k].at[srcbuf.at[j]], buf, sem)

            def _gwait(buf, sem, k=k):
                pltpu.make_async_copy(ys[k].at[srcbuf.at[0]], buf, sem).wait()

            if k == 0:
                _gather(0, rows_a, sem_a)

            @pl.loop(0, NB_W, step=2)
            def _(j, k=k):
                _gather(j + 1, rows_b, sem_b)
                _gwait(rows_a, sem_a)
                pltpu.sync_copy(rows_a, acc.at[dstbuf.at[j]], add=True)

                @pl.when(j + 2 < NB_W)
                def _():
                    _gather(j + 2, rows_a, sem_a)

                _gwait(rows_b, sem_b)
                pltpu.sync_copy(rows_b, acc.at[dstbuf.at[j + 1]], add=True)

            if k < K - 1:
                pltpu.async_copy(ys[k + 1].at[srcbuf.at[0]], rows_a, sem_a)
            plsc.subcore_barrier()
            pltpu.sync_copy(acc.at[pl.ds(sid * RPS, RPS)],
                            outs[k].at[cid].at[pl.ds(sid * RPS, RPS)])

            if k < K - 1:
                plsc.subcore_barrier()

    return agg


_sc_agg2 = _make_sc_agg(2)
_sc_agg4 = _make_sc_agg(4)


def _prescale_body(deg_ref, x_ref, y0_ref, y1_ref, dinv_ref):
    dp = deg_ref[...]
    deg = dp[0, :, 0:1] + dp[1, :, 0:1] + 1.0
    dv = lax.rsqrt(deg)
    rid = jax.lax.broadcasted_iota(jnp.int32, (R, 1), 0) + pl.program_id(0) * R
    mask = rid < N
    dv = jnp.where(mask, dv, 0.0)
    xb = x_ref[...]
    y = jnp.where(mask, xb * dv, 0.0)
    y0_ref[...] = y[:, :C]
    y1_ref[...] = y[:, C:]
    dinv_ref[...] = jnp.broadcast_to(dv, (R, C))


def _tc_prescale(deg_parts, x):
    return pl.pallas_call(
        _prescale_body,
        grid=(GRID,),
        in_specs=[
            pl.BlockSpec((NC, R, C), lambda r: (0, r, 0)),
            pl.BlockSpec((R, 2 * C), lambda r: (r, 0)),
        ],
        out_specs=[
            pl.BlockSpec((R, C), lambda r: (r, 0)),
            pl.BlockSpec((R, C), lambda r: (r, 0)),
            pl.BlockSpec((R, C), lambda r: (r, 0)),
        ],
        out_shape=[
            jax.ShapeDtypeStruct((P, C), jnp.float32),
            jax.ShapeDtypeStruct((P, C), jnp.float32),
            jax.ShapeDtypeStruct((P, C), jnp.float32),
        ],
    )(deg_parts, x)


def _make_mm(K, F_out, final):
    def body(*refs):
        zs = refs[:K]
        dinv_ref, w_ref, b_ref, a_ref = refs[K:K + 4]
        outs = refs[K + 4:]
        dv = dinv_ref[:, 0:1]
        acc = b_ref[...]
        for k in range(K):
            zk = (zs[k][0] + zs[k][1]) * dv
            acc = acc + jnp.dot(zk, w_ref[k * C:(k + 1) * C, :],
                                preferred_element_type=jnp.float32)
        a = a_ref[0, 0]
        h = jnp.where(acc >= 0, acc, a * acc)
        if final:
            outs[0][...] = h
        else:
            h = h * dv
            for k in range(F_out // C):
                outs[k][...] = h[:, k * C:(k + 1) * C]

    n_out = 1 if final else F_out // C
    out_rows = N if final else P
    out_cols = F_out if final else C

    def run(zparts, dinv, W, b, a):
        return pl.pallas_call(
            body,
            grid=(GRID,),
            in_specs=(
                [pl.BlockSpec((NC, R, C), lambda r: (0, r, 0))
                 for _ in range(K)]
                + [
                    pl.BlockSpec((R, C), lambda r: (r, 0)),
                    pl.BlockSpec((K * C, F_out), lambda r: (0, 0)),
                    pl.BlockSpec((1, F_out), lambda r: (0, 0)),
                    pl.BlockSpec(memory_space=pltpu.SMEM),
                ]
            ),
            out_specs=[
                pl.BlockSpec((R, out_cols), lambda r: (r, 0))
                for _ in range(n_out)
            ],
            out_shape=[
                jax.ShapeDtypeStruct((out_rows, out_cols), jnp.float32)
                for _ in range(n_out)
            ],
        )(*zparts, dinv, W, b, a)

    return run


_tc_mm1 = _make_mm(2, 512, final=False)
_tc_mm2 = _make_mm(4, 512, final=True)


def kernel(x, edge_index, W1, b1, W2, b2, prelu_a):
    src2d = edge_index[0].reshape(NB, EB)
    dst2d = edge_index[1].reshape(NB, EB)
    onesC = jnp.ones((EB, C), jnp.float32)
    zerosC = jnp.zeros((P, C), jnp.float32)
    a2d = prelu_a.reshape(1, 1)
    b1r = b1.reshape(1, 512)
    b2r = b2.reshape(1, 512)

    deg_parts = _sc_deg(dst2d, onesC, zerosC)
    y10, y11, dinv = _tc_prescale(deg_parts, x)
    z1 = _sc_agg2(src2d, dst2d, zerosC, y10, y11)
    y2 = _tc_mm1(z1, dinv, W1, b1r, a2d)
    z2 = _sc_agg4(src2d, dst2d, zerosC, *y2)
    (out,) = _tc_mm2(z2, dinv, W2, b2r, a2d)
    return out

# --- scband reference (transcript-rebuilt; emitter-appended) ---
"""Pipeline reference for scband-encoder-39676907888548 (READ-ONLY COPY).

The authoritative reference and input builder live on the scoring server;
editing this copy changes nothing except your own understanding.
"""

import jax, jax.numpy as jnp
import numpy as np

N = 10000
E = 160000
LAYERS = [256, 512, 512]

def setup_inputs(seed: int = 0):
    key = jax.random.key(seed)
    ks = jax.random.split(key, 8)
    x = jax.random.normal(ks[0], (N, LAYERS[0]), dtype=jnp.float32)
    edge_index = jax.random.randint(ks[1], (2, E), 0, N, dtype=jnp.int32)
    W1 = jax.random.normal(ks[2], (LAYERS[0], LAYERS[1]), dtype=jnp.float32) / np.sqrt(LAYERS[0])
    b1 = jnp.zeros((LAYERS[1],), dtype=jnp.float32)
    W2 = jax.random.normal(ks[3], (LAYERS[1], LAYERS[2]), dtype=jnp.float32) / np.sqrt(LAYERS[1])
    b2 = jnp.zeros((LAYERS[2],), dtype=jnp.float32)
    prelu_a = jnp.array(0.25, dtype=jnp.float32)
    return {"x": x, "edge_index": edge_index, "W1": W1, "b1": b1, "W2": W2, "b2": b2, "prelu_a": prelu_a}

def _gcn_conv(x, src, dst, W, b):
    # GCNConv: linear transform, symmetric degree normalization (with self-loops), scatter-add aggregation, bias
    h = x @ W
    ew = jnp.ones((src.shape[0],), dtype=x.dtype)
    deg = jax.ops.segment_sum(ew, dst, num_segments=N)
    dinv = jnp.where(deg > 0, jax.lax.rsqrt(deg), 0.0)
    norm = dinv[src] * dinv[dst]
    msgs = h[src] * norm[:, None]
    out = jax.ops.segment_sum(msgs, dst, num_segments=N)
    return out + b

def reference(x, edge_index, W1, b1, W2, b2, prelu_a):
    loops = jnp.arange(N, dtype=edge_index.dtype)
    src = jnp.concatenate([edge_index[0], loops])
    dst = jnp.concatenate([edge_index[1], loops])
    def prelu(v):
        return jnp.where(v >= 0, v, prelu_a * v)
    h = prelu(_gcn_conv(x, src, dst, W1, b1))
    # dropout p=0.0 -> identity
    h = prelu(_gcn_conv(h, src, dst, W2, b2))
    return h

if __name__ == "__main__":
    import jax
    _d = setup_inputs()
    print(jax.jit(kernel)(*tuple(_d.values())))

</pallas_src>

<mosaic_0001>
#map = affine_map<(d0, d1) -> (0, 0)>
#map1 = affine_map<(d0, d1) -> (0, 0, 0)>
module attributes {stable_mosaic.version = 14 : i64} {
  func.func @_sc_deg(%arg0: i32, %arg1: i32, %arg2: memref<1280x125xi32, #tpu.memory_space<hbm>>, %arg3: memref<125x128xf32, #tpu.memory_space<hbm>>, %arg4: memref<10240x128xf32, #tpu.memory_space<hbm>>, %arg5: memref<2x10240x128xf32, #tpu.memory_space<hbm>>, %arg6: memref<10240x128xf32, #tpu.memory_space<vmem_shared>>, %arg7: memref<40x125xi32, #tpu.memory_space<vmem>>, %arg8: memref<125x128xf32, #tpu.memory_space<vmem>>) attributes {dimension_semantics = [#tpu.dimension_semantics<core_parallel>, #tpu.dimension_semantics<subcore_parallel>], iteration_bounds = array<i64: 2, 16>, scalar_prefetch = 0 : i64, scratch_operands = 3 : i64, tpu.core_type = #tpu.core_type<sc_vector_subcore>, window_params = [{transform_indices = #map}, {transform_indices = #map}, {transform_indices = #map}, {transform_indices = #map1}]} {
    %mul3A = arith.constant 16 : i32
    %mul3A_0 = arith.muli %arg0, %mul3A : i32
    %add3A = arith.addi %mul3A_0, %arg1 : i32
    "tpu.region"() ({
      %run_scoped3A = tpu.sem_alloc : memref<!tpu.dma_semaphore, #tpu.memory_space<semaphore_mem>>
      tpu.enqueue_dma source(%arg3 : memref<125x128xf32, #tpu.memory_space<hbm>>) target(%arg8 : memref<125x128xf32, #tpu.memory_space<vmem>>) target_semaphore(%run_scoped3A : memref<!tpu.dma_semaphore, #tpu.memory_space<semaphore_mem>>)
      tpu.wait_dma2 semaphore(%run_scoped3A : memref<!tpu.dma_semaphore, #tpu.memory_space<semaphore_mem>>) src(%arg3 : memref<125x128xf32, #tpu.memory_space<hbm>>) dst(%arg8 : memref<125x128xf32, #tpu.memory_space<vmem>>)
      tpu.yield
    }) : () -> ()
    %mul3A_1 = arith.constant 640 : i32
    %mul3A_2 = arith.muli %arg1, %mul3A_1 : i32
    %mul3A_3 = arith.constant 640 : i32
    %mul3A_4 = arith.muli %arg1, %mul3A_3 : i32
    "tpu.region"() ({
      %run_scoped3A = tpu.sem_alloc : memref<!tpu.dma_semaphore, #tpu.memory_space<semaphore_mem>>
      %dma_start3A = arith.constant 0 : i32
      %dma_start3A_16 = tpu.memref_slice %arg6[%mul3A_4, %dma_start3A] : memref<10240x128xf32, #tpu.memory_space<vmem_shared>> -> memref<640x128xf32, #tpu.memory_space<vmem_shared>>
      %dma_start3A_17 = arith.constant 0 : i32
      %dma_start3A_18 = tpu.memref_slice %arg4[%mul3A_2, %dma_start3A_17] : memref<10240x128xf32, #tpu.memory_space<hbm>> -> memref<640x128xf32, #tpu.memory_space<hbm>>
      tpu.enqueue_dma source(%dma_start3A_18 : memref<640x128xf32, #tpu.memory_space<hbm>>) target(%dma_start3A_16 : memref<640x128xf32, #tpu.memory_space<vmem_shared>>) target_semaphore(%run_scoped3A : memref<!tpu.dma_semaphore, #tpu.memory_space<semaphore_mem>>)
      %dma_wait3A = arith.constant 0 : i32
      %dma_wait3A_19 = tpu.memref_slice %arg6[%mul3A_4, %dma_wait3A] : memref<10240x128xf32, #tpu.memory_space<vmem_shared>> -> memref<640x128xf32, #tpu.memory_space<vmem_shared>>
      %dma_wait3A_20 = arith.constant 0 : i32
      %dma_wait3A_21 = tpu.memref_slice %arg4[%mul3A_2, %dma_wait3A_20] : memref<10240x128xf32, #tpu.memory_space<hbm>> -> memref<640x128xf32, #tpu.memory_space<hbm>>
      tpu.wait_dma2 semaphore(%run_scoped3A : memref<!tpu.dma_semaphore, #tpu.memory_space<semaphore_mem>>) src(%dma_wait3A_21 : memref<640x128xf32, #tpu.memory_space<hbm>>) dst(%dma_wait3A_19 : memref<640x128xf32, #tpu.memory_space<vmem_shared>>)
      tpu.yield
    }) : () -> ()
    %mul3A_5 = arith.constant 40 : i32
    %mul3A_6 = arith.muli %add3A, %mul3A_5 : i32
    "tpu.region"() ({
      %run_scoped3A = tpu.sem_alloc : memref<!tpu.dma_semaphore, #tpu.memory_space<semaphore_mem>>
      %dma_start3A = arith.constant 0 : i32
      %dma_start3A_16 = tpu.memref_slice %arg2[%mul3A_6, %dma_start3A] : memref<1280x125xi32, #tpu.memory_space<hbm>> -> memref<40x125xi32, #tpu.memory_space<hbm>>
      %dma_start3A_17 = arith.constant 0 : i32
      %dma_start3A_18 = tpu.memref_slice %arg2[%mul3A_6, %dma_start3A_17] : memref<1280x125xi32, #tpu.memory_space<hbm>> -> memref<40x125xi32, #tpu.memory_space<hbm>>
      tpu.enqueue_dma source(%dma_start3A_18 : memref<40x125xi32, #tpu.memory_space<hbm>>) target(%arg7 : memref<40x125xi32, #tpu.memory_space<vmem>>) target_semaphore(%run_scoped3A : memref<!tpu.dma_semaphore, #tpu.memory_space<semaphore_mem>>)
      %dma_wait3A = arith.constant 0 : i32
      %dma_wait3A_19 = tpu.memref_slice %arg2[%mul3A_6, %dma_wait3A] : memref<1280x125xi32, #tpu.memory_space<hbm>> -> memref<40x125xi32, #tpu.memory_space<hbm>>
      %dma_wait3A_20 = arith.constant 0 : i32
      %dma_wait3A_21 = tpu.memref_slice %arg2[%mul3A_6, %dma_wait3A_20] : memref<1280x125xi32, #tpu.memory_space<hbm>> -> memref<40x125xi32, #tpu.memory_space<hbm>>
      tpu.wait_dma2 semaphore(%run_scoped3A : memref<!tpu.dma_semaphore, #tpu.memory_space<semaphore_mem>>) src(%dma_wait3A_21 : memref<40x125xi32, #tpu.memory_space<hbm>>) dst(%arg7 : memref<40x125xi32, #tpu.memory_space<vmem>>)
      tpu.yield
    }) : () -> ()
    %barrier3A = arith.constant 0 : index
    tpu.barrier barrier_id(%barrier3A)
    %scan3A = arith.constant 0 : i32
    %scan3A_7 = arith.constant 40 : i32
    %scan3A_8 = arith.addi %scan3A, %scan3A_7 : i32
    %scan3A_9 = arith.constant 1 : i32
    scf.for %scan3A_16 = %scan3A to %scan3A_8 step %scan3A_9  : i32 {
      %mul3A_17 = arith.constant 1 : i32
      %mul3A_18 = arith.muli %scan3A_16, %mul3A_17 : i32
      %add3A_19 = arith.constant 0 : i32
      %add3A_20 = arith.addi %add3A_19, %mul3A_18 : i32
      "tpu.region"() ({
        %run_scoped3A = tpu.sem_alloc : memref<!tpu.dma_semaphore, #tpu.memory_space<semaphore_mem>>
        %dma_start3A = arith.constant 0 : i32
        %dma_start3A_21 = tpu.memref_slice %arg7[%add3A_20, %dma_start3A] : memref<40x125xi32, #tpu.memory_space<vmem>> -> memref<1x125xi32, #tpu.memory_space<vmem>>
        %dma_start3A_22 = tpu.memref_squeeze %dma_start3A_21 : memref<1x125xi32, #tpu.memory_space<vmem>> -> memref<125xi32, #tpu.memory_space<vmem>>
        %dma_start3A_23 = arith.constant 0 : i32
        %dma_start3A_24 = arith.constant 0 : i32
        %dma_start3A_25 = tpu.memref_slice %arg6[%dma_start3A_23, %dma_start3A_24] : memref<10240x128xf32, #tpu.memory_space<vmem_shared>> -> memref<10240x128xf32, #tpu.memory_space<vmem_shared>>
        tpu.enqueue_indirect_dma source(%arg8 : memref<125x128xf32, #tpu.memory_space<vmem>>) target(%dma_start3A_25 : memref<10240x128xf32, #tpu.memory_space<vmem_shared>>) offsets(%dma_start3A_22 : memref<125xi32, #tpu.memory_space<vmem>>) semaphore(%run_scoped3A : memref<!tpu.dma_semaphore, #tpu.memory_space<semaphore_mem>>) {add = true}
        %dma_wait3A = arith.constant 0 : i32
        %dma_wait3A_26 = tpu.memref_slice %arg7[%add3A_20, %dma_wait3A] : memref<40x125xi32, #tpu.memory_space<vmem>> -> memref<1x125xi32, #tpu.memory_space<vmem>>
        %dma_wait3A_27 = tpu.memref_squeeze %dma_wait3A_26 : memref<1x125xi32, #tpu.memory_space<vmem>> -> memref<125xi32, #tpu.memory_space<vmem>>
        %dma_wait3A_28 = arith.constant 0 : i32
        %dma_wait3A_29 = arith.constant 0 : i32
        %dma_wait3A_30 = tpu.memref_slice %arg6[%dma_wait3A_28, %dma_wait3A_29] : memref<10240x128xf32, #tpu.memory_space<vmem_shared>> -> memref<10240x128xf32, #tpu.memory_space<vmem_shared>>
        tpu.wait_indirect_dma semaphore(%run_scoped3A : memref<!tpu.dma_semaphore, #tpu.memory_space<semaphore_mem>>) src(%arg8 : memref<125x128xf32, #tpu.memory_space<vmem>>) dst(%dma_wait3A_30 : memref<10240x128xf32, #tpu.memory_space<vmem_shared>>)
        tpu.yield
      }) : () -> ()
    }
    %scan3A_10 = arith.constant 40 : i32
    %barrier3A_11 = arith.constant 0 : index
    tpu.barrier barrier_id(%barrier3A_11)
    %mul3A_12 = arith.constant 640 : i32
    %mul3A_13 = arith.muli %arg1, %mul3A_12 : i32
    %mul3A_14 = arith.constant 640 : i32
    %mul3A_15 = arith.muli %arg1, %mul3A_14 : i32
    "tpu.region"() ({
      %run_scoped3A = tpu.sem_alloc : memref<!tpu.dma_semaphore, #tpu.memory_space<semaphore_mem>>
      %dma_start3A = arith.constant 0 : i32
      %dma_start3A_16 = arith.constant 0 : i32
      %dma_start3A_17 = tpu.memref_slice %arg5[%arg0, %dma_start3A, %dma_start3A_16] : memref<2x10240x128xf32, #tpu.memory_space<hbm>> -> memref<1x10240x128xf32, #tpu.memory_space<hbm>>
      %dma_start3A_18 = tpu.memref_squeeze %dma_start3A_17 : memref<1x10240x128xf32, #tpu.memory_space<hbm>> -> memref<10240x128xf32, #tpu.memory_space<hbm>>
      %dma_start3A_19 = arith.constant 0 : i32
      %dma_start3A_20 = tpu.memref_slice %dma_start3A_18[%mul3A_15, %dma_start3A_19] : memref<10240x128xf32, #tpu.memory_space<hbm>> -> memref<640x128xf32, #tpu.memory_space<hbm>>
      %dma_start3A_21 = arith.constant 0 : i32
      %dma_start3A_22 = tpu.memref_slice %arg6[%mul3A_13, %dma_start3A_21] : memref<10240x128xf32, #tpu.memory_space<vmem_shared>> -> memref<640x128xf32, #tpu.memory_space<vmem_shared>>
      tpu.enqueue_dma source(%dma_start3A_22 : memref<640x128xf32, #tpu.memory_space<vmem_shared>>) target(%dma_start3A_20 : memref<640x128xf32, #tpu.memory_space<hbm>>) target_semaphore(%run_scoped3A : memref<!tpu.dma_semaphore, #tpu.memory_space<semaphore_mem>>)
      %dma_wait3A = arith.constant 0 : i32
      %dma_wait3A_23 = arith.constant 0 : i32
      %dma_wait3A_24 = tpu.memref_slice %arg5[%arg0, %dma_wait3A, %dma_wait3A_23] : memref<2x10240x128xf32, #tpu.memory_space<hbm>> -> memref<1x10240x128xf32, #tpu.memory_space<hbm>>
      %dma_wait3A_25 = tpu.memref_squeeze %dma_wait3A_24 : memref<1x10240x128xf32, #tpu.memory_space<hbm>> -> memref<10240x128xf32, #tpu.memory_space<hbm>>
      %dma_wait3A_26 = arith.constant 0 : i32
      %dma_wait3A_27 = tpu.memref_slice %dma_wait3A_25[%mul3A_15, %dma_wait3A_26] : memref<10240x128xf32, #tpu.memory_space<hbm>> -> memref<640x128xf32, #tpu.memory_space<hbm>>
      %dma_wait3A_28 = arith.constant 0 : i32
      %dma_wait3A_29 = tpu.memref_slice %arg6[%mul3A_13, %dma_wait3A_28] : memref<10240x128xf32, #tpu.memory_space<vmem_shared>> -> memref<640x128xf32, #tpu.memory_space<vmem_shared>>
      tpu.wait_dma2 semaphore(%run_scoped3A : memref<!tpu.dma_semaphore, #tpu.memory_space<semaphore_mem>>) src(%dma_wait3A_29 : memref<640x128xf32, #tpu.memory_space<vmem_shared>>) dst(%dma_wait3A_27 : memref<640x128xf32, #tpu.memory_space<hbm>>)
      tpu.yield
    }) : () -> ()
    return
  }
}

#map = affine_map<(d0, d1) -> (0, 0)>
#map1 = affine_map<(d0, d1) -> (0, 0, 0)>
module attributes {stable_mosaic.version = 14 : i64} {
  func.func @agg(%arg0: i32, %arg1: i32, %arg2: memref<1280x125xi32, #tpu.memory_space<hbm>>, %arg3: memref<1280x125xi32, #tpu.memory_space<hbm>>, %arg4: memref<10240x128xf32, #tpu.memory_space<hbm>>, %arg5: memref<10240x128xf32, #tpu.memory_space<hbm>>, %arg6: memref<10240x128xf32, #tpu.memory_space<hbm>>, %arg7: memref<2x10240x128xf32, #tpu.memory_space<hbm>>, %arg8: memref<2x10240x128xf32, #tpu.memory_space<hbm>>, %arg9: memref<10240x128xf32, #tpu.memory_space<vmem_shared>>, %arg10: memref<40x125xi32, #tpu.memory_space<vmem>>, %arg11: memref<40x125xi32, #tpu.memory_space<vmem>>, %arg12: memref<125x128xf32, #tpu.memory_space<vmem>>, %arg13: memref<125x128xf32, #tpu.memory_space<vmem>>, %arg14: memref<!tpu.dma_semaphore, #tpu.memory_space<semaphore_mem>>, %arg15: memref<!tpu.dma_semaphore, #tpu.memory_space<semaphore_mem>>) attributes {dimension_semantics = [#tpu.dimension_semantics<core_parallel>, #tpu.dimension_semantics<subcore_parallel>], iteration_bounds = array<i64: 2, 16>, scalar_prefetch = 0 : i64, scratch_operands = 7 : i64, tpu.core_type = #tpu.core_type<sc_vector_subcore>, window_params = [{transform_indices = #map}, {transform_indices = #map}, {transform_indices = #map}, {transform_indices = #map}, {transform_indices = #map}, {transform_indices = #map1}, {transform_indices = #map1}]} {
    %mul3A = arith.constant 16 : i32
    %mul3A_0 = arith.muli %arg0, %mul3A : i32
    %add3A = arith.addi %mul3A_0, %arg1 : i32
    %mul3A_1 = arith.constant 40 : i32
    %mul3A_2 = arith.muli %add3A, %mul3A_1 : i32
    "tpu.region"() ({
      %run_scoped3A = tpu.sem_alloc : memref<!tpu.dma_semaphore, #tpu.memory_space<semaphore_mem>>
      %dma_start3A_55 = arith.constant 0 : i32
      %dma_start3A_56 = tpu.memref_slice %arg2[%mul3A_2, %dma_start3A_55] : memref<1280x125xi32, #tpu.memory_space<hbm>> -> memref<40x125xi32, #tpu.memory_space<hbm>>
      %dma_start3A_57 = arith.constant 0 : i32
      %dma_start3A_58 = tpu.memref_slice %arg2[%mul3A_2, %dma_start3A_57] : memref<1280x125xi32, #tpu.memory_space<hbm>> -> memref<40x125xi32, #tpu.memory_space<hbm>>
      tpu.enqueue_dma source(%dma_start3A_58 : memref<40x125xi32, #tpu.memory_space<hbm>>) target(%arg10 : memref<40x125xi32, #tpu.memory_space<vmem>>) target_semaphore(%run_scoped3A : memref<!tpu.dma_semaphore, #tpu.memory_space<semaphore_mem>>)
      %dma_wait3A = arith.constant 0 : i32
      %dma_wait3A_59 = tpu.memref_slice %arg2[%mul3A_2, %dma_wait3A] : memref<1280x125xi32, #tpu.memory_space<hbm>> -> memref<40x125xi32, #tpu.memory_space<hbm>>
      %dma_wait3A_60 = arith.constant 0 : i32
      %dma_wait3A_61 = tpu.memref_slice %arg2[%mul3A_2, %dma_wait3A_60] : memref<1280x125xi32, #tpu.memory_space<hbm>> -> memref<40x125xi32, #tpu.memory_space<hbm>>
      tpu.wait_dma2 semaphore(%run_scoped3A : memref<!tpu.dma_semaphore, #tpu.memory_space<semaphore_mem>>) src(%dma_wait3A_61 : memref<40x125xi32, #tpu.memory_space<hbm>>) dst(%arg10 : memref<40x125xi32, #tpu.memory_space<vmem>>)
      tpu.yield
    }) : () -> ()
    %mul3A_3 = arith.constant 40 : i32
    %mul3A_4 = arith.muli %add3A, %mul3A_3 : i32
    "tpu.region"() ({
      %run_scoped3A = tpu.sem_alloc : memref<!tpu.dma_semaphore, #tpu.memory_space<semaphore_mem>>
      %dma_start3A_55 = arith.constant 0 : i32
      %dma_start3A_56 = tpu.memref_slice %arg3[%mul3A_4, %dma_start3A_55] : memref<1280x125xi32, #tpu.memory_space<hbm>> -> memref<40x125xi32, #tpu.memory_space<hbm>>
      %dma_start3A_57 = arith.constant 0 : i32
      %dma_start3A_58 = tpu.memref_slice %arg3[%mul3A_4, %dma_start3A_57] : memref<1280x125xi32, #tpu.memory_space<hbm>> -> memref<40x125xi32, #tpu.memory_space<hbm>>
      tpu.enqueue_dma source(%dma_start3A_58 : memref<40x125xi32, #tpu.memory_space<hbm>>) target(%arg11 : memref<40x125xi32, #tpu.memory_space<vmem>>) target_semaphore(%run_scoped3A : memref<!tpu.dma_semaphore, #tpu.memory_space<semaphore_mem>>)
      %dma_wait3A = arith.constant 0 : i32
      %dma_wait3A_59 = tpu.memref_slice %arg3[%mul3A_4, %dma_wait3A] : memref<1280x125xi32, #tpu.memory_space<hbm>> -> memref<40x125xi32, #tpu.memory_space<hbm>>
      %dma_wait3A_60 = arith.constant 0 : i32
      %dma_wait3A_61 = tpu.memref_slice %arg3[%mul3A_4, %dma_wait3A_60] : memref<1280x125xi32, #tpu.memory_space<hbm>> -> memref<40x125xi32, #tpu.memory_space<hbm>>
      tpu.wait_dma2 semaphore(%run_scoped3A : memref<!tpu.dma_semaphore, #tpu.memory_space<semaphore_mem>>) src(%dma_wait3A_61 : memref<40x125xi32, #tpu.memory_space<hbm>>) dst(%arg11 : memref<40x125xi32, #tpu.memory_space<vmem>>)
      tpu.yield
    }) : () -> ()
    %eq3A = arith.constant 0 : i32
    %eq3A_5 = arith.cmpi eq, %arg0, %eq3A : i32
    %convert_element_type3A = arith.extui %eq3A_5 : i1 to i32
    %cond3A = arith.constant 0 : i32
    %cond3A_6 = arith.cmpi ne, %convert_element_type3A, %cond3A : i32
    scf.if %cond3A_6 {
      %mul3A_55 = arith.constant 640 : i32
      %mul3A_56 = arith.muli %arg1, %mul3A_55 : i32
      %mul3A_57 = arith.constant 640 : i32
      %mul3A_58 = arith.muli %arg1, %mul3A_57 : i32
      "tpu.region"() ({
        %run_scoped3A = tpu.sem_alloc : memref<!tpu.dma_semaphore, #tpu.memory_space<semaphore_mem>>
        %dma_start3A_59 = arith.constant 0 : i32
        %dma_start3A_60 = tpu.memref_slice %arg9[%mul3A_58, %dma_start3A_59] : memref<10240x128xf32, #tpu.memory_space<vmem_shared>> -> memref<640x128xf32, #tpu.memory_space<vmem_shared>>
        %dma_start3A_61 = arith.constant 0 : i32
        %dma_start3A_62 = tpu.memref_slice %arg5[%mul3A_56, %dma_start3A_61] : memref<10240x128xf32, #tpu.memory_space<hbm>> -> memref<640x128xf32, #tpu.memory_space<hbm>>
        tpu.enqueue_dma source(%dma_start3A_62 : memref<640x128xf32, #tpu.memory_space<hbm>>) target(%dma_start3A_60 : memref<640x128xf32, #tpu.memory_space<vmem_shared>>) target_semaphore(%run_scoped3A : memref<!tpu.dma_semaphore, #tpu.memory_space<semaphore_mem>>)
        %dma_wait3A = arith.constant 0 : i32
        %dma_wait3A_63 = tpu.memref_slice %arg9[%mul3A_58, %dma_wait3A] : memref<10240x128xf32, #tpu.memory_space<vmem_shared>> -> memref<640x128xf32, #tpu.memory_space<vmem_shared>>
        %dma_wait3A_64 = arith.constant 0 : i32
        %dma_wait3A_65 = tpu.memref_slice %arg5[%mul3A_56, %dma_wait3A_64] : memref<10240x128xf32, #tpu.memory_space<hbm>> -> memref<640x128xf32, #tpu.memory_space<hbm>>
        tpu.wait_dma2 semaphore(%run_scoped3A : memref<!tpu.dma_semaphore, #tpu.memory_space<semaphore_mem>>) src(%dma_wait3A_65 : memref<640x128xf32, #tpu.memory_space<hbm>>) dst(%dma_wait3A_63 : memref<640x128xf32, #tpu.memory_space<vmem_shared>>)
        tpu.yield
      }) : () -> ()
    } else {
    }
    %ne3A = arith.constant 0 : i32
    %ne3A_7 = arith.cmpi ne, %arg0, %ne3A : i32
    %convert_element_type3A_8 = arith.extui %ne3A_7 : i1 to i32
    %cond3A_9 = arith.constant 0 : i32
    %cond3A_10 = arith.cmpi ne, %convert_element_type3A_8, %cond3A_9 : i32
    scf.if %cond3A_10 {
      %mul3A_55 = arith.constant 640 : i32
      %mul3A_56 = arith.muli %arg1, %mul3A_55 : i32
      %mul3A_57 = arith.constant 640 : i32
      %mul3A_58 = arith.muli %arg1, %mul3A_57 : i32
      "tpu.region"() ({
        %run_scoped3A = tpu.sem_alloc : memref<!tpu.dma_semaphore, #tpu.memory_space<semaphore_mem>>
        %dma_start3A_59 = arith.constant 0 : i32
        %dma_start3A_60 = tpu.memref_slice %arg9[%mul3A_58, %dma_start3A_59] : memref<10240x128xf32, #tpu.memory_space<vmem_shared>> -> memref<640x128xf32, #tpu.memory_space<vmem_shared>>
        %dma_start3A_61 = arith.constant 0 : i32
        %dma_start3A_62 = tpu.memref_slice %arg4[%mul3A_56, %dma_start3A_61] : memref<10240x128xf32, #tpu.memory_space<hbm>> -> memref<640x128xf32, #tpu.memory_space<hbm>>
        tpu.enqueue_dma source(%dma_start3A_62 : memref<640x128xf32, #tpu.memory_space<hbm>>) target(%dma_start3A_60 : memref<640x128xf32, #tpu.memory_space<vmem_shared>>) target_semaphore(%run_scoped3A : memref<!tpu.dma_semaphore, #tpu.memory_space<semaphore_mem>>)
        %dma_wait3A = arith.constant 0 : i32
        %dma_wait3A_63 = tpu.memref_slice %arg9[%mul3A_58, %dma_wait3A] : memref<10240x128xf32, #tpu.memory_space<vmem_shared>> -> memref<640x128xf32, #tpu.memory_space<vmem_shared>>
        %dma_wait3A_64 = arith.constant 0 : i32
        %dma_wait3A_65 = tpu.memref_slice %arg4[%mul3A_56, %dma_wait3A_64] : memref<10240x128xf32, #tpu.memory_space<hbm>> -> memref<640x128xf32, #tpu.memory_space<hbm>>
        tpu.wait_dma2 semaphore(%run_scoped3A : memref<!tpu.dma_semaphore, #tpu.memory_space<semaphore_mem>>) src(%dma_wait3A_65 : memref<640x128xf32, #tpu.memory_space<hbm>>) dst(%dma_wait3A_63 : memref<640x128xf32, #tpu.memory_space<vmem_shared>>)
        tpu.yield
      }) : () -> ()
    } else {
    }
    %barrier3A = arith.constant 0 : index
    tpu.barrier barrier_id(%barrier3A)
    %dma_start3A = arith.constant 0 : i32
    %dma_start3A_11 = arith.constant 0 : i32
    %dma_start3A_12 = tpu.memref_slice %arg10[%dma_start3A, %dma_start3A_11] : memref<40x125xi32, #tpu.memory_space<vmem>> -> memref<1x125xi32, #tpu.memory_space<vmem>>
    %dma_start3A_13 = tpu.memref_squeeze %dma_start3A_12 : memref<1x125xi32, #tpu.memory_space<vmem>> -> memref<125xi32, #tpu.memory_space<vmem>>
    %dma_start3A_14 = arith.constant 0 : i32
    %dma_start3A_15 = arith.constant 0 : i32
    %dma_start3A_16 = tpu.memref_slice %arg5[%dma_start3A_14, %dma_start3A_15] : memref<10240x128xf32, #tpu.memory_space<hbm>> -> memref<10240x128xf32, #tpu.memory_space<hbm>>
    tpu.enqueue_indirect_dma source(%dma_start3A_16 : memref<10240x128xf32, #tpu.memory_space<hbm>>) target(%arg12 : memref<125x128xf32, #tpu.memory_space<vmem>>) offsets(%dma_start3A_13 : memref<125xi32, #tpu.memory_space<vmem>>) semaphore(%arg14 : memref<!tpu.dma_semaphore, #tpu.memory_space<semaphore_mem>>)
    %scan3A = arith.constant 0 : i32
    %scan3A_17 = arith.constant 20 : i32
    %scan3A_18 = arith.addi %scan3A, %scan3A_17 : i32
    %scan3A_19 = arith.constant 1 : i32
    scf.for %scan3A_55 = %scan3A to %scan3A_18 step %scan3A_19  : i32 {
      %mul3A_56 = arith.constant 2 : i32
      %mul3A_57 = arith.muli %scan3A_55, %mul3A_56 : i32
      %add3A_58 = arith.constant 0 : i32
      %add3A_59 = arith.addi %add3A_58, %mul3A_57 : i32
      %add3A_60 = arith.constant 1 : i32
      %add3A_61 = arith.addi %add3A_59, %add3A_60 : i32
      %dma_start3A_62 = arith.constant 0 : i32
      %dma_start3A_63 = tpu.memref_slice %arg10[%add3A_61, %dma_start3A_62] : memref<40x125xi32, #tpu.memory_space<vmem>> -> memref<1x125xi32, #tpu.memory_space<vmem>>
      %dma_start3A_64 = tpu.memref_squeeze %dma_start3A_63 : memref<1x125xi32, #tpu.memory_space<vmem>> -> memref<125xi32, #tpu.memory_space<vmem>>
      %dma_start3A_65 = arith.constant 0 : i32
      %dma_start3A_66 = arith.constant 0 : i32
      %dma_start3A_67 = tpu.memref_slice %arg5[%dma_start3A_65, %dma_start3A_66] : memref<10240x128xf32, #tpu.memory_space<hbm>> -> memref<10240x128xf32, #tpu.memory_space<hbm>>
      tpu.enqueue_indirect_dma source(%dma_start3A_67 : memref<10240x128xf32, #tpu.memory_space<hbm>>) target(%arg13 : memref<125x128xf32, #tpu.memory_space<vmem>>) offsets(%dma_start3A_64 : memref<125xi32, #tpu.memory_space<vmem>>) semaphore(%arg15 : memref<!tpu.dma_semaphore, #tpu.memory_space<semaphore_mem>>)
      %dma_wait3A = arith.constant 0 : i32
      %dma_wait3A_68 = arith.constant 0 : i32
      %dma_wait3A_69 = tpu.memref_slice %arg10[%dma_wait3A, %dma_wait3A_68] : memref<40x125xi32, #tpu.memory_space<vmem>> -> memref<1x125xi32, #tpu.memory_space<vmem>>
      %dma_wait3A_70 = tpu.memref_squeeze %dma_wait3A_69 : memref<1x125xi32, #tpu.memory_space<vmem>> -> memref<125xi32, #tpu.memory_space<vmem>>
      %dma_wait3A_71 = arith.constant 0 : i32
      %dma_wait3A_72 = arith.constant 0 : i32
      %dma_wait3A_73 = tpu.memref_slice %arg5[%dma_wait3A_71, %dma_wait3A_72] : memref<10240x128xf32, #tpu.memory_space<hbm>> -> memref<10240x128xf32, #tpu.memory_space<hbm>>
      tpu.wait_indirect_dma semaphore(%arg14 : memref<!tpu.dma_semaphore, #tpu.memory_space<semaphore_mem>>) src(%dma_wait3A_73 : memref<10240x128xf32, #tpu.memory_space<hbm>>) dst(%arg12 : memref<125x128xf32, #tpu.memory_space<vmem>>)
      "tpu.region"() ({
        %run_scoped3A = tpu.sem_alloc : memref<!tpu.dma_semaphore, #tpu.memory_space<semaphore_mem>>
        %dma_start3A_89 = arith.constant 0 : i32
        %dma_start3A_90 = tpu.memref_slice %arg11[%add3A_59, %dma_start3A_89] : memref<40x125xi32, #tpu.memory_space<vmem>> -> memref<1x125xi32, #tpu.memory_space<vmem>>
        %dma_start3A_91 = tpu.memref_squeeze %dma_start3A_90 : memref<1x125xi32, #tpu.memory_space<vmem>> -> memref<125xi32, #tpu.memory_space<vmem>>
        %dma_start3A_92 = arith.constant 0 : i32
        %dma_start3A_93 = arith.constant 0 : i32
        %dma_start3A_94 = tpu.memref_slice %arg9[%dma_start3A_92, %dma_start3A_93] : memref<10240x128xf32, #tpu.memory_space<vmem_shared>> -> memref<10240x128xf32, #tpu.memory_space<vmem_shared>>
        tpu.enqueue_indirect_dma source(%arg12 : memref<125x128xf32, #tpu.memory_space<vmem>>) target(%dma_start3A_94 : memref<10240x128xf32, #tpu.memory_space<vmem_shared>>) offsets(%dma_start3A_91 : memref<125xi32, #tpu.memory_space<vmem>>) semaphore(%run_scoped3A : memref<!tpu.dma_semaphore, #tpu.memory_space<semaphore_mem>>) {add = true}
        %dma_wait3A_95 = arith.constant 0 : i32
        %dma_wait3A_96 = tpu.memref_slice %arg11[%add3A_59, %dma_wait3A_95] : memref<40x125xi32, #tpu.memory_space<vmem>> -> memref<1x125xi32, #tpu.memory_space<vmem>>
        %dma_wait3A_97 = tpu.memref_squeeze %dma_wait3A_96 : memref<1x125xi32, #tpu.memory_space<vmem>> -> memref<125xi32, #tpu.memory_space<vmem>>
        %dma_wait3A_98 = arith.constant 0 : i32
        %dma_wait3A_99 = arith.constant 0 : i32
        %dma_wait3A_100 = tpu.memref_slice %arg9[%dma_wait3A_98, %dma_wait3A_99] : memref<10240x128xf32, #tpu.memory_space<vmem_shared>> -> memref<10240x128xf32, #tpu.memory_space<vmem_shared>>
        tpu.wait_indirect_dma semaphore(%run_scoped3A : memref<!tpu.dma_semaphore, #tpu.memory_space<semaphore_mem>>) src(%arg12 : memref<125x128xf32, #tpu.memory_space<vmem>>) dst(%dma_wait3A_100 : memref<10240x128xf32, #tpu.memory_space<vmem_shared>>)
        tpu.yield
      }) : () -> ()
      %add3A_74 = arith.constant 2 : i32
      %add3A_75 = arith.addi %add3A_59, %add3A_74 : i32
      %lt3A = arith.constant 40 : i32
      %lt3A_76 = arith.cmpi slt, %add3A_75, %lt3A : i32
      %convert_element_type3A_77 = arith.extui %lt3A_76 : i1 to i32
      %cond3A_78 = arith.constant 0 : i32
      %cond3A_79 = arith.cmpi ne, %convert_element_type3A_77, %cond3A_78 : i32
      scf.if %cond3A_79 {
        %add3A_89 = arith.constant 2 : i32
        %add3A_90 = arith.addi %add3A_59, %add3A_89 : i32
        %dma_start3A_91 = arith.constant 0 : i32
        %dma_start3A_92 = tpu.memref_slice %arg10[%add3A_90, %dma_start3A_91] : memref<40x125xi32, #tpu.memory_space<vmem>> -> memref<1x125xi32, #tpu.memory_space<vmem>>
        %dma_start3A_93 = tpu.memref_squeeze %dma_start3A_92 : memref<1x125xi32, #tpu.memory_space<vmem>> -> memref<125xi32, #tpu.memory_space<vmem>>
        %dma_start3A_94 = arith.constant 0 : i32
        %dma_start3A_95 = arith.constant 0 : i32
        %dma_start3A_96 = tpu.memref_slice %arg5[%dma_start3A_94, %dma_start3A_95] : memref<10240x128xf32, #tpu.memory_space<hbm>> -> memref<10240x128xf32, #tpu.memory_space<hbm>>
        tpu.enqueue_indirect_dma source(%dma_start3A_96 : memref<10240x128xf32, #tpu.memory_space<hbm>>) target(%arg12 : memref<125x128xf32, #tpu.memory_space<vmem>>) offsets(%dma_start3A_93 : memref<125xi32, #tpu.memory_space<vmem>>) semaphore(%arg14 : memref<!tpu.dma_semaphore, #tpu.memory_space<semaphore_mem>>)
      } else {
      }
      %dma_wait3A_80 = arith.constant 0 : i32
      %dma_wait3A_81 = arith.constant 0 : i32
      %dma_wait3A_82 = tpu.memref_slice %arg10[%dma_wait3A_80, %dma_wait3A_81] : memref<40x125xi32, #tpu.memory_space<vmem>> -> memref<1x125xi32, #tpu.memory_space<vmem>>
      %dma_wait3A_83 = tpu.memref_squeeze %dma_wait3A_82 : memref<1x125xi32, #tpu.memory_space<vmem>> -> memref<125xi32, #tpu.memory_space<vmem>>
      %dma_wait3A_84 = arith.constant 0 : i32
      %dma_wait3A_85 = arith.constant 0 : i32
      %dma_wait3A_86 = tpu.memref_slice %arg5[%dma_wait3A_84, %dma_wait3A_85] : memref<10240x128xf32, #tpu.memory_space<hbm>> -> memref<10240x128xf32, #tpu.memory_space<hbm>>
      tpu.wait_indirect_dma semaphore(%arg15 : memref<!tpu.dma_semaphore, #tpu.memory_space<semaphore_mem>>) src(%dma_wait3A_86 : memref<10240x128xf32, #tpu.memory_space<hbm>>) dst(%arg13 : memref<125x128xf32, #tpu.memory_space<vmem>>)
      %add3A_87 = arith.constant 1 : i32
      %add3A_88 = arith.addi %add3A_59, %add3A_87 : i32
      "tpu.region"() ({
        %run_scoped3A = tpu.sem_alloc : memref<!tpu.dma_semaphore, #tpu.memory_space<semaphore_mem>>
        %dma_start3A_89 = arith.constant 0 : i32
        %dma_start3A_90 = tpu.memref_slice %arg11[%add3A_88, %dma_start3A_89] : memref<40x125xi32, #tpu.memory_space<vmem>> -> memref<1x125xi32, #tpu.memory_space<vmem>>
        %dma_start3A_91 = tpu.memref_squeeze %dma_start3A_90 : memref<1x125xi32, #tpu.memory_space<vmem>> -> memref<125xi32, #tpu.memory_space<vmem>>
        %dma_start3A_92 = arith.constant 0 : i32
        %dma_start3A_93 = arith.constant 0 : i32
        %dma_start3A_94 = tpu.memref_slice %arg9[%dma_start3A_92, %dma_start3A_93] : memref<10240x128xf32, #tpu.memory_space<vmem_shared>> -> memref<10240x128xf32, #tpu.memory_space<vmem_shared>>
        tpu.enqueue_indirect_dma source(%arg13 : memref<125x128xf32, #tpu.memory_space<vmem>>) target(%dma_start3A_94 : memref<10240x128xf32, #tpu.memory_space<vmem_shared>>) offsets(%dma_start3A_91 : memref<125xi32, #tpu.memory_space<vmem>>) semaphore(%run_scoped3A : memref<!tpu.dma_semaphore, #tpu.memory_space<semaphore_mem>>) {add = true}
        %dma_wait3A_95 = arith.constant 0 : i32
        %dma_wait3A_96 = tpu.memref_slice %arg11[%add3A_88, %dma_wait3A_95] : memref<40x125xi32, #tpu.memory_space<vmem>> -> memref<1x125xi32, #tpu.memory_space<vmem>>
        %dma_wait3A_97 = tpu.memref_squeeze %dma_wait3A_96 : memref<1x125xi32, #tpu.memory_space<vmem>> -> memref<125xi32, #tpu.memory_space<vmem>>
        %dma_wait3A_98 = arith.constant 0 : i32
        %dma_wait3A_99 = arith.constant 0 : i32
        %dma_wait3A_100 = tpu.memref_slice %arg9[%dma_wait3A_98, %dma_wait3A_99] : memref<10240x128xf32, #tpu.memory_space<vmem_shared>> -> memref<10240x128xf32, #tpu.memory_space<vmem_shared>>
        tpu.wait_indirect_dma semaphore(%run_scoped3A : memref<!tpu.dma_semaphore, #tpu.memory_space<semaphore_mem>>) src(%arg13 : memref<125x128xf32, #tpu.memory_space<vmem>>) dst(%dma_wait3A_100 : memref<10240x128xf32, #tpu.memory_space<vmem_shared>>)
        tpu.yield
      }) : () -> ()
    }
    %scan3A_20 = arith.constant 20 : i32
    %dma_start3A_21 = arith.constant 0 : i32
    %dma_start3A_22 = arith.constant 0 : i32
    %dma_start3A_23 = tpu.memref_slice %arg10[%dma_start3A_21, %dma_start3A_22] : memref<40x125xi32, #tpu.memory_space<vmem>> -> memref<1x125xi32, #tpu.memory_space<vmem>>
    %dma_start3A_24 = tpu.memref_squeeze %dma_start3A_23 : memref<1x125xi32, #tpu.memory_space<vmem>> -> memref<125xi32, #tpu.memory_space<vmem>>
    %dma_start3A_25 = arith.constant 0 : i32
    %dma_start3A_26 = arith.constant 0 : i32
    %dma_start3A_27 = tpu.memref_slice %arg6[%dma_start3A_25, %dma_start3A_26] : memref<10240x128xf32, #tpu.memory_space<hbm>> -> memref<10240x128xf32, #tpu.memory_space<hbm>>
    tpu.enqueue_indirect_dma source(%dma_start3A_27 : memref<10240x128xf32, #tpu.memory_space<hbm>>) target(%arg12 : memref<125x128xf32, #tpu.memory_space<vmem>>) offsets(%dma_start3A_24 : memref<125xi32, #tpu.memory_space<vmem>>) semaphore(%arg14 : memref<!tpu.dma_semaphore, #tpu.memory_space<semaphore_mem>>)
    %barrier3A_28 = arith.constant 0 : index
    tpu.barrier barrier_id(%barrier3A_28)
    %mul3A_29 = arith.constant 640 : i32
    %mul3A_30 = arith.muli %arg1, %mul3A_29 : i32
    %mul3A_31 = arith.constant 640 : i32
    %mul3A_32 = arith.muli %arg1, %mul3A_31 : i32
    "tpu.region"() ({
      %run_scoped3A = tpu.sem_alloc : memref<!tpu.dma_semaphore, #tpu.memory_space<semaphore_mem>>
      %dma_start3A_55 = arith.constant 0 : i32
      %dma_start3A_56 = arith.constant 0 : i32
      %dma_start3A_57 = tpu.memref_slice %arg7[%arg0, %dma_start3A_55, %dma_start3A_56] : memref<2x10240x128xf32, #tpu.memory_space<hbm>> -> memref<1x10240x128xf32, #tpu.memory_space<hbm>>
      %dma_start3A_58 = tpu.memref_squeeze %dma_start3A_57 : memref<1x10240x128xf32, #tpu.memory_space<hbm>> -> memref<10240x128xf32, #tpu.memory_space<hbm>>
      %dma_start3A_59 = arith.constant 0 : i32
      %dma_start3A_60 = tpu.memref_slice %dma_start3A_58[%mul3A_32, %dma_start3A_59] : memref<10240x128xf32, #tpu.memory_space<hbm>> -> memref<640x128xf32, #tpu.memory_space<hbm>>
      %dma_start3A_61 = arith.constant 0 : i32
      %dma_start3A_62 = tpu.memref_slice %arg9[%mul3A_30, %dma_start3A_61] : memref<10240x128xf32, #tpu.memory_space<vmem_shared>> -> memref<640x128xf32, #tpu.memory_space<vmem_shared>>
      tpu.enqueue_dma source(%dma_start3A_62 : memref<640x128xf32, #tpu.memory_space<vmem_shared>>) target(%dma_start3A_60 : memref<640x128xf32, #tpu.memory_space<hbm>>) target_semaphore(%run_scoped3A : memref<!tpu.dma_semaphore, #tpu.memory_space<semaphore_mem>>)
      %dma_wait3A = arith.constant 0 : i32
      %dma_wait3A_63 = arith.constant 0 : i32
      %dma_wait3A_64 = tpu.memref_slice %arg7[%arg0, %dma_wait3A, %dma_wait3A_63] : memref<2x10240x128xf32, #tpu.memory_space<hbm>> -> memref<1x10240x128xf32, #tpu.memory_space<hbm>>
      %dma_wait3A_65 = tpu.memref_squeeze %dma_wait3A_64 : memref<1x10240x128xf32, #tpu.memory_space<hbm>> -> memref<10240x128xf32, #tpu.memory_space<hbm>>
      %dma_wait3A_66 = arith.constant 0 : i32
      %dma_wait3A_67 = tpu.memref_slice %dma_wait3A_65[%mul3A_32, %dma_wait3A_66] : memref<10240x128xf32, #tpu.memory_space<hbm>> -> memref<640x128xf32, #tpu.memory_space<hbm>>
      %dma_wait3A_68 = arith.constant 0 : i32
      %dma_wait3A_69 = tpu.memref_slice %arg9[%mul3A_30, %dma_wait3A_68] : memref<10240x128xf32, #tpu.memory_space<vmem_shared>> -> memref<640x128xf32, #tpu.memory_space<vmem_shared>>
      tpu.wait_dma2 semaphore(%run_scoped3A : memref<!tpu.dma_semaphore, #tpu.memory_space<semaphore_mem>>) src(%dma_wait3A_69 : memref<640x128xf32, #tpu.memory_space<vmem_shared>>) dst(%dma_wait3A_67 : memref<640x128xf32, #tpu.memory_space<hbm>>)
      tpu.yield
    }) : () -> ()
    %barrier3A_33 = arith.constant 0 : index
    tpu.barrier barrier_id(%barrier3A_33)
    %eq3A_34 = arith.constant 0 : i32
    %eq3A_35 = arith.cmpi eq, %arg0, %eq3A_34 : i32
    %convert_element_type3A_36 = arith.extui %eq3A_35 : i1 to i32
    %cond3A_37 = arith.constant 0 : i32
    %cond3A_38 = arith.cmpi ne, %convert_element_type3A_36, %cond3A_37 : i32
    scf.if %cond3A_38 {
      %mul3A_55 = arith.constant 640 : i32
      %mul3A_56 = arith.muli %arg1, %mul3A_55 : i32
      %mul3A_57 = arith.constant 640 : i32
      %mul3A_58 = arith.muli %arg1, %mul3A_57 : i32
      "tpu.region"() ({
        %run_scoped3A = tpu.sem_alloc : memref<!tpu.dma_semaphore, #tpu.memory_space<semaphore_mem>>
        %dma_start3A_59 = arith.constant 0 : i32
        %dma_start3A_60 = tpu.memref_slice %arg9[%mul3A_58, %dma_start3A_59] : memref<10240x128xf32, #tpu.memory_space<vmem_shared>> -> memref<640x128xf32, #tpu.memory_space<vmem_shared>>
        %dma_start3A_61 = arith.constant 0 : i32
        %dma_start3A_62 = tpu.memref_slice %arg6[%mul3A_56, %dma_start3A_61] : memref<10240x128xf32, #tpu.memory_space<hbm>> -> memref<640x128xf32, #tpu.memory_space<hbm>>
        tpu.enqueue_dma source(%dma_start3A_62 : memref<640x128xf32, #tpu.memory_space<hbm>>) target(%dma_start3A_60 : memref<640x128xf32, #tpu.memory_space<vmem_shared>>) target_semaphore(%run_scoped3A : memref<!tpu.dma_semaphore, #tpu.memory_space<semaphore_mem>>)
        %dma_wait3A = arith.constant 0 : i32
        %dma_wait3A_63 = tpu.memref_slice %arg9[%mul3A_58, %dma_wait3A] : memref<10240x128xf32, #tpu.memory_space<vmem_shared>> -> memref<640x128xf32, #tpu.memory_space<vmem_shared>>
        %dma_wait3A_64 = arith.constant 0 : i32
        %dma_wait3A_65 = tpu.memref_slice %arg6[%mul3A_56, %dma_wait3A_64] : memref<10240x128xf32, #tpu.memory_space<hbm>> -> memref<640x128xf32, #tpu.memory_space<hbm>>
        tpu.wait_dma2 semaphore(%run_scoped3A : memref<!tpu.dma_semaphore, #tpu.memory_space<semaphore_mem>>) src(%dma_wait3A_65 : memref<640x128xf32, #tpu.memory_space<hbm>>) dst(%dma_wait3A_63 : memref<640x128xf32, #tpu.memory_space<vmem_shared>>)
        tpu.yield
      }) : () -> ()
    } else {
    }
    %ne3A_39 = arith.constant 0 : i32
    %ne3A_40 = arith.cmpi ne, %arg0, %ne3A_39 : i32
    %convert_element_type3A_41 = arith.extui %ne3A_40 : i1 to i32
    %cond3A_42 = arith.constant 0 : i32
    %cond3A_43 = arith.cmpi ne, %convert_element_type3A_41, %cond3A_42 : i32
    scf.if %cond3A_43 {
      %mul3A_55 = arith.constant 640 : i32
      %mul3A_56 = arith.muli %arg1, %mul3A_55 : i32
      %mul3A_57 = arith.constant 640 : i32
      %mul3A_58 = arith.muli %arg1, %mul3A_57 : i32
      "tpu.region"() ({
        %run_scoped3A = tpu.sem_alloc : memref<!tpu.dma_semaphore, #tpu.memory_space<semaphore_mem>>
        %dma_start3A_59 = arith.constant 0 : i32
        %dma_start3A_60 = tpu.memref_slice %arg9[%mul3A_58, %dma_start3A_59] : memref<10240x128xf32, #tpu.memory_space<vmem_shared>> -> memref<640x128xf32, #tpu.memory_space<vmem_shared>>
        %dma_start3A_61 = arith.constant 0 : i32
        %dma_start3A_62 = tpu.memref_slice %arg4[%mul3A_56, %dma_start3A_61] : memref<10240x128xf32, #tpu.memory_space<hbm>> -> memref<640x128xf32, #tpu.memory_space<hbm>>
        tpu.enqueue_dma source(%dma_start3A_62 : memref<640x128xf32, #tpu.memory_space<hbm>>) target(%dma_start3A_60 : memref<640x128xf32, #tpu.memory_space<vmem_shared>>) target_semaphore(%run_scoped3A : memref<!tpu.dma_semaphore, #tpu.memory_space<semaphore_mem>>)
        %dma_wait3A = arith.constant 0 : i32
        %dma_wait3A_63 = tpu.memref_slice %arg9[%mul3A_58, %dma_wait3A] : memref<10240x128xf32, #tpu.memory_space<vmem_shared>> -> memref<640x128xf32, #tpu.memory_space<vmem_shared>>
        %dma_wait3A_64 = arith.constant 0 : i32
        %dma_wait3A_65 = tpu.memref_slice %arg4[%mul3A_56, %dma_wait3A_64] : memref<10240x128xf32, #tpu.memory_space<hbm>> -> memref<640x128xf32, #tpu.memory_space<hbm>>
        tpu.wait_dma2 semaphore(%run_scoped3A : memref<!tpu.dma_semaphore, #tpu.memory_space<semaphore_mem>>) src(%dma_wait3A_65 : memref<640x128xf32, #tpu.memory_space<hbm>>) dst(%dma_wait3A_63 : memref<640x128xf32, #tpu.memory_space<vmem_shared>>)
        tpu.yield
      }) : () -> ()
    } else {
    }
    %barrier3A_44 = arith.constant 0 : index
    tpu.barrier barrier_id(%barrier3A_44)
    %scan3A_45 = arith.constant 0 : i32
    %scan3A_46 = arith.constant 20 : i32
    %scan3A_47 = arith.addi %scan3A_45, %scan3A_46 : i32
    %scan3A_48 = arith.constant 1 : i32
    scf.for %scan3A_55 = %scan3A_45 to %scan3A_47 step %scan3A_48  : i32 {
      %mul3A_56 = arith.constant 2 : i32
      %mul3A_57 = arith.muli %scan3A_55, %mul3A_56 : i32
      %add3A_58 = arith.constant 0 : i32
      %add3A_59 = arith.addi %add3A_58, %mul3A_57 : i32
      %add3A_60 = arith.constant 1 : i32
      %add3A_61 = arith.addi %add3A_59, %add3A_60 : i32
      %dma_start3A_62 = arith.constant 0 : i32
      %dma_start3A_63 = tpu.memref_slice %arg10[%add3A_61, %dma_start3A_62] : memref<40x125xi32, #tpu.memory_space<vmem>> -> memref<1x125xi32, #tpu.memory_space<vmem>>
      %dma_start3A_64 = tpu.memref_squeeze %dma_start3A_63 : memref<1x125xi32, #tpu.memory_space<vmem>> -> memref<125xi32, #tpu.memory_space<vmem>>
      %dma_start3A_65 = arith.constant 0 : i32
      %dma_start3A_66 = arith.constant 0 : i32
      %dma_start3A_67 = tpu.memref_slice %arg6[%dma_start3A_65, %dma_start3A_66] : memref<10240x128xf32, #tpu.memory_space<hbm>> -> memref<10240x128xf32, #tpu.memory_space<hbm>>
      tpu.enqueue_indirect_dma source(%dma_start3A_67 : memref<10240x128xf32, #tpu.memory_space<hbm>>) target(%arg13 : memref<125x128xf32, #tpu.memory_space<vmem>>) offsets(%dma_start3A_64 : memref<125xi32, #tpu.memory_space<vmem>>) semaphore(%arg15 : memref<!tpu.dma_semaphore, #tpu.memory_space<semaphore_mem>>)
      %dma_wait3A = arith.constant 0 : i32
      %dma_wait3A_68 = arith.constant 0 : i32
      %dma_wait3A_69 = tpu.memref_slice %arg10[%dma_wait3A, %dma_wait3A_68] : memref<40x125xi32, #tpu.memory_space<vmem>> -> memref<1x125xi32, #tpu.memory_space<vmem>>
      %dma_wait3A_70 = tpu.memref_squeeze %dma_wait3A_69 : memref<1x125xi32, #tpu.memory_space<vmem>> -> memref<125xi32, #tpu.memory_space<vmem>>
      %dma_wait3A_71 = arith.constant 0 : i32
      %dma_wait3A_72 = arith.constant 0 : i32
      %dma_wait3A_73 = tpu.memref_slice %arg6[%dma_wait3A_71, %dma_wait3A_72] : memref<10240x128xf32, #tpu.memory_space<hbm>> -> memref<10240x128xf32, #tpu.memory_space<hbm>>
      tpu.wait_indirect_dma semaphore(%arg14 : memref<!tpu.dma_semaphore, #tpu.memory_space<semaphore_mem>>) src(%dma_wait3A_73 : memref<10240x128xf32, #tpu.memory_space<hbm>>) dst(%arg12 : memref<125x128xf32, #tpu.memory_space<vmem>>)
      "tpu.region"() ({
        %run_scoped3A = tpu.sem_alloc : memref<!tpu.dma_semaphore, #tpu.memory_space<semaphore_mem>>
        %dma_start3A_89 = arith.constant 0 : i32
        %dma_start3A_90 = tpu.memref_slice %arg11[%add3A_59, %dma_start3A_89] : memref<40x125xi32, #tpu.memory_space<vmem>> -> memref<1x125xi32, #tpu.memory_space<vmem>>
        %dma_start3A_91 = tpu.memref_squeeze %dma_start3A_90 : memref<1x125xi32, #tpu.memory_space<vmem>> -> memref<125xi32, #tpu.memory_space<vmem>>
        %dma_start3A_92 = arith.constant 0 : i32
        %dma_start3A_93 = arith.constant 0 : i32
        %dma_start3A_94 = tpu.memref_slice %arg9[%dma_start3A_92, %dma_start3A_93] : memref<10240x128xf32, #tpu.memory_space<vmem_shared>> -> memref<10240x128xf32, #tpu.memory_space<vmem_shared>>
        tpu.enqueue_indirect_dma source(%arg12 : memref<125x128xf32, #tpu.memory_space<vmem>>) target(%dma_start3A_94 : memref<10240x128xf32, #tpu.memory_space<vmem_shared>>) offsets(%dma_start3A_91 : memref<125xi32, #tpu.memory_space<vmem>>) semaphore(%run_scoped3A : memref<!tpu.dma_semaphore, #tpu.memory_space<semaphore_mem>>) {add = true}
        %dma_wait3A_95 = arith.constant 0 : i32
        %dma_wait3A_96 = tpu.memref_slice %arg11[%add3A_59, %dma_wait3A_95] : memref<40x125xi32, #tpu.memory_space<vmem>> -> memref<1x125xi32, #tpu.memory_space<vmem>>
        %dma_wait3A_97 = tpu.memref_squeeze %dma_wait3A_96 : memref<1x125xi32, #tpu.memory_space<vmem>> -> memref<125xi32, #tpu.memory_space<vmem>>
        %dma_wait3A_98 = arith.constant 0 : i32
        %dma_wait3A_99 = arith.constant 0 : i32
        %dma_wait3A_100 = tpu.memref_slice %arg9[%dma_wait3A_98, %dma_wait3A_99] : memref<10240x128xf32, #tpu.memory_space<vmem_shared>> -> memref<10240x128xf32, #tpu.memory_space<vmem_shared>>
        tpu.wait_indirect_dma semaphore(%run_scoped3A : memref<!tpu.dma_semaphore, #tpu.memory_space<semaphore_mem>>) src(%arg12 : memref<125x128xf32, #tpu.memory_space<vmem>>) dst(%dma_wait3A_100 : memref<10240x128xf32, #tpu.memory_space<vmem_shared>>)
        tpu.yield
      }) : () -> ()
      %add3A_74 = arith.constant 2 : i32
      %add3A_75 = arith.addi %add3A_59, %add3A_74 : i32
      %lt3A = arith.constant 40 : i32
      %lt3A_76 = arith.cmpi slt, %add3A_75, %lt3A : i32
      %convert_element_type3A_77 = arith.extui %lt3A_76 : i1 to i32
      %cond3A_78 = arith.constant 0 : i32
      %cond3A_79 = arith.cmpi ne, %convert_element_type3A_77, %cond3A_78 : i32
      scf.if %cond3A_79 {
        %add3A_89 = arith.constant 2 : i32
        %add3A_90 = arith.addi %add3A_59, %add3A_89 : i32
        %dma_start3A_91 = arith.constant 0 : i32
        %dma_start3A_92 = tpu.memref_slice %arg10[%add3A_90, %dma_start3A_91] : memref<40x125xi32, #tpu.memory_space<vmem>> -> memref<1x125xi32, #tpu.memory_space<vmem>>
        %dma_start3A_93 = tpu.memref_squeeze %dma_start3A_92 : memref<1x125xi32, #tpu.memory_space<vmem>> -> memref<125xi32, #tpu.memory_space<vmem>>
        %dma_start3A_94 = arith.constant 0 : i32
        %dma_start3A_95 = arith.constant 0 : i32
        %dma_start3A_96 = tpu.memref_slice %arg6[%dma_start3A_94, %dma_start3A_95] : memref<10240x128xf32, #tpu.memory_space<hbm>> -> memref<10240x128xf32, #tpu.memory_space<hbm>>
        tpu.enqueue_indirect_dma source(%dma_start3A_96 : memref<10240x128xf32, #tpu.memory_space<hbm>>) target(%arg12 : memref<125x128xf32, #tpu.memory_space<vmem>>) offsets(%dma_start3A_93 : memref<125xi32, #tpu.memory_space<vmem>>) semaphore(%arg14 : memref<!tpu.dma_semaphore, #tpu.memory_space<semaphore_mem>>)
      } else {
      }
      %dma_wait3A_80 = arith.constant 0 : i32
      %dma_wait3A_81 = arith.constant 0 : i32
      %dma_wait3A_82 = tpu.memref_slice %arg10[%dma_wait3A_80, %dma_wait3A_81] : memref<40x125xi32, #tpu.memory_space<vmem>> -> memref<1x125xi32, #tpu.memory_space<vmem>>
      %dma_wait3A_83 = tpu.memref_squeeze %dma_wait3A_82 : memref<1x125xi32, #tpu.memory_space<vmem>> -> memref<125xi32, #tpu.memory_space<vmem>>
      %dma_wait3A_84 = arith.constant 0 : i32
      %dma_wait3A_85 = arith.constant 0 : i32
      %dma_wait3A_86 = tpu.memref_slice %arg6[%dma_wait3A_84, %dma_wait3A_85] : memref<10240x128xf32, #tpu.memory_space<hbm>> -> memref<10240x128xf32, #tpu.memory_space<hbm>>
      tpu.wait_indirect_dma semaphore(%arg15 : memref<!tpu.dma_semaphore, #tpu.memory_space<semaphore_mem>>) src(%dma_wait3A_86 : memref<10240x128xf32, #tpu.memory_space<hbm>>) dst(%arg13 : memref<125x128xf32, #tpu.memory_space<vmem>>)
      %add3A_87 = arith.constant 1 : i32
      %add3A_88 = arith.addi %add3A_59, %add3A_87 : i32
      "tpu.region"() ({
        %run_scoped3A = tpu.sem_alloc : memref<!tpu.dma_semaphore, #tpu.memory_space<semaphore_mem>>
        %dma_start3A_89 = arith.constant 0 : i32
        %dma_start3A_90 = tpu.memref_slice %arg11[%add3A_88, %dma_start3A_89] : memref<40x125xi32, #tpu.memory_space<vmem>> -> memref<1x125xi32, #tpu.memory_space<vmem>>
        %dma_start3A_91 = tpu.memref_squeeze %dma_start3A_90 : memref<1x125xi32, #tpu.memory_space<vmem>> -> memref<125xi32, #tpu.memory_space<vmem>>
        %dma_start3A_92 = arith.constant 0 : i32
        %dma_start3A_93 = arith.constant 0 : i32
        %dma_start3A_94 = tpu.memref_slice %arg9[%dma_start3A_92, %dma_start3A_93] : memref<10240x128xf32, #tpu.memory_space<vmem_shared>> -> memref<10240x128xf32, #tpu.memory_space<vmem_shared>>
        tpu.enqueue_indirect_dma source(%arg13 : memref<125x128xf32, #tpu.memory_space<vmem>>) target(%dma_start3A_94 : memref<10240x128xf32, #tpu.memory_space<vmem_shared>>) offsets(%dma_start3A_91 : memref<125xi32, #tpu.memory_space<vmem>>) semaphore(%run_scoped3A : memref<!tpu.dma_semaphore, #tpu.memory_space<semaphore_mem>>) {add = true}
        %dma_wait3A_95 = arith.constant 0 : i32
        %dma_wait3A_96 = tpu.memref_slice %arg11[%add3A_88, %dma_wait3A_95] : memref<40x125xi32, #tpu.memory_space<vmem>> -> memref<1x125xi32, #tpu.memory_space<vmem>>
        %dma_wait3A_97 = tpu.memref_squeeze %dma_wait3A_96 : memref<1x125xi32, #tpu.memory_space<vmem>> -> memref<125xi32, #tpu.memory_space<vmem>>
        %dma_wait3A_98 = arith.constant 0 : i32
        %dma_wait3A_99 = arith.constant 0 : i32
        %dma_wait3A_100 = tpu.memref_slice %arg9[%dma_wait3A_98, %dma_wait3A_99] : memref<10240x128xf32, #tpu.memory_space<vmem_shared>> -> memref<10240x128xf32, #tpu.memory_space<vmem_shared>>
        tpu.wait_indirect_dma semaphore(%run_scoped3A : memref<!tpu.dma_semaphore, #tpu.memory_space<semaphore_mem>>) src(%arg13 : memref<125x128xf32, #tpu.memory_space<vmem>>) dst(%dma_wait3A_100 : memref<10240x128xf32, #tpu.memory_space<vmem_shared>>)
        tpu.yield
      }) : () -> ()
    }
    %scan3A_49 = arith.constant 20 : i32
    %barrier3A_50 = arith.constant 0 : index
    tpu.barrier barrier_id(%barrier3A_50)
    %mul3A_51 = arith.constant 640 : i32
    %mul3A_52 = arith.muli %arg1, %mul3A_51 : i32
    %mul3A_53 = arith.constant 640 : i32
    %mul3A_54 = arith.muli %arg1, %mul3A_53 : i32
    "tpu.region"() ({
      %run_scoped3A = tpu.sem_alloc : memref<!tpu.dma_semaphore, #tpu.memory_space<semaphore_mem>>
      %dma_start3A_55 = arith.constant 0 : i32
      %dma_start3A_56 = arith.constant 0 : i32
      %dma_start3A_57 = tpu.memref_slice %arg8[%arg0, %dma_start3A_55, %dma_start3A_56] : memref<2x10240x128xf32, #tpu.memory_space<hbm>> -> memref<1x10240x128xf32, #tpu.memory_space<hbm>>
      %dma_start3A_58 = tpu.memref_squeeze %dma_start3A_57 : memref<1x10240x128xf32, #tpu.memory_space<hbm>> -> memref<10240x128xf32, #tpu.memory_space<hbm>>
      %dma_start3A_59 = arith.constant 0 : i32
      %dma_start3A_60 = tpu.memref_slice %dma_start3A_58[%mul3A_54, %dma_start3A_59] : memref<10240x128xf32, #tpu.memory_space<hbm>> -> memref<640x128xf32, #tpu.memory_space<hbm>>
      %dma_start3A_61 = arith.constant 0 : i32
      %dma_start3A_62 = tpu.memref_slice %arg9[%mul3A_52, %dma_start3A_61] : memref<10240x128xf32, #tpu.memory_space<vmem_shared>> -> memref<640x128xf32, #tpu.memory_space<vmem_shared>>
      tpu.enqueue_dma source(%dma_start3A_62 : memref<640x128xf32, #tpu.memory_space<vmem_shared>>) target(%dma_start3A_60 : memref<640x128xf32, #tpu.memory_space<hbm>>) target_semaphore(%run_scoped3A : memref<!tpu.dma_semaphore, #tpu.memory_space<semaphore_mem>>)
      %dma_wait3A = arith.constant 0 : i32
      %dma_wait3A_63 = arith.constant 0 : i32
      %dma_wait3A_64 = tpu.memref_slice %arg8[%arg0, %dma_wait3A, %dma_wait3A_63] : memref<2x10240x128xf32, #tpu.memory_space<hbm>> -> memref<1x10240x128xf32, #tpu.memory_space<hbm>>
      %dma_wait3A_65 = tpu.memref_squeeze %dma_wait3A_64 : memref<1x10240x128xf32, #tpu.memory_space<hbm>> -> memref<10240x128xf32, #tpu.memory_space<hbm>>
      %dma_wait3A_66 = arith.constant 0 : i32
      %dma_wait3A_67 = tpu.memref_slice %dma_wait3A_65[%mul3A_54, %dma_wait3A_66] : memref<10240x128xf32, #tpu.memory_space<hbm>> -> memref<640x128xf32, #tpu.memory_space<hbm>>
      %dma_wait3A_68 = arith.constant 0 : i32
      %dma_wait3A_69 = tpu.memref_slice %arg9[%mul3A_52, %dma_wait3A_68] : memref<10240x128xf32, #tpu.memory_space<vmem_shared>> -> memref<640x128xf32, #tpu.memory_space<vmem_shared>>
      tpu.wait_dma2 semaphore(%run_scoped3A : memref<!tpu.dma_semaphore, #tpu.memory_space<semaphore_mem>>) src(%dma_wait3A_69 : memref<640x128xf32, #tpu.memory_space<vmem_shared>>) dst(%dma_wait3A_67 : memref<640x128xf32, #tpu.memory_space<hbm>>)
      tpu.yield
    }) : () -> ()
    return
  }
}

#map = affine_map<(d0, d1) -> (0, 0)>
#map1 = affine_map<(d0, d1) -> (0, 0, 0)>
module attributes {stable_mosaic.version = 14 : i64} {
  func.func @agg(%arg0: i32, %arg1: i32, %arg2: memref<1280x125xi32, #tpu.memory_space<hbm>>, %arg3: memref<1280x125xi32, #tpu.memory_space<hbm>>, %arg4: memref<10240x128xf32, #tpu.memory_space<hbm>>, %arg5: memref<10240x128xf32, #tpu.memory_space<hbm>>, %arg6: memref<10240x128xf32, #tpu.memory_space<hbm>>, %arg7: memref<10240x128xf32, #tpu.memory_space<hbm>>, %arg8: memref<10240x128xf32, #tpu.memory_space<hbm>>, %arg9: memref<2x10240x128xf32, #tpu.memory_space<hbm>>, %arg10: memref<2x10240x128xf32, #tpu.memory_space<hbm>>, %arg11: memref<2x10240x128xf32, #tpu.memory_space<hbm>>, %arg12: memref<2x10240x128xf32, #tpu.memory_space<hbm>>, %arg13: memref<10240x128xf32, #tpu.memory_space<vmem_shared>>, %arg14: memref<40x125xi32, #tpu.memory_space<vmem>>, %arg15: memref<40x125xi32, #tpu.memory_space<vmem>>, %arg16: memref<125x128xf32, #tpu.memory_space<vmem>>, %arg17: memref<125x128xf32, #tpu.memory_space<vmem>>, %arg18: memref<!tpu.dma_semaphore, #tpu.memory_space<semaphore_mem>>, %arg19: memref<!tpu.dma_semaphore, #tpu.memory_space<semaphore_mem>>) attributes {dimension_semantics = [#tpu.dimension_semantics<core_parallel>, #tpu.dimension_semantics<subcore_parallel>], iteration_bounds = array<i64: 2, 16>, scalar_prefetch = 0 : i64, scratch_operands = 7 : i64, tpu.core_type = #tpu.core_type<sc_vector_subcore>, window_params = [{transform_indices = #map}, {transform_indices = #map}, {transform_indices = #map}, {transform_indices = #map}, {transform_indices = #map}, {transform_indices = #map}, {transform_indices = #map}, {transform_indices = #map1}, {transform_indices = #map1}, {transform_indices = #map1}, {transform_indices = #map1}]} {
    %mul3A = arith.constant 16 : i32
    %mul3A_0 = arith.muli %arg0, %mul3A : i32
    %add3A = arith.addi %mul3A_0, %arg1 : i32
    %mul3A_1 = arith.constant 40 : i32
    %mul3A_2 = arith.muli %add3A, %mul3A_1 : i32
    "tpu.region"() ({
      %run_scoped3A = tpu.sem_alloc : memref<!tpu.dma_semaphore, #tpu.memory_space<semaphore_mem>>
      %dma_start3A_113 = arith.constant 0 : i32
      %dma_start3A_114 = tpu.memref_slice %arg2[%mul3A_2, %dma_start3A_113] : memref<1280x125xi32, #tpu.memory_space<hbm>> -> memref<40x125xi32, #tpu.memory_space<hbm>>
      %dma_start3A_115 = arith.constant 0 : i32
      %dma_start3A_116 = tpu.memref_slice %arg2[%mul3A_2, %dma_start3A_115] : memref<1280x125xi32, #tpu.memory_space<hbm>> -> memref<40x125xi32, #tpu.memory_space<hbm>>
      tpu.enqueue_dma source(%dma_start3A_116 : memref<40x125xi32, #tpu.memory_space<hbm>>) target(%arg14 : memref<40x125xi32, #tpu.memory_space<vmem>>) target_semaphore(%run_scoped3A : memref<!tpu.dma_semaphore, #tpu.memory_space<semaphore_mem>>)
      %dma_wait3A = arith.constant 0 : i32
      %dma_wait3A_117 = tpu.memref_slice %arg2[%mul3A_2, %dma_wait3A] : memref<1280x125xi32, #tpu.memory_space<hbm>> -> memref<40x125xi32, #tpu.memory_space<hbm>>
      %dma_wait3A_118 = arith.constant 0 : i32
      %dma_wait3A_119 = tpu.memref_slice %arg2[%mul3A_2, %dma_wait3A_118] : memref<1280x125xi32, #tpu.memory_space<hbm>> -> memref<40x125xi32, #tpu.memory_space<hbm>>
      tpu.wait_dma2 semaphore(%run_scoped3A : memref<!tpu.dma_semaphore, #tpu.memory_space<semaphore_mem>>) src(%dma_wait3A_119 : memref<40x125xi32, #tpu.memory_space<hbm>>) dst(%arg14 : memref<40x125xi32, #tpu.memory_space<vmem>>)
      tpu.yield
    }) : () -> ()
    %mul3A_3 = arith.constant 40 : i32
    %mul3A_4 = arith.muli %add3A, %mul3A_3 : i32
    "tpu.region"() ({
      %run_scoped3A = tpu.sem_alloc : memref<!tpu.dma_semaphore, #tpu.memory_space<semaphore_mem>>
      %dma_start3A_113 = arith.constant 0 : i32
      %dma_start3A_114 = tpu.memref_slice %arg3[%mul3A_4, %dma_start3A_113] : memref<1280x125xi32, #tpu.memory_space<hbm>> -> memref<40x125xi32, #tpu.memory_space<hbm>>
      %dma_start3A_115 = arith.constant 0 : i32
      %dma_start3A_116 = tpu.memref_slice %arg3[%mul3A_4, %dma_start3A_115] : memref<1280x125xi32, #tpu.memory_space<hbm>> -> memref<40x125xi32, #tpu.memory_space<hbm>>
      tpu.enqueue_dma source(%dma_start3A_116 : memref<40x125xi32, #tpu.memory_space<hbm>>) target(%arg15 : memref<40x125xi32, #tpu.memory_space<vmem>>) target_semaphore(%run_scoped3A : memref<!tpu.dma_semaphore, #tpu.memory_space<semaphore_mem>>)
      %dma_wait3A = arith.constant 0 : i32
      %dma_wait3A_117 = tpu.memref_slice %arg3[%mul3A_4, %dma_wait3A] : memref<1280x125xi32, #tpu.memory_space<hbm>> -> memref<40x125xi32, #tpu.memory_space<hbm>>
      %dma_wait3A_118 = arith.constant 0 : i32
      %dma_wait3A_119 = tpu.memref_slice %arg3[%mul3A_4, %dma_wait3A_118] : memref<1280x125xi32, #tpu.memory_space<hbm>> -> memref<40x125xi32, #tpu.memory_space<hbm>>
      tpu.wait_dma2 semaphore(%run_scoped3A : memref<!tpu.dma_semaphore, #tpu.memory_space<semaphore_mem>>) src(%dma_wait3A_119 : memref<40x125xi32, #tpu.memory_space<hbm>>) dst(%arg15 : memref<40x125xi32, #tpu.memory_space<vmem>>)
      tpu.yield
    }) : () -> ()
    %eq3A = arith.constant 0 : i32
    %eq3A_5 = arith.cmpi eq, %arg0, %eq3A : i32
    %convert_element_type3A = arith.extui %eq3A_5 : i1 to i32
    %cond3A = arith.constant 0 : i32
    %cond3A_6 = arith.cmpi ne, %convert_element_type3A, %cond3A : i32
    scf.if %cond3A_6 {
      %mul3A_113 = arith.constant 640 : i32
      %mul3A_114 = arith.muli %arg1, %mul3A_113 : i32
      %mul3A_115 = arith.constant 640 : i32
      %mul3A_116 = arith.muli %arg1, %mul3A_115 : i32
      "tpu.region"() ({
        %run_scoped3A = tpu.sem_alloc : memref<!tpu.dma_semaphore, #tpu.memory_space<semaphore_mem>>
        %dma_start3A_117 = arith.constant 0 : i32
        %dma_start3A_118 = tpu.memref_slice %arg13[%mul3A_116, %dma_start3A_117] : memref<10240x128xf32, #tpu.memory_space<vmem_shared>> -> memref<640x128xf32, #tpu.memory_space<vmem_shared>>
        %dma_start3A_119 = arith.constant 0 : i32
        %dma_start3A_120 = tpu.memref_slice %arg5[%mul3A_114, %dma_start3A_119] : memref<10240x128xf32, #tpu.memory_space<hbm>> -> memref<640x128xf32, #tpu.memory_space<hbm>>
        tpu.enqueue_dma source(%dma_start3A_120 : memref<640x128xf32, #tpu.memory_space<hbm>>) target(%dma_start3A_118 : memref<640x128xf32, #tpu.memory_space<vmem_shared>>) target_semaphore(%run_scoped3A : memref<!tpu.dma_semaphore, #tpu.memory_space<semaphore_mem>>)
        %dma_wait3A = arith.constant 0 : i32
        %dma_wait3A_121 = tpu.memref_slice %arg13[%mul3A_116, %dma_wait3A] : memref<10240x128xf32, #tpu.memory_space<vmem_shared>> -> memref<640x128xf32, #tpu.memory_space<vmem_shared>>
        %dma_wait3A_122 = arith.constant 0 : i32
        %dma_wait3A_123 = tpu.memref_slice %arg5[%mul3A_114, %dma_wait3A_122] : memref<10240x128xf32, #tpu.memory_space<hbm>> -> memref<640x128xf32, #tpu.memory_space<hbm>>
        tpu.wait_dma2 semaphore(%run_scoped3A : memref<!tpu.dma_semaphore, #tpu.memory_space<semaphore_mem>>) src(%dma_wait3A_123 : memref<640x128xf32, #tpu.memory_space<hbm>>) dst(%dma_wait3A_121 : memref<640x128xf32, #tpu.memory_space<vmem_shared>>)
        tpu.yield
      }) : () -> ()
    } else {
    }
    %ne3A = arith.constant 0 : i32
    %ne3A_7 = arith.cmpi ne, %arg0, %ne3A : i32
    %convert_element_type3A_8 = arith.extui %ne3A_7 : i1 to i32
    %cond3A_9 = arith.constant 0 : i32
    %cond3A_10 = arith.cmpi ne, %convert_element_type3A_8, %cond3A_9 : i32
    scf.if %cond3A_10 {
      %mul3A_113 = arith.constant 640 : i32
      %mul3A_114 = arith.muli %arg1, %mul3A_113 : i32
      %mul3A_115 = arith.constant 640 : i32
      %mul3A_116 = arith.muli %arg1, %mul3A_115 : i32
      "tpu.region"() ({
        %run_scoped3A = tpu.sem_alloc : memref<!tpu.dma_semaphore, #tpu.memory_space<semaphore_mem>>
        %dma_start3A_117 = arith.constant 0 : i32
        %dma_start3A_118 = tpu.memref_slice %arg13[%mul3A_116, %dma_start3A_117] : memref<10240x128xf32, #tpu.memory_space<vmem_shared>> -> memref<640x128xf32, #tpu.memory_space<vmem_shared>>
        %dma_start3A_119 = arith.constant 0 : i32
        %dma_start3A_120 = tpu.memref_slice %arg4[%mul3A_114, %dma_start3A_119] : memref<10240x128xf32, #tpu.memory_space<hbm>> -> memref<640x128xf32, #tpu.memory_space<hbm>>
        tpu.enqueue_dma source(%dma_start3A_120 : memref<640x128xf32, #tpu.memory_space<hbm>>) target(%dma_start3A_118 : memref<640x128xf32, #tpu.memory_space<vmem_shared>>) target_semaphore(%run_scoped3A : memref<!tpu.dma_semaphore, #tpu.memory_space<semaphore_mem>>)
        %dma_wait3A = arith.constant 0 : i32
        %dma_wait3A_121 = tpu.memref_slice %arg13[%mul3A_116, %dma_wait3A] : memref<10240x128xf32, #tpu.memory_space<vmem_shared>> -> memref<640x128xf32, #tpu.memory_space<vmem_shared>>
        %dma_wait3A_122 = arith.constant 0 : i32
        %dma_wait3A_123 = tpu.memref_slice %arg4[%mul3A_114, %dma_wait3A_122] : memref<10240x128xf32, #tpu.memory_space<hbm>> -> memref<640x128xf32, #tpu.memory_space<hbm>>
        tpu.wait_dma2 semaphore(%run_scoped3A : memref<!tpu.dma_semaphore, #tpu.memory_space<semaphore_mem>>) src(%dma_wait3A_123 : memref<640x128xf32, #tpu.memory_space<hbm>>) dst(%dma_wait3A_121 : memref<640x128xf32, #tpu.memory_space<vmem_shared>>)
        tpu.yield
      }) : () -> ()
    } else {
    }
    %barrier3A = arith.constant 0 : index
    tpu.barrier barrier_id(%barrier3A)
    %dma_start3A = arith.constant 0 : i32
    %dma_start3A_11 = arith.constant 0 : i32
    %dma_start3A_12 = tpu.memref_slice %arg14[%dma_start3A, %dma_start3A_11] : memref<40x125xi32, #tpu.memory_space<vmem>> -> memref<1x125xi32, #tpu.memory_space<vmem>>
    %dma_start3A_13 = tpu.memref_squeeze %dma_start3A_12 : memref<1x125xi32, #tpu.memory_space<vmem>> -> memref<125xi32, #tpu.memory_space<vmem>>
    %dma_start3A_14 = arith.constant 0 : i32
    %dma_start3A_15 = arith.constant 0 : i32
    %dma_start3A_16 = tpu.memref_slice %arg5[%dma_start3A_14, %dma_start3A_15] : memref<10240x128xf32, #tpu.memory_space<hbm>> -> memref<10240x128xf32, #tpu.memory_space<hbm>>
    tpu.enqueue_indirect_dma source(%dma_start3A_16 : memref<10240x128xf32, #tpu.memory_space<hbm>>) target(%arg16 : memref<125x128xf32, #tpu.memory_space<vmem>>) offsets(%dma_start3A_13 : memref<125xi32, #tpu.memory_space<vmem>>) semaphore(%arg18 : memref<!tpu.dma_semaphore, #tpu.memory_space<semaphore_mem>>)
    %scan3A = arith.constant 0 : i32
    %scan3A_17 = arith.constant 20 : i32
    %scan3A_18 = arith.addi %scan3A, %scan3A_17 : i32
    %scan3A_19 = arith.constant 1 : i32
    scf.for %scan3A_113 = %scan3A to %scan3A_18 step %scan3A_19  : i32 {
      %mul3A_114 = arith.constant 2 : i32
      %mul3A_115 = arith.muli %scan3A_113, %mul3A_114 : i32
      %add3A_116 = arith.constant 0 : i32
      %add3A_117 = arith.addi %add3A_116, %mul3A_115 : i32
      %add3A_118 = arith.constant 1 : i32
      %add3A_119 = arith.addi %add3A_117, %add3A_118 : i32
      %dma_start3A_120 = arith.constant 0 : i32
      %dma_start3A_121 = tpu.memref_slice %arg14[%add3A_119, %dma_start3A_120] : memref<40x125xi32, #tpu.memory_space<vmem>> -> memref<1x125xi32, #tpu.memory_space<vmem>>
      %dma_start3A_122 = tpu.memref_squeeze %dma_start3A_121 : memref<1x125xi32, #tpu.memory_space<vmem>> -> memref<125xi32, #tpu.memory_space<vmem>>
      %dma_start3A_123 = arith.constant 0 : i32
      %dma_start3A_124 = arith.constant 0 : i32
      %dma_start3A_125 = tpu.memref_slice %arg5[%dma_start3A_123, %dma_start3A_124] : memref<10240x128xf32, #tpu.memory_space<hbm>> -> memref<10240x128xf32, #tpu.memory_space<hbm>>
      tpu.enqueue_indirect_dma source(%dma_start3A_125 : memref<10240x128xf32, #tpu.memory_space<hbm>>) target(%arg17 : memref<125x128xf32, #tpu.memory_space<vmem>>) offsets(%dma_start3A_122 : memref<125xi32, #tpu.memory_space<vmem>>) semaphore(%arg19 : memref<!tpu.dma_semaphore, #tpu.memory_space<semaphore_mem>>)
      %dma_wait3A = arith.constant 0 : i32
      %dma_wait3A_126 = arith.constant 0 : i32
      %dma_wait3A_127 = tpu.memref_slice %arg14[%dma_wait3A, %dma_wait3A_126] : memref<40x125xi32, #tpu.memory_space<vmem>> -> memref<1x125xi32, #tpu.memory_space<vmem>>
      %dma_wait3A_128 = tpu.memref_squeeze %dma_wait3A_127 : memref<1x125xi32, #tpu.memory_space<vmem>> -> memref<125xi32, #tpu.memory_space<vmem>>
      %dma_wait3A_129 = arith.constant 0 : i32
      %dma_wait3A_130 = arith.constant 0 : i32
      %dma_wait3A_131 = tpu.memref_slice %arg5[%dma_wait3A_129, %dma_wait3A_130] : memref<10240x128xf32, #tpu.memory_space<hbm>> -> memref<10240x128xf32, #tpu.memory_space<hbm>>
      tpu.wait_indirect_dma semaphore(%arg18 : memref<!tpu.dma_semaphore, #tpu.memory_space<semaphore_mem>>) src(%dma_wait3A_131 : memref<10240x128xf32, #tpu.memory_space<hbm>>) dst(%arg16 : memref<125x128xf32, #tpu.memory_space<vmem>>)
      "tpu.region"() ({
        %run_scoped3A = tpu.sem_alloc : memref<!tpu.dma_semaphore, #tpu.memory_space<semaphore_mem>>
        %dma_start3A_147 = arith.constant 0 : i32
        %dma_start3A_148 = tpu.memref_slice %arg15[%add3A_117, %dma_start3A_147] : memref<40x125xi32, #tpu.memory_space<vmem>> -> memref<1x125xi32, #tpu.memory_space<vmem>>
        %dma_start3A_149 = tpu.memref_squeeze %dma_start3A_148 : memref<1x125xi32, #tpu.memory_space<vmem>> -> memref<125xi32, #tpu.memory_space<vmem>>
        %dma_start3A_150 = arith.constant 0 : i32
        %dma_start3A_151 = arith.constant 0 : i32
        %dma_start3A_152 = tpu.memref_slice %arg13[%dma_start3A_150, %dma_start3A_151] : memref<10240x128xf32, #tpu.memory_space<vmem_shared>> -> memref<10240x128xf32, #tpu.memory_space<vmem_shared>>
        tpu.enqueue_indirect_dma source(%arg16 : memref<125x128xf32, #tpu.memory_space<vmem>>) target(%dma_start3A_152 : memref<10240x128xf32, #tpu.memory_space<vmem_shared>>) offsets(%dma_start3A_149 : memref<125xi32, #tpu.memory_space<vmem>>) semaphore(%run_scoped3A : memref<!tpu.dma_semaphore, #tpu.memory_space<semaphore_mem>>) {add = true}
        %dma_wait3A_153 = arith.constant 0 : i32
        %dma_wait3A_154 = tpu.memref_slice %arg15[%add3A_117, %dma_wait3A_153] : memref<40x125xi32, #tpu.memory_space<vmem>> -> memref<1x125xi32, #tpu.memory_space<vmem>>
        %dma_wait3A_155 = tpu.memref_squeeze %dma_wait3A_154 : memref<1x125xi32, #tpu.memory_space<vmem>> -> memref<125xi32, #tpu.memory_space<vmem>>
        %dma_wait3A_156 = arith.constant 0 : i32
        %dma_wait3A_157 = arith.constant 0 : i32
        %dma_wait3A_158 = tpu.memref_slice %arg13[%dma_wait3A_156, %dma_wait3A_157] : memref<10240x128xf32, #tpu.memory_space<vmem_shared>> -> memref<10240x128xf32, #tpu.memory_space<vmem_shared>>
        tpu.wait_indirect_dma semaphore(%run_scoped3A : memref<!tpu.dma_semaphore, #tpu.memory_space<semaphore_mem>>) src(%arg16 : memref<125x128xf32, #tpu.memory_space<vmem>>) dst(%dma_wait3A_158 : memref<10240x128xf32, #tpu.memory_space<vmem_shared>>)
        tpu.yield
      }) : () -> ()
      %add3A_132 = arith.constant 2 : i32
      %add3A_133 = arith.addi %add3A_117, %add3A_132 : i32
      %lt3A = arith.constant 40 : i32
      %lt3A_134 = arith.cmpi slt, %add3A_133, %lt3A : i32
      %convert_element_type3A_135 = arith.extui %lt3A_134 : i1 to i32
      %cond3A_136 = arith.constant 0 : i32
      %cond3A_137 = arith.cmpi ne, %convert_element_type3A_135, %cond3A_136 : i32
      scf.if %cond3A_137 {
        %add3A_147 = arith.constant 2 : i32
        %add3A_148 = arith.addi %add3A_117, %add3A_147 : i32
        %dma_start3A_149 = arith.constant 0 : i32
        %dma_start3A_150 = tpu.memref_slice %arg14[%add3A_148, %dma_start3A_149] : memref<40x125xi32, #tpu.memory_space<vmem>> -> memref<1x125xi32, #tpu.memory_space<vmem>>
        %dma_start3A_151 = tpu.memref_squeeze %dma_start3A_150 : memref<1x125xi32, #tpu.memory_space<vmem>> -> memref<125xi32, #tpu.memory_space<vmem>>
        %dma_start3A_152 = arith.constant 0 : i32
        %dma_start3A_153 = arith.constant 0 : i32
        %dma_start3A_154 = tpu.memref_slice %arg5[%dma_start3A_152, %dma_start3A_153] : memref<10240x128xf32, #tpu.memory_space<hbm>> -> memref<10240x128xf32, #tpu.memory_space<hbm>>
        tpu.enqueue_indirect_dma source(%dma_start3A_154 : memref<10240x128xf32, #tpu.memory_space<hbm>>) target(%arg16 : memref<125x128xf32, #tpu.memory_space<vmem>>) offsets(%dma_start3A_151 : memref<125xi32, #tpu.memory_space<vmem>>) semaphore(%arg18 : memref<!tpu.dma_semaphore, #tpu.memory_space<semaphore_mem>>)
      } else {
      }
      %dma_wait3A_138 = arith.constant 0 : i32
      %dma_wait3A_139 = arith.constant 0 : i32
      %dma_wait3A_140 = tpu.memref_slice %arg14[%dma_wait3A_138, %dma_wait3A_139] : memref<40x125xi32, #tpu.memory_space<vmem>> -> memref<1x125xi32, #tpu.memory_space<vmem>>
      %dma_wait3A_141 = tpu.memref_squeeze %dma_wait3A_140 : memref<1x125xi32, #tpu.memory_space<vmem>> -> memref<125xi32, #tpu.memory_space<vmem>>
      %dma_wait3A_142 = arith.constant 0 : i32
      %dma_wait3A_143 = arith.constant 0 : i32
      %dma_wait3A_144 = tpu.memref_slice %arg5[%dma_wait3A_142, %dma_wait3A_143] : memref<10240x128xf32, #tpu.memory_space<hbm>> -> memref<10240x128xf32, #tpu.memory_space<hbm>>
      tpu.wait_indirect_dma semaphore(%arg19 : memref<!tpu.dma_semaphore, #tpu.memory_space<semaphore_mem>>) src(%dma_wait3A_144 : memref<10240x128xf32, #tpu.memory_space<hbm>>) dst(%arg17 : memref<125x128xf32, #tpu.memory_space<vmem>>)
      %add3A_145 = arith.constant 1 : i32
      %add3A_146 = arith.addi %add3A_117, %add3A_145 : i32
      "tpu.region"() ({
        %run_scoped3A = tpu.sem_alloc : memref<!tpu.dma_semaphore, #tpu.memory_space<semaphore_mem>>
        %dma_start3A_147 = arith.constant 0 : i32
        %dma_start3A_148 = tpu.memref_slice %arg15[%add3A_146, %dma_start3A_147] : memref<40x125xi32, #tpu.memory_space<vmem>> -> memref<1x125xi32, #tpu.memory_space<vmem>>
        %dma_start3A_149 = tpu.memref_squeeze %dma_start3A_148 : memref<1x125xi32, #tpu.memory_space<vmem>> -> memref<125xi32, #tpu.memory_space<vmem>>
        %dma_start3A_150 = arith.constant 0 : i32
        %dma_start3A_151 = arith.constant 0 : i32
        %dma_start3A_152 = tpu.memref_slice %arg13[%dma_start3A_150, %dma_start3A_151] : memref<10240x128xf32, #tpu.memory_space<vmem_shared>> -> memref<10240x128xf32, #tpu.memory_space<vmem_shared>>
        tpu.enqueue_indirect_dma source(%arg17 : memref<125x128xf32, #tpu.memory_space<vmem>>) target(%dma_start3A_152 : memref<10240x128xf32, #tpu.memory_space<vmem_shared>>) offsets(%dma_start3A_149 : memref<125xi32, #tpu.memory_space<vmem>>) semaphore(%run_scoped3A : memref<!tpu.dma_semaphore, #tpu.memory_space<semaphore_mem>>) {add = true}
        %dma_wait3A_153 = arith.constant 0 : i32
        %dma_wait3A_154 = tpu.memref_slice %arg15[%add3A_146, %dma_wait3A_153] : memref<40x125xi32, #tpu.memory_space<vmem>> -> memref<1x125xi32, #tpu.memory_space<vmem>>
        %dma_wait3A_155 = tpu.memref_squeeze %dma_wait3A_154 : memref<1x125xi32, #tpu.memory_space<vmem>> -> memref<125xi32, #tpu.memory_space<vmem>>
        %dma_wait3A_156 = arith.constant 0 : i32
        %dma_wait3A_157 = arith.constant 0 : i32
        %dma_wait3A_158 = tpu.memref_slice %arg13[%dma_wait3A_156, %dma_wait3A_157] : memref<10240x128xf32, #tpu.memory_space<vmem_shared>> -> memref<10240x128xf32, #tpu.memory_space<vmem_shared>>
        tpu.wait_indirect_dma semaphore(%run_scoped3A : memref<!tpu.dma_semaphore, #tpu.memory_space<semaphore_mem>>) src(%arg17 : memref<125x128xf32, #tpu.memory_space<vmem>>) dst(%dma_wait3A_158 : memref<10240x128xf32, #tpu.memory_space<vmem_shared>>)
        tpu.yield
      }) : () -> ()
    }
    %scan3A_20 = arith.constant 20 : i32
    %dma_start3A_21 = arith.constant 0 : i32
    %dma_start3A_22 = arith.constant 0 : i32
    %dma_start3A_23 = tpu.memref_slice %arg14[%dma_start3A_21, %dma_start3A_22] : memref<40x125xi32, #tpu.memory_space<vmem>> -> memref<1x125xi32, #tpu.memory_space<vmem>>
    %dma_start3A_24 = tpu.memref_squeeze %dma_start3A_23 : memref<1x125xi32, #tpu.memory_space<vmem>> -> memref<125xi32, #tpu.memory_space<vmem>>
    %dma_start3A_25 = arith.constant 0 : i32
    %dma_start3A_26 = arith.constant 0 : i32
    %dma_start3A_27 = tpu.memref_slice %arg6[%dma_start3A_25, %dma_start3A_26] : memref<10240x128xf32, #tpu.memory_space<hbm>> -> memref<10240x128xf32, #tpu.memory_space<hbm>>
    tpu.enqueue_indirect_dma source(%dma_start3A_27 : memref<10240x128xf32, #tpu.memory_space<hbm>>) target(%arg16 : memref<125x128xf32, #tpu.memory_space<vmem>>) offsets(%dma_start3A_24 : memref<125xi32, #tpu.memory_space<vmem>>) semaphore(%arg18 : memref<!tpu.dma_semaphore, #tpu.memory_space<semaphore_mem>>)
    %barrier3A_28 = arith.constant 0 : index
    tpu.barrier barrier_id(%barrier3A_28)
    %mul3A_29 = arith.constant 640 : i32
    %mul3A_30 = arith.muli %arg1, %mul3A_29 : i32
    %mul3A_31 = arith.constant 640 : i32
    %mul3A_32 = arith.muli %arg1, %mul3A_31 : i32
    "tpu.region"() ({
      %run_scoped3A = tpu.sem_alloc : memref<!tpu.dma_semaphore, #tpu.memory_space<semaphore_mem>>
      %dma_start3A_113 = arith.constant 0 : i32
      %dma_start3A_114 = arith.constant 0 : i32
      %dma_start3A_115 = tpu.memref_slice %arg9[%arg0, %dma_start3A_113, %dma_start3A_114] : memref<2x10240x128xf32, #tpu.memory_space<hbm>> -> memref<1x10240x128xf32, #tpu.memory_space<hbm>>
      %dma_start3A_116 = tpu.memref_squeeze %dma_start3A_115 : memref<1x10240x128xf32, #tpu.memory_space<hbm>> -> memref<10240x128xf32, #tpu.memory_space<hbm>>
      %dma_start3A_117 = arith.constant 0 : i32
      %dma_start3A_118 = tpu.memref_slice %dma_start3A_116[%mul3A_32, %dma_start3A_117] : memref<10240x128xf32, #tpu.memory_space<hbm>> -> memref<640x128xf32, #tpu.memory_space<hbm>>
      %dma_start3A_119 = arith.constant 0 : i32
      %dma_start3A_120 = tpu.memref_slice %arg13[%mul3A_30, %dma_start3A_119] : memref<10240x128xf32, #tpu.memory_space<vmem_shared>> -> memref<640x128xf32, #tpu.memory_space<vmem_shared>>
      tpu.enqueue_dma source(%dma_start3A_120 : memref<640x128xf32, #tpu.memory_space<vmem_shared>>) target(%dma_start3A_118 : memref<640x128xf32, #tpu.memory_space<hbm>>) target_semaphore(%run_scoped3A : memref<!tpu.dma_semaphore, #tpu.memory_space<semaphore_mem>>)
      %dma_wait3A = arith.constant 0 : i32
      %dma_wait3A_121 = arith.constant 0 : i32
      %dma_wait3A_122 = tpu.memref_slice %arg9[%arg0, %dma_wait3A, %dma_wait3A_121] : memref<2x10240x128xf32, #tpu.memory_space<hbm>> -> memref<1x10240x128xf32, #tpu.memory_space<hbm>>
      %dma_wait3A_123 = tpu.memref_squeeze %dma_wait3A_122 : memref<1x10240x128xf32, #tpu.memory_space<hbm>> -> memref<10240x128xf32, #tpu.memory_space<hbm>>
      %dma_wait3A_124 = arith.constant 0 : i32
      %dma_wait3A_125 = tpu.memref_slice %dma_wait3A_123[%mul3A_32, %dma_wait3A_124] : memref<10240x128xf32, #tpu.memory_space<hbm>> -> memref<640x128xf32, #tpu.memory_space<hbm>>
      %dma_wait3A_126 = arith.constant 0 : i32
      %dma_wait3A_127 = tpu.memref_slice %arg13[%mul3A_30, %dma_wait3A_126] : memref<10240x128xf32, #tpu.memory_space<vmem_shared>> -> memref<640x128xf32, #tpu.memory_space<vmem_shared>>
      tpu.wait_dma2 semaphore(%run_scoped3A : memref<!tpu.dma_semaphore, #tpu.memory_space<semaphore_mem>>) src(%dma_wait3A_127 : memref<640x128xf32, #tpu.memory_space<vmem_shared>>) dst(%dma_wait3A_125 : memref<640x128xf32, #tpu.memory_space<hbm>>)
      tpu.yield
    }) : () -> ()
    %barrier3A_33 = arith.constant 0 : index
    tpu.barrier barrier_id(%barrier3A_33)
    %eq3A_34 = arith.constant 0 : i32
    %eq3A_35 = arith.cmpi eq, %arg0, %eq3A_34 : i32
    %convert_element_type3A_36 = arith.extui %eq3A_35 : i1 to i32
    %cond3A_37 = arith.constant 0 : i32
    %cond3A_38 = arith.cmpi ne, %convert_element_type3A_36, %cond3A_37 : i32
    scf.if %cond3A_38 {
      %mul3A_113 = arith.constant 640 : i32
      %mul3A_114 = arith.muli %arg1, %mul3A_113 : i32
      %mul3A_115 = arith.constant 640 : i32
      %mul3A_116 = arith.muli %arg1, %mul3A_115 : i32
      "tpu.region"() ({
        %run_scoped3A = tpu.sem_alloc : memref<!tpu.dma_semaphore, #tpu.memory_space<semaphore_mem>>
        %dma_start3A_117 = arith.constant 0 : i32
        %dma_start3A_118 = tpu.memref_slice %arg13[%mul3A_116, %dma_start3A_117] : memref<10240x128xf32, #tpu.memory_space<vmem_shared>> -> memref<640x128xf32, #tpu.memory_space<vmem_shared>>
        %dma_start3A_119 = arith.constant 0 : i32
        %dma_start3A_120 = tpu.memref_slice %arg6[%mul3A_114, %dma_start3A_119] : memref<10240x128xf32, #tpu.memory_space<hbm>> -> memref<640x128xf32, #tpu.memory_space<hbm>>
        tpu.enqueue_dma source(%dma_start3A_120 : memref<640x128xf32, #tpu.memory_space<hbm>>) target(%dma_start3A_118 : memref<640x128xf32, #tpu.memory_space<vmem_shared>>) target_semaphore(%run_scoped3A : memref<!tpu.dma_semaphore, #tpu.memory_space<semaphore_mem>>)
        %dma_wait3A = arith.constant 0 : i32
        %dma_wait3A_121 = tpu.memref_slice %arg13[%mul3A_116, %dma_wait3A] : memref<10240x128xf32, #tpu.memory_space<vmem_shared>> -> memref<640x128xf32, #tpu.memory_space<vmem_shared>>
        %dma_wait3A_122 = arith.constant 0 : i32
        %dma_wait3A_123 = tpu.memref_slice %arg6[%mul3A_114, %dma_wait3A_122] : memref<10240x128xf32, #tpu.memory_space<hbm>> -> memref<640x128xf32, #tpu.memory_space<hbm>>
        tpu.wait_dma2 semaphore(%run_scoped3A : memref<!tpu.dma_semaphore, #tpu.memory_space<semaphore_mem>>) src(%dma_wait3A_123 : memref<640x128xf32, #tpu.memory_space<hbm>>) dst(%dma_wait3A_121 : memref<640x128xf32, #tpu.memory_space<vmem_shared>>)
        tpu.yield
      }) : () -> ()
    } else {
    }
    %ne3A_39 = arith.constant 0 : i32
    %ne3A_40 = arith.cmpi ne, %arg0, %ne3A_39 : i32
    %convert_element_type3A_41 = arith.extui %ne3A_40 : i1 to i32
    %cond3A_42 = arith.constant 0 : i32
    %cond3A_43 = arith.cmpi ne, %convert_element_type3A_41, %cond3A_42 : i32
    scf.if %cond3A_43 {
      %mul3A_113 = arith.constant 640 : i32
      %mul3A_114 = arith.muli %arg1, %mul3A_113 : i32
      %mul3A_115 = arith.constant 640 : i32
      %mul3A_116 = arith.muli %arg1, %mul3A_115 : i32
      "tpu.region"() ({
        %run_scoped3A = tpu.sem_alloc : memref<!tpu.dma_semaphore, #tpu.memory_space<semaphore_mem>>
        %dma_start3A_117 = arith.constant 0 : i32
        %dma_start3A_118 = tpu.memref_slice %arg13[%mul3A_116, %dma_start3A_117] : memref<10240x128xf32, #tpu.memory_space<vmem_shared>> -> memref<640x128xf32, #tpu.memory_space<vmem_shared>>
        %dma_start3A_119 = arith.constant 0 : i32
        %dma_start3A_120 = tpu.memref_slice %arg4[%mul3A_114, %dma_start3A_119] : memref<10240x128xf32, #tpu.memory_space<hbm>> -> memref<640x128xf32, #tpu.memory_space<hbm>>
        tpu.enqueue_dma source(%dma_start3A_120 : memref<640x128xf32, #tpu.memory_space<hbm>>) target(%dma_start3A_118 : memref<640x128xf32, #tpu.memory_space<vmem_shared>>) target_semaphore(%run_scoped3A : memref<!tpu.dma_semaphore, #tpu.memory_space<semaphore_mem>>)
        %dma_wait3A = arith.constant 0 : i32
        %dma_wait3A_121 = tpu.memref_slice %arg13[%mul3A_116, %dma_wait3A] : memref<10240x128xf32, #tpu.memory_space<vmem_shared>> -> memref<640x128xf32, #tpu.memory_space<vmem_shared>>
        %dma_wait3A_122 = arith.constant 0 : i32
        %dma_wait3A_123 = tpu.memref_slice %arg4[%mul3A_114, %dma_wait3A_122] : memref<10240x128xf32, #tpu.memory_space<hbm>> -> memref<640x128xf32, #tpu.memory_space<hbm>>
        tpu.wait_dma2 semaphore(%run_scoped3A : memref<!tpu.dma_semaphore, #tpu.memory_space<semaphore_mem>>) src(%dma_wait3A_123 : memref<640x128xf32, #tpu.memory_space<hbm>>) dst(%dma_wait3A_121 : memref<640x128xf32, #tpu.memory_space<vmem_shared>>)
        tpu.yield
      }) : () -> ()
    } else {
    }
    %barrier3A_44 = arith.constant 0 : index
    tpu.barrier barrier_id(%barrier3A_44)
    %scan3A_45 = arith.constant 0 : i32
    %scan3A_46 = arith.constant 20 : i32
    %scan3A_47 = arith.addi %scan3A_45, %scan3A_46 : i32
    %scan3A_48 = arith.constant 1 : i32
    scf.for %scan3A_113 = %scan3A_45 to %scan3A_47 step %scan3A_48  : i32 {
      %mul3A_114 = arith.constant 2 : i32
      %mul3A_115 = arith.muli %scan3A_113, %mul3A_114 : i32
      %add3A_116 = arith.constant 0 : i32
      %add3A_117 = arith.addi %add3A_116, %mul3A_115 : i32
      %add3A_118 = arith.constant 1 : i32
      %add3A_119 = arith.addi %add3A_117, %add3A_118 : i32
      %dma_start3A_120 = arith.constant 0 : i32
      %dma_start3A_121 = tpu.memref_slice %arg14[%add3A_119, %dma_start3A_120] : memref<40x125xi32, #tpu.memory_space<vmem>> -> memref<1x125xi32, #tpu.memory_space<vmem>>
      %dma_start3A_122 = tpu.memref_squeeze %dma_start3A_121 : memref<1x125xi32, #tpu.memory_space<vmem>> -> memref<125xi32, #tpu.memory_space<vmem>>
      %dma_start3A_123 = arith.constant 0 : i32
      %dma_start3A_124 = arith.constant 0 : i32
      %dma_start3A_125 = tpu.memref_slice %arg6[%dma_start3A_123, %dma_start3A_124] : memref<10240x128xf32, #tpu.memory_space<hbm>> -> memref<10240x128xf32, #tpu.memory_space<hbm>>
      tpu.enqueue_indirect_dma source(%dma_start3A_125 : memref<10240x128xf32, #tpu.memory_space<hbm>>) target(%arg17 : memref<125x128xf32, #tpu.memory_space<vmem>>) offsets(%dma_start3A_122 : memref<125xi32, #tpu.memory_space<vmem>>) semaphore(%arg19 : memref<!tpu.dma_semaphore, #tpu.memory_space<semaphore_mem>>)
      %dma_wait3A = arith.constant 0 : i32
      %dma_wait3A_126 = arith.constant 0 : i32
      %dma_wait3A_127 = tpu.memref_slice %arg14[%dma_wait3A, %dma_wait3A_126] : memref<40x125xi32, #tpu.memory_space<vmem>> -> memref<1x125xi32, #tpu.memory_space<vmem>>
      %dma_wait3A_128 = tpu.memref_squeeze %dma_wait3A_127 : memref<1x125xi32, #tpu.memory_space<vmem>> -> memref<125xi32, #tpu.memory_space<vmem>>
      %dma_wait3A_129 = arith.constant 0 : i32
      %dma_wait3A_130 = arith.constant 0 : i32
      %dma_wait3A_131 = tpu.memref_slice %arg6[%dma_wait3A_129, %dma_wait3A_130] : memref<10240x128xf32, #tpu.memory_space<hbm>> -> memref<10240x128xf32, #tpu.memory_space<hbm>>
      tpu.wait_indirect_dma semaphore(%arg18 : memref<!tpu.dma_semaphore, #tpu.memory_space<semaphore_mem>>) src(%dma_wait3A_131 : memref<10240x128xf32, #tpu.memory_space<hbm>>) dst(%arg16 : memref<125x128xf32, #tpu.memory_space<vmem>>)
      "tpu.region"() ({
        %run_scoped3A = tpu.sem_alloc : memref<!tpu.dma_semaphore, #tpu.memory_space<semaphore_mem>>
        %dma_start3A_147 = arith.constant 0 : i32
        %dma_start3A_148 = tpu.memref_slice %arg15[%add3A_117, %dma_start3A_147] : memref<40x125xi32, #tpu.memory_space<vmem>> -> memref<1x125xi32, #tpu.memory_space<vmem>>
        %dma_start3A_149 = tpu.memref_squeeze %dma_start3A_148 : memref<1x125xi32, #tpu.memory_space<vmem>> -> memref<125xi32, #tpu.memory_space<vmem>>
        %dma_start3A_150 = arith.constant 0 : i32
        %dma_start3A_151 = arith.constant 0 : i32
        %dma_start3A_152 = tpu.memref_slice %arg13[%dma_start3A_150, %dma_start3A_151] : memref<10240x128xf32, #tpu.memory_space<vmem_shared>> -> memref<10240x128xf32, #tpu.memory_space<vmem_shared>>
        tpu.enqueue_indirect_dma source(%arg16 : memref<125x128xf32, #tpu.memory_space<vmem>>) target(%dma_start3A_152 : memref<10240x128xf32, #tpu.memory_space<vmem_shared>>) offsets(%dma_start3A_149 : memref<125xi32, #tpu.memory_space<vmem>>) semaphore(%run_scoped3A : memref<!tpu.dma_semaphore, #tpu.memory_space<semaphore_mem>>) {add = true}
        %dma_wait3A_153 = arith.constant 0 : i32
        %dma_wait3A_154 = tpu.memref_slice %arg15[%add3A_117, %dma_wait3A_153] : memref<40x125xi32, #tpu.memory_space<vmem>> -> memref<1x125xi32, #tpu.memory_space<vmem>>
        %dma_wait3A_155 = tpu.memref_squeeze %dma_wait3A_154 : memref<1x125xi32, #tpu.memory_space<vmem>> -> memref<125xi32, #tpu.memory_space<vmem>>
        %dma_wait3A_156 = arith.constant 0 : i32
        %dma_wait3A_157 = arith.constant 0 : i32
        %dma_wait3A_158 = tpu.memref_slice %arg13[%dma_wait3A_156, %dma_wait3A_157] : memref<10240x128xf32, #tpu.memory_space<vmem_shared>> -> memref<10240x128xf32, #tpu.memory_space<vmem_shared>>
        tpu.wait_indirect_dma semaphore(%run_scoped3A : memref<!tpu.dma_semaphore, #tpu.memory_space<semaphore_mem>>) src(%arg16 : memref<125x128xf32, #tpu.memory_space<vmem>>) dst(%dma_wait3A_158 : memref<10240x128xf32, #tpu.memory_space<vmem_shared>>)
        tpu.yield
      }) : () -> ()
      %add3A_132 = arith.constant 2 : i32
      %add3A_133 = arith.addi %add3A_117, %add3A_132 : i32
      %lt3A = arith.constant 40 : i32
      %lt3A_134 = arith.cmpi slt, %add3A_133, %lt3A : i32
      %convert_element_type3A_135 = arith.extui %lt3A_134 : i1 to i32
      %cond3A_136 = arith.constant 0 : i32
      %cond3A_137 = arith.cmpi ne, %convert_element_type3A_135, %cond3A_136 : i32
      scf.if %cond3A_137 {
        %add3A_147 = arith.constant 2 : i32
        %add3A_148 = arith.addi %add3A_117, %add3A_147 : i32
        %dma_start3A_149 = arith.constant 0 : i32
        %dma_start3A_150 = tpu.memref_slice %arg14[%add3A_148, %dma_start3A_149] : memref<40x125xi32, #tpu.memory_space<vmem>> -> memref<1x125xi32, #tpu.memory_space<vmem>>
        %dma_start3A_151 = tpu.memref_squeeze %dma_start3A_150 : memref<1x125xi32, #tpu.memory_space<vmem>> -> memref<125xi32, #tpu.memory_space<vmem>>
        %dma_start3A_152 = arith.constant 0 : i32
        %dma_start3A_153 = arith.constant 0 : i32
        %dma_start3A_154 = tpu.memref_slice %arg6[%dma_start3A_152, %dma_start3A_153] : memref<10240x128xf32, #tpu.memory_space<hbm>> -> memref<10240x128xf32, #tpu.memory_space<hbm>>
        tpu.enqueue_indirect_dma source(%dma_start3A_154 : memref<10240x128xf32, #tpu.memory_space<hbm>>) target(%arg16 : memref<125x128xf32, #tpu.memory_space<vmem>>) offsets(%dma_start3A_151 : memref<125xi32, #tpu.memory_space<vmem>>) semaphore(%arg18 : memref<!tpu.dma_semaphore, #tpu.memory_space<semaphore_mem>>)
      } else {
      }
      %dma_wait3A_138 = arith.constant 0 : i32
      %dma_wait3A_139 = arith.constant 0 : i32
      %dma_wait3A_140 = tpu.memref_slice %arg14[%dma_wait3A_138, %dma_wait3A_139] : memref<40x125xi32, #tpu.memory_space<vmem>> -> memref<1x125xi32, #tpu.memory_space<vmem>>
      %dma_wait3A_141 = tpu.memref_squeeze %dma_wait3A_140 : memref<1x125xi32, #tpu.memory_space<vmem>> -> memref<125xi32, #tpu.memory_space<vmem>>
      %dma_wait3A_142 = arith.constant 0 : i32
      %dma_wait3A_143 = arith.constant 0 : i32
      %dma_wait3A_144 = tpu.memref_slice %arg6[%dma_wait3A_142, %dma_wait3A_143] : memref<10240x128xf32, #tpu.memory_space<hbm>> -> memref<10240x128xf32, #tpu.memory_space<hbm>>
      tpu.wait_indirect_dma semaphore(%arg19 : memref<!tpu.dma_semaphore, #tpu.memory_space<semaphore_mem>>) src(%dma_wait3A_144 : memref<10240x128xf32, #tpu.memory_space<hbm>>) dst(%arg17 : memref<125x128xf32, #tpu.memory_space<vmem>>)
      %add3A_145 = arith.constant 1 : i32
      %add3A_146 = arith.addi %add3A_117, %add3A_145 : i32
      "tpu.region"() ({
        %run_scoped3A = tpu.sem_alloc : memref<!tpu.dma_semaphore, #tpu.memory_space<semaphore_mem>>
        %dma_start3A_147 = arith.constant 0 : i32
        %dma_start3A_148 = tpu.memref_slice %arg15[%add3A_146, %dma_start3A_147] : memref<40x125xi32, #tpu.memory_space<vmem>> -> memref<1x125xi32, #tpu.memory_space<vmem>>
        %dma_start3A_149 = tpu.memref_squeeze %dma_start3A_148 : memref<1x125xi32, #tpu.memory_space<vmem>> -> memref<125xi32, #tpu.memory_space<vmem>>
        %dma_start3A_150 = arith.constant 0 : i32
        %dma_start3A_151 = arith.constant 0 : i32
        %dma_start3A_152 = tpu.memref_slice %arg13[%dma_start3A_150, %dma_start3A_151] : memref<10240x128xf32, #tpu.memory_space<vmem_shared>> -> memref<10240x128xf32, #tpu.memory_space<vmem_shared>>
        tpu.enqueue_indirect_dma source(%arg17 : memref<125x128xf32, #tpu.memory_space<vmem>>) target(%dma_start3A_152 : memref<10240x128xf32, #tpu.memory_space<vmem_shared>>) offsets(%dma_start3A_149 : memref<125xi32, #tpu.memory_space<vmem>>) semaphore(%run_scoped3A : memref<!tpu.dma_semaphore, #tpu.memory_space<semaphore_mem>>) {add = true}
        %dma_wait3A_153 = arith.constant 0 : i32
        %dma_wait3A_154 = tpu.memref_slice %arg15[%add3A_146, %dma_wait3A_153] : memref<40x125xi32, #tpu.memory_space<vmem>> -> memref<1x125xi32, #tpu.memory_space<vmem>>
        %dma_wait3A_155 = tpu.memref_squeeze %dma_wait3A_154 : memref<1x125xi32, #tpu.memory_space<vmem>> -> memref<125xi32, #tpu.memory_space<vmem>>
        %dma_wait3A_156 = arith.constant 0 : i32
        %dma_wait3A_157 = arith.constant 0 : i32
        %dma_wait3A_158 = tpu.memref_slice %arg13[%dma_wait3A_156, %dma_wait3A_157] : memref<10240x128xf32, #tpu.memory_space<vmem_shared>> -> memref<10240x128xf32, #tpu.memory_space<vmem_shared>>
        tpu.wait_indirect_dma semaphore(%run_scoped3A : memref<!tpu.dma_semaphore, #tpu.memory_space<semaphore_mem>>) src(%arg17 : memref<125x128xf32, #tpu.memory_space<vmem>>) dst(%dma_wait3A_158 : memref<10240x128xf32, #tpu.memory_space<vmem_shared>>)
        tpu.yield
      }) : () -> ()
    }
    %scan3A_49 = arith.constant 20 : i32
    %dma_start3A_50 = arith.constant 0 : i32
    %dma_start3A_51 = arith.constant 0 : i32
    %dma_start3A_52 = tpu.memref_slice %arg14[%dma_start3A_50, %dma_start3A_51] : memref<40x125xi32, #tpu.memory_space<vmem>> -> memref<1x125xi32, #tpu.memory_space<vmem>>
    %dma_start3A_53 = tpu.memref_squeeze %dma_start3A_52 : memref<1x125xi32, #tpu.memory_space<vmem>> -> memref<125xi32, #tpu.memory_space<vmem>>
    %dma_start3A_54 = arith.constant 0 : i32
    %dma_start3A_55 = arith.constant 0 : i32
    %dma_start3A_56 = tpu.memref_slice %arg7[%dma_start3A_54, %dma_start3A_55] : memref<10240x128xf32, #tpu.memory_space<hbm>> -> memref<10240x128xf32, #tpu.memory_space<hbm>>
    tpu.enqueue_indirect_dma source(%dma_start3A_56 : memref<10240x128xf32, #tpu.memory_space<hbm>>) target(%arg16 : memref<125x128xf32, #tpu.memory_space<vmem>>) offsets(%dma_start3A_53 : memref<125xi32, #tpu.memory_space<vmem>>) semaphore(%arg18 : memref<!tpu.dma_semaphore, #tpu.memory_space<semaphore_mem>>)
    %barrier3A_57 = arith.constant 0 : index
    tpu.barrier barrier_id(%barrier3A_57)
    %mul3A_58 = arith.constant 640 : i32
    %mul3A_59 = arith.muli %arg1, %mul3A_58 : i32
    %mul3A_60 = arith.constant 640 : i32
    %mul3A_61 = arith.muli %arg1, %mul3A_60 : i32
    "tpu.region"() ({
      %run_scoped3A = tpu.sem_alloc : memref<!tpu.dma_semaphore, #tpu.memory_space<semaphore_mem>>
      %dma_start3A_113 = arith.constant 0 : i32
      %dma_start3A_114 = arith.constant 0 : i32
      %dma_start3A_115 = tpu.memref_slice %arg10[%arg0, %dma_start3A_113, %dma_start3A_114] : memref<2x10240x128xf32, #tpu.memory_space<hbm>> -> memref<1x10240x128xf32, #tpu.memory_space<hbm>>
      %dma_start3A_116 = tpu.memref_squeeze %dma_start3A_115 : memref<1x10240x128xf32, #tpu.memory_space<hbm>> -> memref<10240x128xf32, #tpu.memory_space<hbm>>
      %dma_start3A_117 = arith.constant 0 : i32
      %dma_start3A_118 = tpu.memref_slice %dma_start3A_116[%mul3A_61, %dma_start3A_117] : memref<10240x128xf32, #tpu.memory_space<hbm>> -> memref<640x128xf32, #tpu.memory_space<hbm>>
      %dma_start3A_119 = arith.constant 0 : i32
      %dma_start3A_120 = tpu.memref_slice %arg13[%mul3A_59, %dma_start3A_119] : memref<10240x128xf32, #tpu.memory_space<vmem_shared>> -> memref<640x128xf32, #tpu.memory_space<vmem_shared>>
      tpu.enqueue_dma source(%dma_start3A_120 : memref<640x128xf32, #tpu.memory_space<vmem_shared>>) target(%dma_start3A_118 : memref<640x128xf32, #tpu.memory_space<hbm>>) target_semaphore(%run_scoped3A : memref<!tpu.dma_semaphore, #tpu.memory_space<semaphore_mem>>)
      %dma_wait3A = arith.constant 0 : i32
      %dma_wait3A_121 = arith.constant 0 : i32
      %dma_wait3A_122 = tpu.memref_slice %arg10[%arg0, %dma_wait3A, %dma_wait3A_121] : memref<2x10240x128xf32, #tpu.memory_space<hbm>> -> memref<1x10240x128xf32, #tpu.memory_space<hbm>>
      %dma_wait3A_123 = tpu.memref_squeeze %dma_wait3A_122 : memref<1x10240x128xf32, #tpu.memory_space<hbm>> -> memref<10240x128xf32, #tpu.memory_space<hbm>>
      %dma_wait3A_124 = arith.constant 0 : i32
      %dma_wait3A_125 = tpu.memref_slice %dma_wait3A_123[%mul3A_61, %dma_wait3A_124] : memref<10240x128xf32, #tpu.memory_space<hbm>> -> memref<640x128xf32, #tpu.memory_space<hbm>>
      %dma_wait3A_126 = arith.constant 0 : i32
      %dma_wait3A_127 = tpu.memref_slice %arg13[%mul3A_59, %dma_wait3A_126] : memref<10240x128xf32, #tpu.memory_space<vmem_shared>> -> memref<640x128xf32, #tpu.memory_space<vmem_shared>>
      tpu.wait_dma2 semaphore(%run_scoped3A : memref<!tpu.dma_semaphore, #tpu.memory_space<semaphore_mem>>) src(%dma_wait3A_127 : memref<640x128xf32, #tpu.memory_space<vmem_shared>>) dst(%dma_wait3A_125 : memref<640x128xf32, #tpu.memory_space<hbm>>)
      tpu.yield
    }) : () -> ()
    %barrier3A_62 = arith.constant 0 : index
    tpu.barrier barrier_id(%barrier3A_62)
    %eq3A_63 = arith.constant 0 : i32
    %eq3A_64 = arith.cmpi eq, %arg0, %eq3A_63 : i32
    %convert_element_type3A_65 = arith.extui %eq3A_64 : i1 to i32
    %cond3A_66 = arith.constant 0 : i32
    %cond3A_67 = arith.cmpi ne, %convert_element_type3A_65, %cond3A_66 : i32
    scf.if %cond3A_67 {
      %mul3A_113 = arith.constant 640 : i32
      %mul3A_114 = arith.muli %arg1, %mul3A_113 : i32
      %mul3A_115 = arith.constant 640 : i32
      %mul3A_116 = arith.muli %arg1, %mul3A_115 : i32
      "tpu.region"() ({
        %run_scoped3A = tpu.sem_alloc : memref<!tpu.dma_semaphore, #tpu.memory_space<semaphore_mem>>
        %dma_start3A_117 = arith.constant 0 : i32
        %dma_start3A_118 = tpu.memref_slice %arg13[%mul3A_116, %dma_start3A_117] : memref<10240x128xf32, #tpu.memory_space<vmem_shared>> -> memref<640x128xf32, #tpu.memory_space<vmem_shared>>
        %dma_start3A_119 = arith.constant 0 : i32
        %dma_start3A_120 = tpu.memref_slice %arg7[%mul3A_114, %dma_start3A_119] : memref<10240x128xf32, #tpu.memory_space<hbm>> -> memref<640x128xf32, #tpu.memory_space<hbm>>
        tpu.enqueue_dma source(%dma_start3A_120 : memref<640x128xf32, #tpu.memory_space<hbm>>) target(%dma_start3A_118 : memref<640x128xf32, #tpu.memory_space<vmem_shared>>) target_semaphore(%run_scoped3A : memref<!tpu.dma_semaphore, #tpu.memory_space<semaphore_mem>>)
        %dma_wait3A = arith.constant 0 : i32
        %dma_wait3A_121 = tpu.memref_slice %arg13[%mul3A_116, %dma_wait3A] : memref<10240x128xf32, #tpu.memory_space<vmem_shared>> -> memref<640x128xf32, #tpu.memory_space<vmem_shared>>
        %dma_wait3A_122 = arith.constant 0 : i32
        %dma_wait3A_123 = tpu.memref_slice %arg7[%mul3A_114, %dma_wait3A_122] : memref<10240x128xf32, #tpu.memory_space<hbm>> -> memref<640x128xf32, #tpu.memory_space<hbm>>
        tpu.wait_dma2 semaphore(%run_scoped3A : memref<!tpu.dma_semaphore, #tpu.memory_space<semaphore_mem>>) src(%dma_wait3A_123 : memref<640x128xf32, #tpu.memory_space<hbm>>) dst(%dma_wait3A_121 : memref<640x128xf32, #tpu.memory_space<vmem_shared>>)
        tpu.yield
      }) : () -> ()
    } else {
    }
    %ne3A_68 = arith.constant 0 : i32
    %ne3A_69 = arith.cmpi ne, %arg0, %ne3A_68 : i32
    %convert_element_type3A_70 = arith.extui %ne3A_69 : i1 to i32
    %cond3A_71 = arith.constant 0 : i32
    %cond3A_72 = arith.cmpi ne, %convert_element_type3A_70, %cond3A_71 : i32
    scf.if %cond3A_72 {
      %mul3A_113 = arith.constant 640 : i32
      %mul3A_114 = arith.muli %arg1, %mul3A_113 : i32
      %mul3A_115 = arith.constant 640 : i32
      %mul3A_116 = arith.muli %arg1, %mul3A_115 : i32
      "tpu.region"() ({
        %run_scoped3A = tpu.sem_alloc : memref<!tpu.dma_semaphore, #tpu.memory_space<semaphore_mem>>
        %dma_start3A_117 = arith.constant 0 : i32
        %dma_start3A_118 = tpu.memref_slice %arg13[%mul3A_116, %dma_start3A_117] : memref<10240x128xf32, #tpu.memory_space<vmem_shared>> -> memref<640x128xf32, #tpu.memory_space<vmem_shared>>
        %dma_start3A_119 = arith.constant 0 : i32
        %dma_start3A_120 = tpu.memref_slice %arg4[%mul3A_114, %dma_start3A_119] : memref<10240x128xf32, #tpu.memory_space<hbm>> -> memref<640x128xf32, #tpu.memory_space<hbm>>
        tpu.enqueue_dma source(%dma_start3A_120 : memref<640x128xf32, #tpu.memory_space<hbm>>) target(%dma_start3A_118 : memref<640x128xf32, #tpu.memory_space<vmem_shared>>) target_semaphore(%run_scoped3A : memref<!tpu.dma_semaphore, #tpu.memory_space<semaphore_mem>>)
        %dma_wait3A = arith.constant 0 : i32
        %dma_wait3A_121 = tpu.memref_slice %arg13[%mul3A_116, %dma_wait3A] : memref<10240x128xf32, #tpu.memory_space<vmem_shared>> -> memref<640x128xf32, #tpu.memory_space<vmem_shared>>
        %dma_wait3A_122 = arith.constant 0 : i32
        %dma_wait3A_123 = tpu.memref_slice %arg4[%mul3A_114, %dma_wait3A_122] : memref<10240x128xf32, #tpu.memory_space<hbm>> -> memref<640x128xf32, #tpu.memory_space<hbm>>
        tpu.wait_dma2 semaphore(%run_scoped3A : memref<!tpu.dma_semaphore, #tpu.memory_space<semaphore_mem>>) src(%dma_wait3A_123 : memref<640x128xf32, #tpu.memory_space<hbm>>) dst(%dma_wait3A_121 : memref<640x128xf32, #tpu.memory_space<vmem_shared>>)
        tpu.yield
      }) : () -> ()
    } else {
    }
    %barrier3A_73 = arith.constant 0 : index
    tpu.barrier barrier_id(%barrier3A_73)
    %scan3A_74 = arith.constant 0 : i32
    %scan3A_75 = arith.constant 20 : i32
    %scan3A_76 = arith.addi %scan3A_74, %scan3A_75 : i32
    %scan3A_77 = arith.constant 1 : i32
    scf.for %scan3A_113 = %scan3A_74 to %scan3A_76 step %scan3A_77  : i32 {
      %mul3A_114 = arith.constant 2 : i32
      %mul3A_115 = arith.muli %scan3A_113, %mul3A_114 : i32
      %add3A_116 = arith.constant 0 : i32
      %add3A_117 = arith.addi %add3A_116, %mul3A_115 : i32
      %add3A_118 = arith.constant 1 : i32
      %add3A_119 = arith.addi %add3A_117, %add3A_118 : i32
      %dma_start3A_120 = arith.constant 0 : i32
      %dma_start3A_121 = tpu.memref_slice %arg14[%add3A_119, %dma_start3A_120] : memref<40x125xi32, #tpu.memory_space<vmem>> -> memref<1x125xi32, #tpu.memory_space<vmem>>
      %dma_start3A_122 = tpu.memref_squeeze %dma_start3A_121 : memref<1x125xi32, #tpu.memory_space<vmem>> -> memref<125xi32, #tpu.memory_space<vmem>>
      %dma_start3A_123 = arith.constant 0 : i32
      %dma_start3A_124 = arith.constant 0 : i32
      %dma_start3A_125 = tpu.memref_slice %arg7[%dma_start3A_123, %dma_start3A_124] : memref<10240x128xf32, #tpu.memory_space<hbm>> -> memref<10240x128xf32, #tpu.memory_space<hbm>>
      tpu.enqueue_indirect_dma source(%dma_start3A_125 : memref<10240x128xf32, #tpu.memory_space<hbm>>) target(%arg17 : memref<125x128xf32, #tpu.memory_space<vmem>>) offsets(%dma_start3A_122 : memref<125xi32, #tpu.memory_space<vmem>>) semaphore(%arg19 : memref<!tpu.dma_semaphore, #tpu.memory_space<semaphore_mem>>)
      %dma_wait3A = arith.constant 0 : i32
      %dma_wait3A_126 = arith.constant 0 : i32
      %dma_wait3A_127 = tpu.memref_slice %arg14[%dma_wait3A, %dma_wait3A_126] : memref<40x125xi32, #tpu.memory_space<vmem>> -> memref<1x125xi32, #tpu.memory_space<vmem>>
      %dma_wait3A_128 = tpu.memref_squeeze %dma_wait3A_127 : memref<1x125xi32, #tpu.memory_space<vmem>> -> memref<125xi32, #tpu.memory_space<vmem>>
      %dma_wait3A_129 = arith.constant 0 : i32
      %dma_wait3A_130 = arith.constant 0 : i32
      %dma_wait3A_131 = tpu.memref_slice %arg7[%dma_wait3A_129, %dma_wait3A_130] : memref<10240x128xf32, #tpu.memory_space<hbm>> -> memref<10240x128xf32, #tpu.memory_space<hbm>>
      tpu.wait_indirect_dma semaphore(%arg18 : memref<!tpu.dma_semaphore, #tpu.memory_space<semaphore_mem>>) src(%dma_wait3A_131 : memref<10240x128xf32, #tpu.memory_space<hbm>>) dst(%arg16 : memref<125x128xf32, #tpu.memory_space<vmem>>)
      "tpu.region"() ({
        %run_scoped3A = tpu.sem_alloc : memref<!tpu.dma_semaphore, #tpu.memory_space<semaphore_mem>>
        %dma_start3A_147 = arith.constant 0 : i32
        %dma_start3A_148 = tpu.memref_slice %arg15[%add3A_117, %dma_start3A_147] : memref<40x125xi32, #tpu.memory_space<vmem>> -> memref<1x125xi32, #tpu.memory_space<vmem>>
        %dma_start3A_149 = tpu.memref_squeeze %dma_start3A_148 : memref<1x125xi32, #tpu.memory_space<vmem>> -> memref<125xi32, #tpu.memory_space<vmem>>
        %dma_start3A_150 = arith.constant 0 : i32
        %dma_start3A_151 = arith.constant 0 : i32
        %dma_start3A_152 = tpu.memref_slice %arg13[%dma_start3A_150, %dma_start3A_151] : memref<10240x128xf32, #tpu.memory_space<vmem_shared>> -> memref<10240x128xf32, #tpu.memory_space<vmem_shared>>
        tpu.enqueue_indirect_dma source(%arg16 : memref<125x128xf32, #tpu.memory_space<vmem>>) target(%dma_start3A_152 : memref<10240x128xf32, #tpu.memory_space<vmem_shared>>) offsets(%dma_start3A_149 : memref<125xi32, #tpu.memory_space<vmem>>) semaphore(%run_scoped3A : memref<!tpu.dma_semaphore, #tpu.memory_space<semaphore_mem>>) {add = true}
        %dma_wait3A_153 = arith.constant 0 : i32
        %dma_wait3A_154 = tpu.memref_slice %arg15[%add3A_117, %dma_wait3A_153] : memref<40x125xi32, #tpu.memory_space<vmem>> -> memref<1x125xi32, #tpu.memory_space<vmem>>
        %dma_wait3A_155 = tpu.memref_squeeze %dma_wait3A_154 : memref<1x125xi32, #tpu.memory_space<vmem>> -> memref<125xi32, #tpu.memory_space<vmem>>
        %dma_wait3A_156 = arith.constant 0 : i32
        %dma_wait3A_157 = arith.constant 0 : i32
        %dma_wait3A_158 = tpu.memref_slice %arg13[%dma_wait3A_156, %dma_wait3A_157] : memref<10240x128xf32, #tpu.memory_space<vmem_shared>> -> memref<10240x128xf32, #tpu.memory_space<vmem_shared>>
        tpu.wait_indirect_dma semaphore(%run_scoped3A : memref<!tpu.dma_semaphore, #tpu.memory_space<semaphore_mem>>) src(%arg16 : memref<125x128xf32, #tpu.memory_space<vmem>>) dst(%dma_wait3A_158 : memref<10240x128xf32, #tpu.memory_space<vmem_shared>>)
        tpu.yield
      }) : () -> ()
      %add3A_132 = arith.constant 2 : i32
      %add3A_133 = arith.addi %add3A_117, %add3A_132 : i32
      %lt3A = arith.constant 40 : i32
      %lt3A_134 = arith.cmpi slt, %add3A_133, %lt3A : i32
      %convert_element_type3A_135 = arith.extui %lt3A_134 : i1 to i32
      %cond3A_136 = arith.constant 0 : i32
      %cond3A_137 = arith.cmpi ne, %convert_element_type3A_135, %cond3A_136 : i32
      scf.if %cond3A_137 {
        %add3A_147 = arith.constant 2 : i32
        %add3A_148 = arith.addi %add3A_117, %add3A_147 : i32
        %dma_start3A_149 = arith.constant 0 : i32
        %dma_start3A_150 = tpu.memref_slice %arg14[%add3A_148, %dma_start3A_149] : memref<40x125xi32, #tpu.memory_space<vmem>> -> memref<1x125xi32, #tpu.memory_space<vmem>>
        %dma_start3A_151 = tpu.memref_squeeze %dma_start3A_150 : memref<1x125xi32, #tpu.memory_space<vmem>> -> memref<125xi32, #tpu.memory_space<vmem>>
        %dma_start3A_152 = arith.constant 0 : i32
        %dma_start3A_153 = arith.constant 0 : i32
        %dma_start3A_154 = tpu.memref_slice %arg7[%dma_start3A_152, %dma_start3A_153] : memref<10240x128xf32, #tpu.memory_space<hbm>> -> memref<10240x128xf32, #tpu.memory_space<hbm>>
        tpu.enqueue_indirect_dma source(%dma_start3A_154 : memref<10240x128xf32, #tpu.memory_space<hbm>>) target(%arg16 : memref<125x128xf32, #tpu.memory_space<vmem>>) offsets(%dma_start3A_151 : memref<125xi32, #tpu.memory_space<vmem>>) semaphore(%arg18 : memref<!tpu.dma_semaphore, #tpu.memory_space<semaphore_mem>>)
      } else {
      }
      %dma_wait3A_138 = arith.constant 0 : i32
      %dma_wait3A_139 = arith.constant 0 : i32
      %dma_wait3A_140 = tpu.memref_slice %arg14[%dma_wait3A_138, %dma_wait3A_139] : memref<40x125xi32, #tpu.memory_space<vmem>> -> memref<1x125xi32, #tpu.memory_space<vmem>>
      %dma_wait3A_141 = tpu.memref_squeeze %dma_wait3A_140 : memref<1x125xi32, #tpu.memory_space<vmem>> -> memref<125xi32, #tpu.memory_space<vmem>>
      %dma_wait3A_142 = arith.constant 0 : i32
      %dma_wait3A_143 = arith.constant 0 : i32
      %dma_wait3A_144 = tpu.memref_slice %arg7[%dma_wait3A_142, %dma_wait3A_143] : memref<10240x128xf32, #tpu.memory_space<hbm>> -> memref<10240x128xf32, #tpu.memory_space<hbm>>
      tpu.wait_indirect_dma semaphore(%arg19 : memref<!tpu.dma_semaphore, #tpu.memory_space<semaphore_mem>>) src(%dma_wait3A_144 : memref<10240x128xf32, #tpu.memory_space<hbm>>) dst(%arg17 : memref<125x128xf32, #tpu.memory_space<vmem>>)
      %add3A_145 = arith.constant 1 : i32
      %add3A_146 = arith.addi %add3A_117, %add3A_145 : i32
      "tpu.region"() ({
        %run_scoped3A = tpu.sem_alloc : memref<!tpu.dma_semaphore, #tpu.memory_space<semaphore_mem>>
        %dma_start3A_147 = arith.constant 0 : i32
        %dma_start3A_148 = tpu.memref_slice %arg15[%add3A_146, %dma_start3A_147] : memref<40x125xi32, #tpu.memory_space<vmem>> -> memref<1x125xi32, #tpu.memory_space<vmem>>
        %dma_start3A_149 = tpu.memref_squeeze %dma_start3A_148 : memref<1x125xi32, #tpu.memory_space<vmem>> -> memref<125xi32, #tpu.memory_space<vmem>>
        %dma_start3A_150 = arith.constant 0 : i32
        %dma_start3A_151 = arith.constant 0 : i32
        %dma_start3A_152 = tpu.memref_slice %arg13[%dma_start3A_150, %dma_start3A_151] : memref<10240x128xf32, #tpu.memory_space<vmem_shared>> -> memref<10240x128xf32, #tpu.memory_space<vmem_shared>>
        tpu.enqueue_indirect_dma source(%arg17 : memref<125x128xf32, #tpu.memory_space<vmem>>) target(%dma_start3A_152 : memref<10240x128xf32, #tpu.memory_space<vmem_shared>>) offsets(%dma_start3A_149 : memref<125xi32, #tpu.memory_space<vmem>>) semaphore(%run_scoped3A : memref<!tpu.dma_semaphore, #tpu.memory_space<semaphore_mem>>) {add = true}
        %dma_wait3A_153 = arith.constant 0 : i32
        %dma_wait3A_154 = tpu.memref_slice %arg15[%add3A_146, %dma_wait3A_153] : memref<40x125xi32, #tpu.memory_space<vmem>> -> memref<1x125xi32, #tpu.memory_space<vmem>>
        %dma_wait3A_155 = tpu.memref_squeeze %dma_wait3A_154 : memref<1x125xi32, #tpu.memory_space<vmem>> -> memref<125xi32, #tpu.memory_space<vmem>>
        %dma_wait3A_156 = arith.constant 0 : i32
        %dma_wait3A_157 = arith.constant 0 : i32
        %dma_wait3A_158 = tpu.memref_slice %arg13[%dma_wait3A_156, %dma_wait3A_157] : memref<10240x128xf32, #tpu.memory_space<vmem_shared>> -> memref<10240x128xf32, #tpu.memory_space<vmem_shared>>
        tpu.wait_indirect_dma semaphore(%run_scoped3A : memref<!tpu.dma_semaphore, #tpu.memory_space<semaphore_mem>>) src(%arg17 : memref<125x128xf32, #tpu.memory_space<vmem>>) dst(%dma_wait3A_158 : memref<10240x128xf32, #tpu.memory_space<vmem_shared>>)
        tpu.yield
      }) : () -> ()
    }
    %scan3A_78 = arith.constant 20 : i32
    %dma_start3A_79 = arith.constant 0 : i32
    %dma_start3A_80 = arith.constant 0 : i32
    %dma_start3A_81 = tpu.memref_slice %arg14[%dma_start3A_79, %dma_start3A_80] : memref<40x125xi32, #tpu.memory_space<vmem>> -> memref<1x125xi32, #tpu.memory_space<vmem>>
    %dma_start3A_82 = tpu.memref_squeeze %dma_start3A_81 : memref<1x125xi32, #tpu.memory_space<vmem>> -> memref<125xi32, #tpu.memory_space<vmem>>
    %dma_start3A_83 = arith.constant 0 : i32
    %dma_start3A_84 = arith.constant 0 : i32
    %dma_start3A_85 = tpu.memref_slice %arg8[%dma_start3A_83, %dma_start3A_84] : memref<10240x128xf32, #tpu.memory_space<hbm>> -> memref<10240x128xf32, #tpu.memory_space<hbm>>
    tpu.enqueue_indirect_dma source(%dma_start3A_85 : memref<10240x128xf32, #tpu.memory_space<hbm>>) target(%arg16 : memref<125x128xf32, #tpu.memory_space<vmem>>) offsets(%dma_start3A_82 : memref<125xi32, #tpu.memory_space<vmem>>) semaphore(%arg18 : memref<!tpu.dma_semaphore, #tpu.memory_space<semaphore_mem>>)
    %barrier3A_86 = arith.constant 0 : index
    tpu.barrier barrier_id(%barrier3A_86)
    %mul3A_87 = arith.constant 640 : i32
    %mul3A_88 = arith.muli %arg1, %mul3A_87 : i32
    %mul3A_89 = arith.constant 640 : i32
    %mul3A_90 = arith.muli %arg1, %mul3A_89 : i32
    "tpu.region"() ({
      %run_scoped3A = tpu.sem_alloc : memref<!tpu.dma_semaphore, #tpu.memory_space<semaphore_mem>>
      %dma_start3A_113 = arith.constant 0 : i32
      %dma_start3A_114 = arith.constant 0 : i32
      %dma_start3A_115 = tpu.memref_slice %arg11[%arg0, %dma_start3A_113, %dma_start3A_114] : memref<2x10240x128xf32, #tpu.memory_space<hbm>> -> memref<1x10240x128xf32, #tpu.memory_space<hbm>>
      %dma_start3A_116 = tpu.memref_squeeze %dma_start3A_115 : memref<1x10240x128xf32, #tpu.memory_space<hbm>> -> memref<10240x128xf32, #tpu.memory_space<hbm>>
      %dma_start3A_117 = arith.constant 0 : i32
      %dma_start3A_118 = tpu.memref_slice %dma_start3A_116[%mul3A_90, %dma_start3A_117] : memref<10240x128xf32, #tpu.memory_space<hbm>> -> memref<640x128xf32, #tpu.memory_space<hbm>>
      %dma_start3A_119 = arith.constant 0 : i32
      %dma_start3A_120 = tpu.memref_slice %arg13[%mul3A_88, %dma_start3A_119] : memref<10240x128xf32, #tpu.memory_space<vmem_shared>> -> memref<640x128xf32, #tpu.memory_space<vmem_shared>>
      tpu.enqueue_dma source(%dma_start3A_120 : memref<640x128xf32, #tpu.memory_space<vmem_shared>>) target(%dma_start3A_118 : memref<640x128xf32, #tpu.memory_space<hbm>>) target_semaphore(%run_scoped3A : memref<!tpu.dma_semaphore, #tpu.memory_space<semaphore_mem>>)
      %dma_wait3A = arith.constant 0 : i32
      %dma_wait3A_121 = arith.constant 0 : i32
      %dma_wait3A_122 = tpu.memref_slice %arg11[%arg0, %dma_wait3A, %dma_wait3A_121] : memref<2x10240x128xf32, #tpu.memory_space<hbm>> -> memref<1x10240x128xf32, #tpu.memory_space<hbm>>
      %dma_wait3A_123 = tpu.memref_squeeze %dma_wait3A_122 : memref<1x10240x128xf32, #tpu.memory_space<hbm>> -> memref<10240x128xf32, #tpu.memory_space<hbm>>
      %dma_wait3A_124 = arith.constant 0 : i32
      %dma_wait3A_125 = tpu.memref_slice %dma_wait3A_123[%mul3A_90, %dma_wait3A_124] : memref<10240x128xf32, #tpu.memory_space<hbm>> -> memref<640x128xf32, #tpu.memory_space<hbm>>
      %dma_wait3A_126 = arith.constant 0 : i32
      %dma_wait3A_127 = tpu.memref_slice %arg13[%mul3A_88, %dma_wait3A_126] : memref<10240x128xf32, #tpu.memory_space<vmem_shared>> -> memref<640x128xf32, #tpu.memory_space<vmem_shared>>
      tpu.wait_dma2 semaphore(%run_scoped3A : memref<!tpu.dma_semaphore, #tpu.memory_space<semaphore_mem>>) src(%dma_wait3A_127 : memref<640x128xf32, #tpu.memory_space<vmem_shared>>) dst(%dma_wait3A_125 : memref<640x128xf32, #tpu.memory_space<hbm>>)
      tpu.yield
    }) : () -> ()
    %barrier3A_91 = arith.constant 0 : index
    tpu.barrier barrier_id(%barrier3A_91)
    %eq3A_92 = arith.constant 0 : i32
    %eq3A_93 = arith.cmpi eq, %arg0, %eq3A_92 : i32
    %convert_element_type3A_94 = arith.extui %eq3A_93 : i1 to i32
    %cond3A_95 = arith.constant 0 : i32
    %cond3A_96 = arith.cmpi ne, %convert_element_type3A_94, %cond3A_95 : i32
    scf.if %cond3A_96 {
      %mul3A_113 = arith.constant 640 : i32
      %mul3A_114 = arith.muli %arg1, %mul3A_113 : i32
      %mul3A_115 = arith.constant 640 : i32
      %mul3A_116 = arith.muli %arg1, %mul3A_115 : i32
      "tpu.region"() ({
        %run_scoped3A = tpu.sem_alloc : memref<!tpu.dma_semaphore, #tpu.memory_space<semaphore_mem>>
        %dma_start3A_117 = arith.constant 0 : i32
        %dma_start3A_118 = tpu.memref_slice %arg13[%mul3A_116, %dma_start3A_117] : memref<10240x128xf32, #tpu.memory_space<vmem_shared>> -> memref<640x128xf32, #tpu.memory_space<vmem_shared>>
        %dma_start3A_119 = arith.constant 0 : i32
        %dma_start3A_120 = tpu.memref_slice %arg8[%mul3A_114, %dma_start3A_119] : memref<10240x128xf32, #tpu.memory_space<hbm>> -> memref<640x128xf32, #tpu.memory_space<hbm>>
        tpu.enqueue_dma source(%dma_start3A_120 : memref<640x128xf32, #tpu.memory_space<hbm>>) target(%dma_start3A_118 : memref<640x128xf32, #tpu.memory_space<vmem_shared>>) target_semaphore(%run_scoped3A : memref<!tpu.dma_semaphore, #tpu.memory_space<semaphore_mem>>)
        %dma_wait3A = arith.constant 0 : i32
        %dma_wait3A_121 = tpu.memref_slice %arg13[%mul3A_116, %dma_wait3A] : memref<10240x128xf32, #tpu.memory_space<vmem_shared>> -> memref<640x128xf32, #tpu.memory_space<vmem_shared>>
        %dma_wait3A_122 = arith.constant 0 : i32
        %dma_wait3A_123 = tpu.memref_slice %arg8[%mul3A_114, %dma_wait3A_122] : memref<10240x128xf32, #tpu.memory_space<hbm>> -> memref<640x128xf32, #tpu.memory_space<hbm>>
        tpu.wait_dma2 semaphore(%run_scoped3A : memref<!tpu.dma_semaphore, #tpu.memory_space<semaphore_mem>>) src(%dma_wait3A_123 : memref<640x128xf32, #tpu.memory_space<hbm>>) dst(%dma_wait3A_121 : memref<640x128xf32, #tpu.memory_space<vmem_shared>>)
        tpu.yield
      }) : () -> ()
    } else {
    }
    %ne3A_97 = arith.constant 0 : i32
    %ne3A_98 = arith.cmpi ne, %arg0, %ne3A_97 : i32
    %convert_element_type3A_99 = arith.extui %ne3A_98 : i1 to i32
    %cond3A_100 = arith.constant 0 : i32
    %cond3A_101 = arith.cmpi ne, %convert_element_type3A_99, %cond3A_100 : i32
    scf.if %cond3A_101 {
      %mul3A_113 = arith.constant 640 : i32
      %mul3A_114 = arith.muli %arg1, %mul3A_113 : i32
      %mul3A_115 = arith.constant 640 : i32
      %mul3A_116 = arith.muli %arg1, %mul3A_115 : i32
      "tpu.region"() ({
        %run_scoped3A = tpu.sem_alloc : memref<!tpu.dma_semaphore, #tpu.memory_space<semaphore_mem>>
        %dma_start3A_117 = arith.constant 0 : i32
        %dma_start3A_118 = tpu.memref_slice %arg13[%mul3A_116, %dma_start3A_117] : memref<10240x128xf32, #tpu.memory_space<vmem_shared>> -> memref<640x128xf32, #tpu.memory_space<vmem_shared>>
        %dma_start3A_119 = arith.constant 0 : i32
        %dma_start3A_120 = tpu.memref_slice %arg4[%mul3A_114, %dma_start3A_119] : memref<10240x128xf32, #tpu.memory_space<hbm>> -> memref<640x128xf32, #tpu.memory_space<hbm>>
        tpu.enqueue_dma source(%dma_start3A_120 : memref<640x128xf32, #tpu.memory_space<hbm>>) target(%dma_start3A_118 : memref<640x128xf32, #tpu.memory_space<vmem_shared>>) target_semaphore(%run_scoped3A : memref<!tpu.dma_semaphore, #tpu.memory_space<semaphore_mem>>)
        %dma_wait3A = arith.constant 0 : i32
        %dma_wait3A_121 = tpu.memref_slice %arg13[%mul3A_116, %dma_wait3A] : memref<10240x128xf32, #tpu.memory_space<vmem_shared>> -> memref<640x128xf32, #tpu.memory_space<vmem_shared>>
        %dma_wait3A_122 = arith.constant 0 : i32
        %dma_wait3A_123 = tpu.memref_slice %arg4[%mul3A_114, %dma_wait3A_122] : memref<10240x128xf32, #tpu.memory_space<hbm>> -> memref<640x128xf32, #tpu.memory_space<hbm>>
        tpu.wait_dma2 semaphore(%run_scoped3A : memref<!tpu.dma_semaphore, #tpu.memory_space<semaphore_mem>>) src(%dma_wait3A_123 : memref<640x128xf32, #tpu.memory_space<hbm>>) dst(%dma_wait3A_121 : memref<640x128xf32, #tpu.memory_space<vmem_shared>>)
        tpu.yield
      }) : () -> ()
    } else {
    }
    %barrier3A_102 = arith.constant 0 : index
    tpu.barrier barrier_id(%barrier3A_102)
    %scan3A_103 = arith.constant 0 : i32
    %scan3A_104 = arith.constant 20 : i32
    %scan3A_105 = arith.addi %scan3A_103, %scan3A_104 : i32
    %scan3A_106 = arith.constant 1 : i32
    scf.for %scan3A_113 = %scan3A_103 to %scan3A_105 step %scan3A_106  : i32 {
      %mul3A_114 = arith.constant 2 : i32
      %mul3A_115 = arith.muli %scan3A_113, %mul3A_114 : i32
      %add3A_116 = arith.constant 0 : i32
      %add3A_117 = arith.addi %add3A_116, %mul3A_115 : i32
      %add3A_118 = arith.constant 1 : i32
      %add3A_119 = arith.addi %add3A_117, %add3A_118 : i32
      %dma_start3A_120 = arith.constant 0 : i32
      %dma_start3A_121 = tpu.memref_slice %arg14[%add3A_119, %dma_start3A_120] : memref<40x125xi32, #tpu.memory_space<vmem>> -> memref<1x125xi32, #tpu.memory_space<vmem>>
      %dma_start3A_122 = tpu.memref_squeeze %dma_start3A_121 : memref<1x125xi32, #tpu.memory_space<vmem>> -> memref<125xi32, #tpu.memory_space<vmem>>
      %dma_start3A_123 = arith.constant 0 : i32
      %dma_start3A_124 = arith.constant 0 : i32
      %dma_start3A_125 = tpu.memref_slice %arg8[%dma_start3A_123, %dma_start3A_124] : memref<10240x128xf32, #tpu.memory_space<hbm>> -> memref<10240x128xf32, #tpu.memory_space<hbm>>
      tpu.enqueue_indirect_dma source(%dma_start3A_125 : memref<10240x128xf32, #tpu.memory_space<hbm>>) target(%arg17 : memref<125x128xf32, #tpu.memory_space<vmem>>) offsets(%dma_start3A_122 : memref<125xi32, #tpu.memory_space<vmem>>) semaphore(%arg19 : memref<!tpu.dma_semaphore, #tpu.memory_space<semaphore_mem>>)
      %dma_wait3A = arith.constant 0 : i32
      %dma_wait3A_126 = arith.constant 0 : i32
      %dma_wait3A_127 = tpu.memref_slice %arg14[%dma_wait3A, %dma_wait3A_126] : memref<40x125xi32, #tpu.memory_space<vmem>> -> memref<1x125xi32, #tpu.memory_space<vmem>>
      %dma_wait3A_128 = tpu.memref_squeeze %dma_wait3A_127 : memref<1x125xi32, #tpu.memory_space<vmem>> -> memref<125xi32, #tpu.memory_space<vmem>>
      %dma_wait3A_129 = arith.constant 0 : i32
      %dma_wait3A_130 = arith.constant 0 : i32
      %dma_wait3A_131 = tpu.memref_slice %arg8[%dma_wait3A_129, %dma_wait3A_130] : memref<10240x128xf32, #tpu.memory_space<hbm>> -> memref<10240x128xf32, #tpu.memory_space<hbm>>
      tpu.wait_indirect_dma semaphore(%arg18 : memref<!tpu.dma_semaphore, #tpu.memory_space<semaphore_mem>>) src(%dma_wait3A_131 : memref<10240x128xf32, #tpu.memory_space<hbm>>) dst(%arg16 : memref<125x128xf32, #tpu.memory_space<vmem>>)
      "tpu.region"() ({
        %run_scoped3A = tpu.sem_alloc : memref<!tpu.dma_semaphore, #tpu.memory_space<semaphore_mem>>
        %dma_start3A_147 = arith.constant 0 : i32
        %dma_start3A_148 = tpu.memref_slice %arg15[%add3A_117, %dma_start3A_147] : memref<40x125xi32, #tpu.memory_space<vmem>> -> memref<1x125xi32, #tpu.memory_space<vmem>>
        %dma_start3A_149 = tpu.memref_squeeze %dma_start3A_148 : memref<1x125xi32, #tpu.memory_space<vmem>> -> memref<125xi32, #tpu.memory_space<vmem>>
        %dma_start3A_150 = arith.constant 0 : i32
        %dma_start3A_151 = arith.constant 0 : i32
        %dma_start3A_152 = tpu.memref_slice %arg13[%dma_start3A_150, %dma_start3A_151] : memref<10240x128xf32, #tpu.memory_space<vmem_shared>> -> memref<10240x128xf32, #tpu.memory_space<vmem_shared>>
        tpu.enqueue_indirect_dma source(%arg16 : memref<125x128xf32, #tpu.memory_space<vmem>>) target(%dma_start3A_152 : memref<10240x128xf32, #tpu.memory_space<vmem_shared>>) offsets(%dma_start3A_149 : memref<125xi32, #tpu.memory_space<vmem>>) semaphore(%run_scoped3A : memref<!tpu.dma_semaphore, #tpu.memory_space<semaphore_mem>>) {add = true}
        %dma_wait3A_153 = arith.constant 0 : i32
        %dma_wait3A_154 = tpu.memref_slice %arg15[%add3A_117, %dma_wait3A_153] : memref<40x125xi32, #tpu.memory_space<vmem>> -> memref<1x125xi32, #tpu.memory_space<vmem>>
        %dma_wait3A_155 = tpu.memref_squeeze %dma_wait3A_154 : memref<1x125xi32, #tpu.memory_space<vmem>> -> memref<125xi32, #tpu.memory_space<vmem>>
        %dma_wait3A_156 = arith.constant 0 : i32
        %dma_wait3A_157 = arith.constant 0 : i32
        %dma_wait3A_158 = tpu.memref_slice %arg13[%dma_wait3A_156, %dma_wait3A_157] : memref<10240x128xf32, #tpu.memory_space<vmem_shared>> -> memref<10240x128xf32, #tpu.memory_space<vmem_shared>>
        tpu.wait_indirect_dma semaphore(%run_scoped3A : memref<!tpu.dma_semaphore, #tpu.memory_space<semaphore_mem>>) src(%arg16 : memref<125x128xf32, #tpu.memory_space<vmem>>) dst(%dma_wait3A_158 : memref<10240x128xf32, #tpu.memory_space<vmem_shared>>)
        tpu.yield
      }) : () -> ()
      %add3A_132 = arith.constant 2 : i32
      %add3A_133 = arith.addi %add3A_117, %add3A_132 : i32
      %lt3A = arith.constant 40 : i32
      %lt3A_134 = arith.cmpi slt, %add3A_133, %lt3A : i32
      %convert_element_type3A_135 = arith.extui %lt3A_134 : i1 to i32
      %cond3A_136 = arith.constant 0 : i32
      %cond3A_137 = arith.cmpi ne, %convert_element_type3A_135, %cond3A_136 : i32
      scf.if %cond3A_137 {
        %add3A_147 = arith.constant 2 : i32
        %add3A_148 = arith.addi %add3A_117, %add3A_147 : i32
        %dma_start3A_149 = arith.constant 0 : i32
        %dma_start3A_150 = tpu.memref_slice %arg14[%add3A_148, %dma_start3A_149] : memref<40x125xi32, #tpu.memory_space<vmem>> -> memref<1x125xi32, #tpu.memory_space<vmem>>
        %dma_start3A_151 = tpu.memref_squeeze %dma_start3A_150 : memref<1x125xi32, #tpu.memory_space<vmem>> -> memref<125xi32, #tpu.memory_space<vmem>>
        %dma_start3A_152 = arith.constant 0 : i32
        %dma_start3A_153 = arith.constant 0 : i32
        %dma_start3A_154 = tpu.memref_slice %arg8[%dma_start3A_152, %dma_start3A_153] : memref<10240x128xf32, #tpu.memory_space<hbm>> -> memref<10240x128xf32, #tpu.memory_space<hbm>>
        tpu.enqueue_indirect_dma source(%dma_start3A_154 : memref<10240x128xf32, #tpu.memory_space<hbm>>) target(%arg16 : memref<125x128xf32, #tpu.memory_space<vmem>>) offsets(%dma_start3A_151 : memref<125xi32, #tpu.memory_space<vmem>>) semaphore(%arg18 : memref<!tpu.dma_semaphore, #tpu.memory_space<semaphore_mem>>)
      } else {
      }
      %dma_wait3A_138 = arith.constant 0 : i32
      %dma_wait3A_139 = arith.constant 0 : i32
      %dma_wait3A_140 = tpu.memref_slice %arg14[%dma_wait3A_138, %dma_wait3A_139] : memref<40x125xi32, #tpu.memory_space<vmem>> -> memref<1x125xi32, #tpu.memory_space<vmem>>
      %dma_wait3A_141 = tpu.memref_squeeze %dma_wait3A_140 : memref<1x125xi32, #tpu.memory_space<vmem>> -> memref<125xi32, #tpu.memory_space<vmem>>
      %dma_wait3A_142 = arith.constant 0 : i32
      %dma_wait3A_143 = arith.constant 0 : i32
      %dma_wait3A_144 = tpu.memref_slice %arg8[%dma_wait3A_142, %dma_wait3A_143] : memref<10240x128xf32, #tpu.memory_space<hbm>> -> memref<10240x128xf32, #tpu.memory_space<hbm>>
      tpu.wait_indirect_dma semaphore(%arg19 : memref<!tpu.dma_semaphore, #tpu.memory_space<semaphore_mem>>) src(%dma_wait3A_144 : memref<10240x128xf32, #tpu.memory_space<hbm>>) dst(%arg17 : memref<125x128xf32, #tpu.memory_space<vmem>>)
      %add3A_145 = arith.constant 1 : i32
      %add3A_146 = arith.addi %add3A_117, %add3A_145 : i32
      "tpu.region"() ({
        %run_scoped3A = tpu.sem_alloc : memref<!tpu.dma_semaphore, #tpu.memory_space<semaphore_mem>>
        %dma_start3A_147 = arith.constant 0 : i32
        %dma_start3A_148 = tpu.memref_slice %arg15[%add3A_146, %dma_start3A_147] : memref<40x125xi32, #tpu.memory_space<vmem>> -> memref<1x125xi32, #tpu.memory_space<vmem>>
        %dma_start3A_149 = tpu.memref_squeeze %dma_start3A_148 : memref<1x125xi32, #tpu.memory_space<vmem>> -> memref<125xi32, #tpu.memory_space<vmem>>
        %dma_start3A_150 = arith.constant 0 : i32
        %dma_start3A_151 = arith.constant 0 : i32
        %dma_start3A_152 = tpu.memref_slice %arg13[%dma_start3A_150, %dma_start3A_151] : memref<10240x128xf32, #tpu.memory_space<vmem_shared>> -> memref<10240x128xf32, #tpu.memory_space<vmem_shared>>
        tpu.enqueue_indirect_dma source(%arg17 : memref<125x128xf32, #tpu.memory_space<vmem>>) target(%dma_start3A_152 : memref<10240x128xf32, #tpu.memory_space<vmem_shared>>) offsets(%dma_start3A_149 : memref<125xi32, #tpu.memory_space<vmem>>) semaphore(%run_scoped3A : memref<!tpu.dma_semaphore, #tpu.memory_space<semaphore_mem>>) {add = true}
        %dma_wait3A_153 = arith.constant 0 : i32
        %dma_wait3A_154 = tpu.memref_slice %arg15[%add3A_146, %dma_wait3A_153] : memref<40x125xi32, #tpu.memory_space<vmem>> -> memref<1x125xi32, #tpu.memory_space<vmem>>
        %dma_wait3A_155 = tpu.memref_squeeze %dma_wait3A_154 : memref<1x125xi32, #tpu.memory_space<vmem>> -> memref<125xi32, #tpu.memory_space<vmem>>
        %dma_wait3A_156 = arith.constant 0 : i32
        %dma_wait3A_157 = arith.constant 0 : i32
        %dma_wait3A_158 = tpu.memref_slice %arg13[%dma_wait3A_156, %dma_wait3A_157] : memref<10240x128xf32, #tpu.memory_space<vmem_shared>> -> memref<10240x128xf32, #tpu.memory_space<vmem_shared>>
        tpu.wait_indirect_dma semaphore(%run_scoped3A : memref<!tpu.dma_semaphore, #tpu.memory_space<semaphore_mem>>) src(%arg17 : memref<125x128xf32, #tpu.memory_space<vmem>>) dst(%dma_wait3A_158 : memref<10240x128xf32, #tpu.memory_space<vmem_shared>>)
        tpu.yield
      }) : () -> ()
    }
    %scan3A_107 = arith.constant 20 : i32
    %barrier3A_108 = arith.constant 0 : index
    tpu.barrier barrier_id(%barrier3A_108)
    %mul3A_109 = arith.constant 640 : i32
    %mul3A_110 = arith.muli %arg1, %mul3A_109 : i32
    %mul3A_111 = arith.constant 640 : i32
    %mul3A_112 = arith.muli %arg1, %mul3A_111 : i32
    "tpu.region"() ({
      %run_scoped3A = tpu.sem_alloc : memref<!tpu.dma_semaphore, #tpu.memory_space<semaphore_mem>>
      %dma_start3A_113 = arith.constant 0 : i32
      %dma_start3A_114 = arith.constant 0 : i32
      %dma_start3A_115 = tpu.memref_slice %arg12[%arg0, %dma_start3A_113, %dma_start3A_114] : memref<2x10240x128xf32, #tpu.memory_space<hbm>> -> memref<1x10240x128xf32, #tpu.memory_space<hbm>>
      %dma_start3A_116 = tpu.memref_squeeze %dma_start3A_115 : memref<1x10240x128xf32, #tpu.memory_space<hbm>> -> memref<10240x128xf32, #tpu.memory_space<hbm>>
      %dma_start3A_117 = arith.constant 0 : i32
      %dma_start3A_118 = tpu.memref_slice %dma_start3A_116[%mul3A_112, %dma_start3A_117] : memref<10240x128xf32, #tpu.memory_space<hbm>> -> memref<640x128xf32, #tpu.memory_space<hbm>>
      %dma_start3A_119 = arith.constant 0 : i32
      %dma_start3A_120 = tpu.memref_slice %arg13[%mul3A_110, %dma_start3A_119] : memref<10240x128xf32, #tpu.memory_space<vmem_shared>> -> memref<640x128xf32, #tpu.memory_space<vmem_shared>>
      tpu.enqueue_dma source(%dma_start3A_120 : memref<640x128xf32, #tpu.memory_space<vmem_shared>>) target(%dma_start3A_118 : memref<640x128xf32, #tpu.memory_space<hbm>>) target_semaphore(%run_scoped3A : memref<!tpu.dma_semaphore, #tpu.memory_space<semaphore_mem>>)
      %dma_wait3A = arith.constant 0 : i32
      %dma_wait3A_121 = arith.constant 0 : i32
      %dma_wait3A_122 = tpu.memref_slice %arg12[%arg0, %dma_wait3A, %dma_wait3A_121] : memref<2x10240x128xf32, #tpu.memory_space<hbm>> -> memref<1x10240x128xf32, #tpu.memory_space<hbm>>
      %dma_wait3A_123 = tpu.memref_squeeze %dma_wait3A_122 : memref<1x10240x128xf32, #tpu.memory_space<hbm>> -> memref<10240x128xf32, #tpu.memory_space<hbm>>
      %dma_wait3A_124 = arith.constant 0 : i32
      %dma_wait3A_125 = tpu.memref_slice %dma_wait3A_123[%mul3A_112, %dma_wait3A_124] : memref<10240x128xf32, #tpu.memory_space<hbm>> -> memref<640x128xf32, #tpu.memory_space<hbm>>
      %dma_wait3A_126 = arith.constant 0 : i32
      %dma_wait3A_127 = tpu.memref_slice %arg13[%mul3A_110, %dma_wait3A_126] : memref<10240x128xf32, #tpu.memory_space<vmem_shared>> -> memref<640x128xf32, #tpu.memory_space<vmem_shared>>
      tpu.wait_dma2 semaphore(%run_scoped3A : memref<!tpu.dma_semaphore, #tpu.memory_space<semaphore_mem>>) src(%dma_wait3A_127 : memref<640x128xf32, #tpu.memory_space<vmem_shared>>) dst(%dma_wait3A_125 : memref<640x128xf32, #tpu.memory_space<hbm>>)
      tpu.yield
    }) : () -> ()
    return
  }
}

module attributes {stable_mosaic.version = 14 : i64} {
  func.func @_prescale_body(%arg0: i32, %arg1: memref<2x1024x128xf32, #tpu.memory_space<vmem>>, %arg2: memref<1024x256xf32, #tpu.memory_space<vmem>>, %arg3: memref<1024x128xf32, #tpu.memory_space<vmem>>, %arg4: memref<1024x128xf32, #tpu.memory_space<vmem>>, %arg5: memref<1024x128xf32, #tpu.memory_space<vmem>>) attributes {dimension_semantics = [#tpu.dimension_semantics<arbitrary>], iteration_bounds = array<i64: 10>, scalar_prefetch = 0 : i64, scratch_operands = 0 : i64, tpu.core_type = #tpu.core_type<tc>, window_params = [{transform_indices = @transform_0, window_bounds = array<i64: 2, 1024, 128>}, {transform_indices = @transform_1, window_bounds = array<i64: 1024, 256>}, {transform_indices = @transform_2, window_bounds = array<i64: 1024, 128>}, {transform_indices = @transform_3, window_bounds = array<i64: 1024, 128>}, {transform_indices = @transform_4, window_bounds = array<i64: 1024, 128>}]} {
    %get3A = arith.constant 0 : index
    %get3A_0 = arith.constant 0 : index
    %get3A_1 = arith.constant 0 : index
    %get3A_2 = vector.load %arg1[%get3A, %get3A_0, %get3A_1] : memref<2x1024x128xf32, #tpu.memory_space<vmem>>, vector<2x1024x128xf32>
    %slice3A = vector.extract_strided_slice %get3A_2 {offsets = [0, 0, 0], sizes = [1, 1024, 1], strides = [1, 1, 1]} : vector<2x1024x128xf32> to vector<1x1024x1xf32>
    %squeeze3A = vector.shape_cast %slice3A : vector<1x1024x1xf32> to vector<1024x1xf32>
    %slice3A_3 = vector.extract_strided_slice %get3A_2 {offsets = [1, 0, 0], sizes = [1, 1024, 1], strides = [1, 1, 1]} : vector<2x1024x128xf32> to vector<1x1024x1xf32>
    %squeeze3A_4 = vector.shape_cast %slice3A_3 : vector<1x1024x1xf32> to vector<1024x1xf32>
    %add3A = arith.addf %squeeze3A, %squeeze3A_4 : vector<1024x1xf32>
    %add3A_5 = arith.constant 1.000000e+00 : f32
    %add3A_6 = vector.broadcast %add3A_5 : f32 to vector<1024x1xf32>
    %add3A_7 = arith.addf %add3A, %add3A_6 : vector<1024x1xf32>
    %rsqrt3A = math.rsqrt %add3A_7 : vector<1024x1xf32>
    %iota3A = tpu.iota {dimensions = array<i32: 0>} : vector<1024x1xi32>
    %mul3A = arith.constant 1024 : i32
    %mul3A_8 = arith.muli %arg0, %mul3A : i32
    %add3A_9 = vector.broadcast %mul3A_8 : i32 to vector<1024x1xi32>
    %add3A_10 = arith.addi %iota3A, %add3A_9 : vector<1024x1xi32>
    %lt3A = arith.constant 10000 : i32
    %lt3A_11 = vector.broadcast %lt3A : i32 to vector<1024x1xi32>
    %lt3A_12 = arith.cmpi slt, %add3A_10, %lt3A_11 : vector<1024x1xi32>
    %jit3A = arith.constant 0.000000e+00 : f32
    %broadcast_in_dim3A = vector.broadcast %jit3A : f32 to vector<1024x1xf32>
    %select_n3A = arith.select %lt3A_12, %rsqrt3A, %broadcast_in_dim3A : vector<1024x1xi1>, vector<1024x1xf32>
    %get3A_13 = arith.constant 0 : index
    %get3A_14 = arith.constant 0 : index
    %get3A_15 = vector.load %arg2[%get3A_13, %get3A_14] : memref<1024x256xf32, #tpu.memory_space<vmem>>, vector<1024x256xf32>
    %mul3A_16 = vector.broadcast %select_n3A : vector<1024x1xf32> to vector<1024x256xf32>
    %mul3A_17 = arith.mulf %get3A_15, %mul3A_16 : vector<1024x256xf32>
    %jit3A_18 = arith.constant 0.000000e+00 : f32
    %broadcast_in_dim3A_19 = vector.shape_cast %lt3A_12 : vector<1024x1xi1> to vector<1024x1xi1>
    %broadcast_in_dim3A_20 = vector.broadcast %broadcast_in_dim3A_19 : vector<1024x1xi1> to vector<1024x256xi1>
    %broadcast_in_dim3A_21 = vector.broadcast %jit3A_18 : f32 to vector<1024x256xf32>
    %select_n3A_22 = arith.select %broadcast_in_dim3A_20, %mul3A_17, %broadcast_in_dim3A_21 : vector<1024x256xi1>, vector<1024x256xf32>
    %slice3A_23 = vector.extract_strided_slice %select_n3A_22 {offsets = [0, 0], sizes = [1024, 128], strides = [1, 1]} : vector<1024x256xf32> to vector<1024x128xf32>
    %swap3A = arith.constant 0 : index
    %swap3A_24 = arith.constant 0 : index
    %swap3A_25 = vector.load %arg3[%swap3A, %swap3A_24] : memref<1024x128xf32, #tpu.memory_space<vmem>>, vector<1024x128xf32>
    tpu.vector_store %arg3[%swap3A, %swap3A_24], %slice3A_23 {strides = array<i32>} : memref<1024x128xf32, #tpu.memory_space<vmem>>, vector<1024x128xf32>,
    %slice3A_26 = vector.extract_strided_slice %select_n3A_22 {offsets = [0, 128], sizes = [1024, 128], strides = [1, 1]} : vector<1024x256xf32> to vector<1024x128xf32>
    %swap3A_27 = arith.constant 0 : index
    %swap3A_28 = arith.constant 0 : index
    %swap3A_29 = vector.load %arg4[%swap3A_27, %swap3A_28] : memref<1024x128xf32, #tpu.memory_space<vmem>>, vector<1024x128xf32>
    tpu.vector_store %arg4[%swap3A_27, %swap3A_28], %slice3A_26 {strides = array<i32>} : memref<1024x128xf32, #tpu.memory_space<vmem>>, vector<1024x128xf32>,
    %broadcast_in_dim3A_30 = vector.shape_cast %select_n3A : vector<1024x1xf32> to vector<1024x1xf32>
    %broadcast_in_dim3A_31 = vector.broadcast %broadcast_in_dim3A_30 : vector<1024x1xf32> to vector<1024x128xf32>
    %swap3A_32 = arith.constant 0 : index
    %swap3A_33 = arith.constant 0 : index
    %swap3A_34 = vector.load %arg5[%swap3A_32, %swap3A_33] : memref<1024x128xf32, #tpu.memory_space<vmem>>, vector<1024x128xf32>
    tpu.vector_store %arg5[%swap3A_32, %swap3A_33], %broadcast_in_dim3A_31 {strides = array<i32>} : memref<1024x128xf32, #tpu.memory_space<vmem>>, vector<1024x128xf32>,
    return
  }
  func.func @transform_0(%arg0: i32) -> (i32, i32, i32) {
    %c0_i32 = arith.constant 0 : i32
    %c0_i32_0 = arith.constant 0 : i32
    %c0_i32_1 = arith.constant 0 : i32
    return %c0_i32, %arg0, %c0_i32_0 : i32, i32, i32
  }
  func.func @transform_1(%arg0: i32) -> (i32, i32) {
    %c0_i32 = arith.constant 0 : i32
    %c0_i32_0 = arith.constant 0 : i32
    return %arg0, %c0_i32 : i32, i32
  }
  func.func @transform_2(%arg0: i32) -> (i32, i32) {
    %c0_i32 = arith.constant 0 : i32
    %c0_i32_0 = arith.constant 0 : i32
    return %arg0, %c0_i32 : i32, i32
  }
  func.func @transform_3(%arg0: i32) -> (i32, i32) {
    %c0_i32 = arith.constant 0 : i32
    %c0_i32_0 = arith.constant 0 : i32
    return %arg0, %c0_i32 : i32, i32
  }
  func.func @transform_4(%arg0: i32) -> (i32, i32) {
    %c0_i32 = arith.constant 0 : i32
    %c0_i32_0 = arith.constant 0 : i32
    return %arg0, %c0_i32 : i32, i32
  }
}

module attributes {stable_mosaic.version = 14 : i64} {
  func.func @body(%arg0: i32, %arg1: memref<2x1024x128xf32, #tpu.memory_space<vmem>>, %arg2: memref<2x1024x128xf32, #tpu.memory_space<vmem>>, %arg3: memref<1024x128xf32, #tpu.memory_space<vmem>>, %arg4: memref<256x512xf32, #tpu.memory_space<vmem>>, %arg5: memref<1x512xf32, #tpu.memory_space<vmem>>, %arg6: memref<1x1xf32, #tpu.memory_space<smem>>, %arg7: memref<1024x128xf32, #tpu.memory_space<vmem>>, %arg8: memref<1024x128xf32, #tpu.memory_space<vmem>>, %arg9: memref<1024x128xf32, #tpu.memory_space<vmem>>, %arg10: memref<1024x128xf32, #tpu.memory_space<vmem>>) attributes {dimension_semantics = [#tpu.dimension_semantics<arbitrary>], iteration_bounds = array<i64: 10>, scalar_prefetch = 0 : i64, scratch_operands = 0 : i64, tpu.core_type = #tpu.core_type<tc>, window_params = [{transform_indices = @transform_0, window_bounds = array<i64: 2, 1024, 128>}, {transform_indices = @transform_1, window_bounds = array<i64: 2, 1024, 128>}, {transform_indices = @transform_2, window_bounds = array<i64: 1024, 128>}, {pipeline_mode = #tpu.pipeline_mode<synchronous>, transform_indices = @transform_3, window_bounds = array<i64: 256, 512>}, {pipeline_mode = #tpu.pipeline_mode<synchronous>, transform_indices = @transform_4, window_bounds = array<i64: 1, 512>}, {transform_indices = @transform_5, window_bounds = array<i64: 1, 1>}, {transform_indices = @transform_6, window_bounds = array<i64: 1024, 128>}, {transform_indices = @transform_7, window_bounds = array<i64: 1024, 128>}, {transform_indices = @transform_8, window_bounds = array<i64: 1024, 128>}, {transform_indices = @transform_9, window_bounds = array<i64: 1024, 128>}]} {
    %get3A = arith.constant 0 : index
    %get3A_0 = arith.constant 0 : index
    %get3A_1 = vector.load %arg3[%get3A, %get3A_0] : memref<1024x128xf32, #tpu.memory_space<vmem>>, vector<1024x1xf32>
    %get3A_2 = arith.constant 0 : index
    %get3A_3 = arith.constant 0 : index
    %get3A_4 = vector.load %arg5[%get3A_2, %get3A_3] : memref<1x512xf32, #tpu.memory_space<vmem>>, vector<1x512xf32>
    %get3A_5 = arith.constant 0 : index
    %get3A_6 = arith.constant 0 : index
    %get3A_7 = arith.constant 0 : index
    %get3A_8 = vector.load %arg1[%get3A_5, %get3A_6, %get3A_7] : memref<2x1024x128xf32, #tpu.memory_space<vmem>>, vector<1x1024x128xf32>
    %get3A_9 = vector.shape_cast %get3A_8 : vector<1x1024x128xf32> to vector<1024x128xf32>
    %get3A_10 = arith.constant 1 : index
    %get3A_11 = arith.constant 0 : index
    %get3A_12 = arith.constant 0 : index
    %get3A_13 = vector.load %arg1[%get3A_10, %get3A_11, %get3A_12] : memref<2x1024x128xf32, #tpu.memory_space<vmem>>, vector<1x1024x128xf32>
    %get3A_14 = vector.shape_cast %get3A_13 : vector<1x1024x128xf32> to vector<1024x128xf32>
    %add3A = arith.addf %get3A_9, %get3A_14 : vector<1024x128xf32>
    %mul3A = vector.broadcast %get3A_1 : vector<1024x1xf32> to vector<1024x128xf32>
    %mul3A_15 = arith.mulf %add3A, %mul3A : vector<1024x128xf32>
    %get3A_16 = arith.constant 0 : index
    %get3A_17 = arith.constant 0 : index
    %get3A_18 = vector.load %arg4[%get3A_16, %get3A_17] : memref<256x512xf32, #tpu.memory_space<vmem>>, vector<128x512xf32>
    %dot_general3A = arith.constant dense<0.000000e+00> : vector<1024x512xf32>
    %dot_general3A_19 = tpu.matmul %mul3A_15, %get3A_18, %dot_general3A {dimension_numbers = #tpu.dot_dimension_numbers<[1], [0], [0], [1], [0, 0, 1, 1], [], []>, transpose_lhs_hint = false} : vector<1024x128xf32>, vector<128x512xf32>, vector<1024x512xf32> -> vector<1024x512xf32>
    %add3A_20 = vector.broadcast %get3A_4 : vector<1x512xf32> to vector<1024x512xf32>
    %add3A_21 = arith.addf %add3A_20, %dot_general3A_19 : vector<1024x512xf32>
    %get3A_22 = arith.constant 0 : index
    %get3A_23 = arith.constant 0 : index
    %get3A_24 = arith.constant 0 : index
    %get3A_25 = vector.load %arg2[%get3A_22, %get3A_23, %get3A_24] : memref<2x1024x128xf32, #tpu.memory_space<vmem>>, vector<1x1024x128xf32>
    %get3A_26 = vector.shape_cast %get3A_25 : vector<1x1024x128xf32> to vector<1024x128xf32>
    %get3A_27 = arith.constant 1 : index
    %get3A_28 = arith.constant 0 : index
    %get3A_29 = arith.constant 0 : index
    %get3A_30 = vector.load %arg2[%get3A_27, %get3A_28, %get3A_29] : memref<2x1024x128xf32, #tpu.memory_space<vmem>>, vector<1x1024x128xf32>
    %get3A_31 = vector.shape_cast %get3A_30 : vector<1x1024x128xf32> to vector<1024x128xf32>
    %add3A_32 = arith.addf %get3A_26, %get3A_31 : vector<1024x128xf32>
    %mul3A_33 = vector.broadcast %get3A_1 : vector<1024x1xf32> to vector<1024x128xf32>
    %mul3A_34 = arith.mulf %add3A_32, %mul3A_33 : vector<1024x128xf32>
    %get3A_35 = arith.constant 128 : index
    %get3A_36 = arith.constant 0 : index
    %get3A_37 = vector.load %arg4[%get3A_35, %get3A_36] : memref<256x512xf32, #tpu.memory_space<vmem>>, vector<128x512xf32>
    %dot_general3A_38 = arith.constant dense<0.000000e+00> : vector<1024x512xf32>
    %dot_general3A_39 = tpu.matmul %mul3A_34, %get3A_37, %dot_general3A_38 {dimension_numbers = #tpu.dot_dimension_numbers<[1], [0], [0], [1], [0, 0, 1, 1], [], []>, transpose_lhs_hint = false} : vector<1024x128xf32>, vector<128x512xf32>, vector<1024x512xf32> -> vector<1024x512xf32>
    %add3A_40 = arith.addf %add3A_21, %dot_general3A_39 : vector<1024x512xf32>
    %get3A_41 = arith.constant 0 : index
    %get3A_42 = arith.constant 0 : index
    %get3A_43 = memref.load %arg6[%get3A_41, %get3A_42] : memref<1x1xf32, #tpu.memory_space<smem>>
    %ge3A = arith.constant 0.000000e+00 : f32
    %ge3A_44 = vector.broadcast %ge3A : f32 to vector<1024x512xf32>
    %ge3A_45 = arith.cmpf oge, %add3A_40, %ge3A_44 : vector<1024x512xf32>
    %mul3A_46 = vector.broadcast %get3A_43 : f32 to vector<1024x512xf32>
    %mul3A_47 = arith.mulf %mul3A_46, %add3A_40 : vector<1024x512xf32>
    %select_n3A = arith.select %ge3A_45, %add3A_40, %mul3A_47 : vector<1024x512xi1>, vector<1024x512xf32>
    %mul3A_48 = vector.broadcast %get3A_1 : vector<1024x1xf32> to vector<1024x512xf32>
    %mul3A_49 = arith.mulf %select_n3A, %mul3A_48 : vector<1024x512xf32>
    %slice3A = vector.extract_strided_slice %mul3A_49 {offsets = [0, 0], sizes = [1024, 128], strides = [1, 1]} : vector<1024x512xf32> to vector<1024x128xf32>
    %swap3A = arith.constant 0 : index
    %swap3A_50 = arith.constant 0 : index
    %swap3A_51 = vector.load %arg7[%swap3A, %swap3A_50] : memref<1024x128xf32, #tpu.memory_space<vmem>>, vector<1024x128xf32>
    tpu.vector_store %arg7[%swap3A, %swap3A_50], %slice3A {strides = array<i32>} : memref<1024x128xf32, #tpu.memory_space<vmem>>, vector<1024x128xf32>,
    %slice3A_52 = vector.extract_strided_slice %mul3A_49 {offsets = [0, 128], sizes = [1024, 128], strides = [1, 1]} : vector<1024x512xf32> to vector<1024x128xf32>
    %swap3A_53 = arith.constant 0 : index
    %swap3A_54 = arith.constant 0 : index
    %swap3A_55 = vector.load %arg8[%swap3A_53, %swap3A_54] : memref<1024x128xf32, #tpu.memory_space<vmem>>, vector<1024x128xf32>
    tpu.vector_store %arg8[%swap3A_53, %swap3A_54], %slice3A_52 {strides = array<i32>} : memref<1024x128xf32, #tpu.memory_space<vmem>>, vector<1024x128xf32>,
    %slice3A_56 = vector.extract_strided_slice %mul3A_49 {offsets = [0, 256], sizes = [1024, 128], strides = [1, 1]} : vector<1024x512xf32> to vector<1024x128xf32>
    %swap3A_57 = arith.constant 0 : index
    %swap3A_58 = arith.constant 0 : index
    %swap3A_59 = vector.load %arg9[%swap3A_57, %swap3A_58] : memref<1024x128xf32, #tpu.memory_space<vmem>>, vector<1024x128xf32>
    tpu.vector_store %arg9[%swap3A_57, %swap3A_58], %slice3A_56 {strides = array<i32>} : memref<1024x128xf32, #tpu.memory_space<vmem>>, vector<1024x128xf32>,
    %slice3A_60 = vector.extract_strided_slice %mul3A_49 {offsets = [0, 384], sizes = [1024, 128], strides = [1, 1]} : vector<1024x512xf32> to vector<1024x128xf32>
    %swap3A_61 = arith.constant 0 : index
    %swap3A_62 = arith.constant 0 : index
    %swap3A_63 = vector.load %arg10[%swap3A_61, %swap3A_62] : memref<1024x128xf32, #tpu.memory_space<vmem>>, vector<1024x128xf32>
    tpu.vector_store %arg10[%swap3A_61, %swap3A_62], %slice3A_60 {strides = array<i32>} : memref<1024x128xf32, #tpu.memory_space<vmem>>, vector<1024x128xf32>,
    return
  }
  func.func @transform_0(%arg0: i32) -> (i32, i32, i32) {
    %c0_i32 = arith.constant 0 : i32
    %c0_i32_0 = arith.constant 0 : i32
    %c0_i32_1 = arith.constant 0 : i32
    return %c0_i32, %arg0, %c0_i32_0 : i32, i32, i32
  }
  func.func @transform_1(%arg0: i32) -> (i32, i32, i32) {
    %c0_i32 = arith.constant 0 : i32
    %c0_i32_0 = arith.constant 0 : i32
    %c0_i32_1 = arith.constant 0 : i32
    return %c0_i32, %arg0, %c0_i32_0 : i32, i32, i32
  }
  func.func @transform_2(%arg0: i32) -> (i32, i32) {
    %c0_i32 = arith.constant 0 : i32
    %c0_i32_0 = arith.constant 0 : i32
    return %arg0, %c0_i32 : i32, i32
  }
  func.func @transform_3(%arg0: i32) -> (i32, i32) {
    %c0_i32 = arith.constant 0 : i32
    %c0_i32_0 = arith.constant 0 : i32
    %c0_i32_1 = arith.constant 0 : i32
    return %c0_i32, %c0_i32_0 : i32, i32
  }
  func.func @transform_4(%arg0: i32) -> (i32, i32) {
    %c0_i32 = arith.constant 0 : i32
    %c0_i32_0 = arith.constant 0 : i32
    %c0_i32_1 = arith.constant 0 : i32
    return %c0_i32, %c0_i32_0 : i32, i32
  }
  func.func @transform_5(%arg0: i32) -> (i32, i32) {
    %c0_i32 = arith.constant 0 : i32
    %c0_i32_0 = arith.constant 0 : i32
    %c0_i32_1 = arith.constant 0 : i32
    return %c0_i32, %c0_i32_0 : i32, i32
  }
  func.func @transform_6(%arg0: i32) -> (i32, i32) {
    %c0_i32 = arith.constant 0 : i32
    %c0_i32_0 = arith.constant 0 : i32
    return %arg0, %c0_i32 : i32, i32
  }
  func.func @transform_7(%arg0: i32) -> (i32, i32) {
    %c0_i32 = arith.constant 0 : i32
    %c0_i32_0 = arith.constant 0 : i32
    return %arg0, %c0_i32 : i32, i32
  }
  func.func @transform_8(%arg0: i32) -> (i32, i32) {
    %c0_i32 = arith.constant 0 : i32
    %c0_i32_0 = arith.constant 0 : i32
    return %arg0, %c0_i32 : i32, i32
  }
  func.func @transform_9(%arg0: i32) -> (i32, i32) {
    %c0_i32 = arith.constant 0 : i32
    %c0_i32_0 = arith.constant 0 : i32
    return %arg0, %c0_i32 : i32, i32
  }
}

module attributes {stable_mosaic.version = 14 : i64} {
  func.func @body(%arg0: i32, %arg1: memref<2x1024x128xf32, #tpu.memory_space<vmem>>, %arg2: memref<2x1024x128xf32, #tpu.memory_space<vmem>>, %arg3: memref<2x1024x128xf32, #tpu.memory_space<vmem>>, %arg4: memref<2x1024x128xf32, #tpu.memory_space<vmem>>, %arg5: memref<1024x128xf32, #tpu.memory_space<vmem>>, %arg6: memref<512x512xf32, #tpu.memory_space<vmem>>, %arg7: memref<1x512xf32, #tpu.memory_space<vmem>>, %arg8: memref<1x1xf32, #tpu.memory_space<smem>>, %arg9: memref<1024x512xf32, #tpu.memory_space<vmem>>) attributes {dimension_semantics = [#tpu.dimension_semantics<arbitrary>], iteration_bounds = array<i64: 10>, scalar_prefetch = 0 : i64, scratch_operands = 0 : i64, tpu.core_type = #tpu.core_type<tc>, window_params = [{transform_indices = @transform_0, window_bounds = array<i64: 2, 1024, 128>}, {transform_indices = @transform_1, window_bounds = array<i64: 2, 1024, 128>}, {transform_indices = @transform_2, window_bounds = array<i64: 2, 1024, 128>}, {transform_indices = @transform_3, window_bounds = array<i64: 2, 1024, 128>}, {transform_indices = @transform_4, window_bounds = array<i64: 1024, 128>}, {pipeline_mode = #tpu.pipeline_mode<synchronous>, transform_indices = @transform_5, window_bounds = array<i64: 512, 512>}, {pipeline_mode = #tpu.pipeline_mode<synchronous>, transform_indices = @transform_6, window_bounds = array<i64: 1, 512>}, {transform_indices = @transform_7, window_bounds = array<i64: 1, 1>}, {transform_indices = @transform_8, window_bounds = array<i64: 1024, 512>}]} {
    %get3A = arith.constant 0 : index
    %get3A_0 = arith.constant 0 : index
    %get3A_1 = vector.load %arg5[%get3A, %get3A_0] : memref<1024x128xf32, #tpu.memory_space<vmem>>, vector<1024x1xf32>
    %get3A_2 = arith.constant 0 : index
    %get3A_3 = arith.constant 0 : index
    %get3A_4 = vector.load %arg7[%get3A_2, %get3A_3] : memref<1x512xf32, #tpu.memory_space<vmem>>, vector<1x512xf32>
    %get3A_5 = arith.constant 0 : index
    %get3A_6 = arith.constant 0 : index
    %get3A_7 = arith.constant 0 : index
    %get3A_8 = vector.load %arg1[%get3A_5, %get3A_6, %get3A_7] : memref<2x1024x128xf32, #tpu.memory_space<vmem>>, vector<1x1024x128xf32>
    %get3A_9 = vector.shape_cast %get3A_8 : vector<1x1024x128xf32> to vector<1024x128xf32>
    %get3A_10 = arith.constant 1 : index
    %get3A_11 = arith.constant 0 : index
    %get3A_12 = arith.constant 0 : index
    %get3A_13 = vector.load %arg1[%get3A_10, %get3A_11, %get3A_12] : memref<2x1024x128xf32, #tpu.memory_space<vmem>>, vector<1x1024x128xf32>
    %get3A_14 = vector.shape_cast %get3A_13 : vector<1x1024x128xf32> to vector<1024x128xf32>
    %add3A = arith.addf %get3A_9, %get3A_14 : vector<1024x128xf32>
    %mul3A = vector.broadcast %get3A_1 : vector<1024x1xf32> to vector<1024x128xf32>
    %mul3A_15 = arith.mulf %add3A, %mul3A : vector<1024x128xf32>
    %get3A_16 = arith.constant 0 : index
    %get3A_17 = arith.constant 0 : index
    %get3A_18 = vector.load %arg6[%get3A_16, %get3A_17] : memref<512x512xf32, #tpu.memory_space<vmem>>, vector<128x512xf32>
    %dot_general3A = arith.constant dense<0.000000e+00> : vector<1024x512xf32>
    %dot_general3A_19 = tpu.matmul %mul3A_15, %get3A_18, %dot_general3A {dimension_numbers = #tpu.dot_dimension_numbers<[1], [0], [0], [1], [0, 0, 1, 1], [], []>, transpose_lhs_hint = false} : vector<1024x128xf32>, vector<128x512xf32>, vector<1024x512xf32> -> vector<1024x512xf32>
    %add3A_20 = vector.broadcast %get3A_4 : vector<1x512xf32> to vector<1024x512xf32>
    %add3A_21 = arith.addf %add3A_20, %dot_general3A_19 : vector<1024x512xf32>
    %get3A_22 = arith.constant 0 : index
    %get3A_23 = arith.constant 0 : index
    %get3A_24 = arith.constant 0 : index
    %get3A_25 = vector.load %arg2[%get3A_22, %get3A_23, %get3A_24] : memref<2x1024x128xf32, #tpu.memory_space<vmem>>, vector<1x1024x128xf32>
    %get3A_26 = vector.shape_cast %get3A_25 : vector<1x1024x128xf32> to vector<1024x128xf32>
    %get3A_27 = arith.constant 1 : index
    %get3A_28 = arith.constant 0 : index
    %get3A_29 = arith.constant 0 : index
    %get3A_30 = vector.load %arg2[%get3A_27, %get3A_28, %get3A_29] : memref<2x1024x128xf32, #tpu.memory_space<vmem>>, vector<1x1024x128xf32>
    %get3A_31 = vector.shape_cast %get3A_30 : vector<1x1024x128xf32> to vector<1024x128xf32>
    %add3A_32 = arith.addf %get3A_26, %get3A_31 : vector<1024x128xf32>
    %mul3A_33 = vector.broadcast %get3A_1 : vector<1024x1xf32> to vector<1024x128xf32>
    %mul3A_34 = arith.mulf %add3A_32, %mul3A_33 : vector<1024x128xf32>
    %get3A_35 = arith.constant 128 : index
    %get3A_36 = arith.constant 0 : index
    %get3A_37 = vector.load %arg6[%get3A_35, %get3A_36] : memref<512x512xf32, #tpu.memory_space<vmem>>, vector<128x512xf32>
    %dot_general3A_38 = arith.constant dense<0.000000e+00> : vector<1024x512xf32>
    %dot_general3A_39 = tpu.matmul %mul3A_34, %get3A_37, %dot_general3A_38 {dimension_numbers = #tpu.dot_dimension_numbers<[1], [0], [0], [1], [0, 0, 1, 1], [], []>, transpose_lhs_hint = false} : vector<1024x128xf32>, vector<128x512xf32>, vector<1024x512xf32> -> vector<1024x512xf32>
    %add3A_40 = arith.addf %add3A_21, %dot_general3A_39 : vector<1024x512xf32>
    %get3A_41 = arith.constant 0 : index
    %get3A_42 = arith.constant 0 : index
    %get3A_43 = arith.constant 0 : index
    %get3A_44 = vector.load %arg3[%get3A_41, %get3A_42, %get3A_43] : memref<2x1024x128xf32, #tpu.memory_space<vmem>>, vector<1x1024x128xf32>
    %get3A_45 = vector.shape_cast %get3A_44 : vector<1x1024x128xf32> to vector<1024x128xf32>
    %get3A_46 = arith.constant 1 : index
    %get3A_47 = arith.constant 0 : index
    %get3A_48 = arith.constant 0 : index
    %get3A_49 = vector.load %arg3[%get3A_46, %get3A_47, %get3A_48] : memref<2x1024x128xf32, #tpu.memory_space<vmem>>, vector<1x1024x128xf32>
    %get3A_50 = vector.shape_cast %get3A_49 : vector<1x1024x128xf32> to vector<1024x128xf32>
    %add3A_51 = arith.addf %get3A_45, %get3A_50 : vector<1024x128xf32>
    %mul3A_52 = vector.broadcast %get3A_1 : vector<1024x1xf32> to vector<1024x128xf32>
    %mul3A_53 = arith.mulf %add3A_51, %mul3A_52 : vector<1024x128xf32>
    %get3A_54 = arith.constant 256 : index
    %get3A_55 = arith.constant 0 : index
    %get3A_56 = vector.load %arg6[%get3A_54, %get3A_55] : memref<512x512xf32, #tpu.memory_space<vmem>>, vector<128x512xf32>
    %dot_general3A_57 = arith.constant dense<0.000000e+00> : vector<1024x512xf32>
    %dot_general3A_58 = tpu.matmul %mul3A_53, %get3A_56, %dot_general3A_57 {dimension_numbers = #tpu.dot_dimension_numbers<[1], [0], [0], [1], [0, 0, 1, 1], [], []>, transpose_lhs_hint = false} : vector<1024x128xf32>, vector<128x512xf32>, vector<1024x512xf32> -> vector<1024x512xf32>
    %add3A_59 = arith.addf %add3A_40, %dot_general3A_58 : vector<1024x512xf32>
    %get3A_60 = arith.constant 0 : index
    %get3A_61 = arith.constant 0 : index
    %get3A_62 = arith.constant 0 : index
    %get3A_63 = vector.load %arg4[%get3A_60, %get3A_61, %get3A_62] : memref<2x1024x128xf32, #tpu.memory_space<vmem>>, vector<1x1024x128xf32>
    %get3A_64 = vector.shape_cast %get3A_63 : vector<1x1024x128xf32> to vector<1024x128xf32>
    %get3A_65 = arith.constant 1 : index
    %get3A_66 = arith.constant 0 : index
    %get3A_67 = arith.constant 0 : index
    %get3A_68 = vector.load %arg4[%get3A_65, %get3A_66, %get3A_67] : memref<2x1024x128xf32, #tpu.memory_space<vmem>>, vector<1x1024x128xf32>
    %get3A_69 = vector.shape_cast %get3A_68 : vector<1x1024x128xf32> to vector<1024x128xf32>
    %add3A_70 = arith.addf %get3A_64, %get3A_69 : vector<1024x128xf32>
    %mul3A_71 = vector.broadcast %get3A_1 : vector<1024x1xf32> to vector<1024x128xf32>
    %mul3A_72 = arith.mulf %add3A_70, %mul3A_71 : vector<1024x128xf32>
    %get3A_73 = arith.constant 384 : index
    %get3A_74 = arith.constant 0 : index
    %get3A_75 = vector.load %arg6[%get3A_73, %get3A_74] : memref<512x512xf32, #tpu.memory_space<vmem>>, vector<128x512xf32>
    %dot_general3A_76 = arith.constant dense<0.000000e+00> : vector<1024x512xf32>
    %dot_general3A_77 = tpu.matmul %mul3A_72, %get3A_75, %dot_general3A_76 {dimension_numbers = #tpu.dot_dimension_numbers<[1], [0], [0], [1], [0, 0, 1, 1], [], []>, transpose_lhs_hint = false} : vector<1024x128xf32>, vector<128x512xf32>, vector<1024x512xf32> -> vector<1024x512xf32>
    %add3A_78 = arith.addf %add3A_59, %dot_general3A_77 : vector<1024x512xf32>
    %get3A_79 = arith.constant 0 : index
    %get3A_80 = arith.constant 0 : index
    %get3A_81 = memref.load %arg8[%get3A_79, %get3A_80] : memref<1x1xf32, #tpu.memory_space<smem>>
    %ge3A = arith.constant 0.000000e+00 : f32
    %ge3A_82 = vector.broadcast %ge3A : f32 to vector<1024x512xf32>
    %ge3A_83 = arith.cmpf oge, %add3A_78, %ge3A_82 : vector<1024x512xf32>
    %mul3A_84 = vector.broadcast %get3A_81 : f32 to vector<1024x512xf32>
    %mul3A_85 = arith.mulf %mul3A_84, %add3A_78 : vector<1024x512xf32>
    %select_n3A = arith.select %ge3A_83, %add3A_78, %mul3A_85 : vector<1024x512xi1>, vector<1024x512xf32>
    %swap3A = arith.constant 0 : index
    %swap3A_86 = arith.constant 0 : index
    %swap3A_87 = vector.load %arg9[%swap3A, %swap3A_86] : memref<1024x512xf32, #tpu.memory_space<vmem>>, vector<1024x512xf32>
    tpu.vector_store %arg9[%swap3A, %swap3A_86], %select_n3A {strides = array<i32>} : memref<1024x512xf32, #tpu.memory_space<vmem>>, vector<1024x512xf32>,
    return
  }
  func.func @transform_0(%arg0: i32) -> (i32, i32, i32) {
    %c0_i32 = arith.constant 0 : i32
    %c0_i32_0 = arith.constant 0 : i32
    %c0_i32_1 = arith.constant 0 : i32
    return %c0_i32, %arg0, %c0_i32_0 : i32, i32, i32
  }
  func.func @transform_1(%arg0: i32) -> (i32, i32, i32) {
    %c0_i32 = arith.constant 0 : i32
    %c0_i32_0 = arith.constant 0 : i32
    %c0_i32_1 = arith.constant 0 : i32
    return %c0_i32, %arg0, %c0_i32_0 : i32, i32, i32
  }
  func.func @transform_2(%arg0: i32) -> (i32, i32, i32) {
    %c0_i32 = arith.constant 0 : i32
    %c0_i32_0 = arith.constant 0 : i32
    %c0_i32_1 = arith.constant 0 : i32
    return %c0_i32, %arg0, %c0_i32_0 : i32, i32, i32
  }
  func.func @transform_3(%arg0: i32) -> (i32, i32, i32) {
    %c0_i32 = arith.constant 0 : i32
    %c0_i32_0 = arith.constant 0 : i32
    %c0_i32_1 = arith.constant 0 : i32
    return %c0_i32, %arg0, %c0_i32_0 : i32, i32, i32
  }
  func.func @transform_4(%arg0: i32) -> (i32, i32) {
    %c0_i32 = arith.constant 0 : i32
    %c0_i32_0 = arith.constant 0 : i32
    return %arg0, %c0_i32 : i32, i32
  }
  func.func @transform_5(%arg0: i32) -> (i32, i32) {
    %c0_i32 = arith.constant 0 : i32
    %c0_i32_0 = arith.constant 0 : i32
    %c0_i32_1 = arith.constant 0 : i32
    return %c0_i32, %c0_i32_0 : i32, i32
  }
  func.func @transform_6(%arg0: i32) -> (i32, i32) {
    %c0_i32 = arith.constant 0 : i32
    %c0_i32_0 = arith.constant 0 : i32
    %c0_i32_1 = arith.constant 0 : i32
    return %c0_i32, %c0_i32_0 : i32, i32
  }
  func.func @transform_7(%arg0: i32) -> (i32, i32) {
    %c0_i32 = arith.constant 0 : i32
    %c0_i32_0 = arith.constant 0 : i32
    %c0_i32_1 = arith.constant 0 : i32
    return %c0_i32, %c0_i32_0 : i32, i32
  }
  func.func @transform_8(%arg0: i32) -> (i32, i32) {
    %c0_i32 = arith.constant 0 : i32
    %c0_i32_0 = arith.constant 0 : i32
    return %arg0, %c0_i32 : i32, i32
  }
}

</mosaic_0001>

<sc_bundles>
// kernel: kernel.11.cloned.1.call-start
scs
__scs_entry_jumppad:
0x0: {  	(pc) =	sbr.rel $0x88, $3  }
0x1: {  	(tag) =	ssettag $0x0;
	lr =	simm.s32 $0x1  }
0x2: {  	[smem:$0x3F9A] =	sst lr;
	_ =	strace $0xD0000000  }
0x3: {  	_ = 	snop  }
0x4: {  	_ = 	snop  }
0x5: {  	_ = 	snop  }
0x6: {  	_ = 	snop  }
0x7: {  	_ = 	snop  }
__scs_overlays_trampoline_lowered:
0x8: {  	[smem:$0x3FA9] =	sst s0  }
0x9: {  	[smem:$0x3FAA] =	sst s1  }
0xa: {  	[smem:$0x3FAB] =	sst s2  }
0xb: {  	[smem:$0x3FAC] =	sst s3  }
0xc: {  	[smem:$0x3FAD] =	sst s4  }
0xd: {  	[smem:$0x3FAE] =	sst s5  }
0xe: {  	[smem:$0x3FAF] =	sst s6  }
0xf: {  	[smem:$0x3FB0] =	sst s7  }
0x10: {  	[smem:$0x3FB1] =	sst s8  }
0x11: {  	[smem:$0x3FB2] =	sst s9;
	s0 =	simm.s32 @!p0 $0x0  }
0x12: {  	s1 =	sld [smem:$0x3F98];
	s0 =	simm.s32 @p0 $0x1  }
0x13: {  	[smem:$0x3FB3] =	sst s0;
	s0 =	simm.s32 @!p1 $0x0  }
0x14: {  	s2 =	sld [smem:$0x3F97];
	s0 =	simm.s32 @p1 $0x1  }
0x15: {  	[smem:$0x3FB4] =	sst s0;
	s0 =	simm.s32 @!p2 $0x0  }
0x16: {  	s3 =	sld [smem:$0x3FDB];
	s0 =	simm.s32 @p2 $0x1  }
0x17: {  	s4 =	simm.s32 $0x1BF5;
	[smem:$0x3FB6] =	sst s0  }
0x18: {  	s0 =	sld [smem:$0x3F99];
	_ =	swait.ge [sflag:s4], $0x0  }
0x19: {  	s7 =	sld [smem:$0x3F9A]  }
0x1a: {  	s8 =	sadd.s32 $0xFFFFE003, lr  }
0x1b: {  	s9 =	sadd.s32 $0xFFFFFEF7, lr;
	s5 =	simm.s32 $0xFFFFFFFF;
	p2 =	slt.u32 s8, $0xFFFFF086  }
0x1c: {  	p1 =	slt.u32 s9, $0xF7A;
	s5 =	simm.s32 @!p2 $0x0  }
0x1d: {  	s5 =	simm.s32 @p1 $0x1;
	p0 =	seq.s32 s7, s2  }
0x1e: {  	s7 =	smul.u32 @!p0 $0xF7A, s2;
	p2 =	seq.s32 @!p0 s5, $0x0  }
0x1f: {  	s9 =	smul.u32 $0xF7A, s1;
	s8 =	simm.s32 @!p0 $0x1BF5;
	p2 =	por !p2, p0  }
0x20: {  	[sflag:s8] =	ssyncset.s32 @!p0 $0xFFFFF086;
	s6 =	sadd.s32 @!p0 s3, s7;
	s7 =	simm.s32 @!p0 $0x108  }
0x21: {  	s3 =	sadd.s32 s3, s9;
	s6 =	sadd.s32 @!p0 $0x88, s6;
	s7 =	simm.s32 @p2 $0x1082  }
0x22: {  	[simem:s7], [sflag:s8] =	dma.local @!p0 [hbm:s6], $0xF7A  }
0x23: {  	s9 =	sor.u32 $0xD0000000, s2;
	s6 =	simm.s32 $0x108;
	_ =	swait.ge @!p0 [sflag:s8], $0x0  }
0x24: {  	s3 =	sadd.s32 $0x88, s3;
	s6 =	simm.s32 @!p1 $0x1082;
	[sflag:s4] =	ssyncset.s32 $0xFFFFF086  }
0x25: {  	[simem:s6], [sflag:s4] =	dma.local [hbm:s3], $0xF7A  }
0x26: {  	[smem:$0x3F9A] =	sst s1;
	(tag) =	ssettag s2;
	_ =	strace s9  }
0x27: {  	s1 =	sld [smem:$0x3FAA]  }
0x28: {  	s2 =	sld [smem:$0x3FAB]  }
0x29: {  	s4 =	sld [smem:$0x3FAD]  }
0x2a: {  	p0 =	seq.s32 s5, $0x0;
	s5 =	sld [smem:$0x3FAE]  }
0x2b: {  	s6 =	sld [smem:$0x3FAF]  }
0x2c: {  	s7 =	sld [smem:$0x3FB0]  }
0x2d: {  	s3 =	simm.s32 $0x108;
	s8 =	sld [smem:$0x3FB1]  }
0x2e: {  	s3 =	simm.s32 @!p0 $0x1082;
	s9 =	sld [smem:$0x3FB2]  }
0x2f: {  	lr =	sadd.s32 s0, s3;
	s0 =	sld [smem:$0x3FA9]  }
0x30: {  	s3 =	sld [smem:$0x3FAC]  }
0x31: {  	[smem:$0x3FB5] =	sst s10  }
0x32: {  	s10 =	sld [smem:$0x3FB3];
	_ =	sdelay $0x3  }
0x33: {  	p0 =	seq.s32 s10, $0x1;
	s10 =	sld [smem:$0x3FB5];
	_ =	sdelay $0x3  }
0x34: {  	[smem:$0x3FB5] =	sst s10  }
0x35: {  	s10 =	sld [smem:$0x3FB4];
	_ =	sdelay $0x3  }
0x36: {  	p1 =	seq.s32 s10, $0x1;
	s10 =	sld [smem:$0x3FB5];
	_ =	sdelay $0x3  }
0x37: {  	[smem:$0x3FB5] =	sst s10  }
0x38: {  	s10 =	sld [smem:$0x3FB6]  }
0x39: {  	_ = 	snop;
	(pc) =	sbr.ind lr, $3  }
0x3a: {  	_ = 	snop  }
0x3b: {  	_ = 	snop  }
0x3c: {  	p2 =	seq.s32 s10, $0x1;
	s10 =	sld [smem:$0x3FB5]  }
0x3d: {  	_ =	shalt  }
0x3e: {  	_ =	shalt  }
0x3f: {  	_ =	shalt  }
0x40: {  	_ =	shalt  }
0x41: {  	_ =	shalt  }
0x42: {  	_ =	shalt  }
0x43: {  	_ =	shalt  }
0x44: {  	_ =	shalt  }
0x45: {  	_ =	shalt  }
0x46: {  	_ =	shalt  }
0x47: {  	_ =	shalt  }
0x48: {  	_ =	shalt  }
0x49: {  	_ =	shalt  }
0x4a: {  	_ =	shalt  }
0x4b: {  	_ =	shalt  }
0x4c: {  	_ =	shalt  }
0x4d: {  	_ =	shalt  }
0x4e: {  	_ =	shalt  }
0x4f: {  	_ =	shalt  }
0x50: {  	_ =	shalt  }
0x51: {  	_ =	shalt  }
0x52: {  	_ =	shalt  }
0x53: {  	_ =	shalt  }
0x54: {  	_ =	shalt  }
0x55: {  	_ =	shalt  }
0x56: {  	_ =	shalt  }
0x57: {  	_ =	shalt  }
0x58: {  	_ =	shalt  }
0x59: {  	_ =	shalt  }
0x5a: {  	_ =	shalt  }
0x5b: {  	_ =	shalt  }
0x5c: {  	_ =	shalt  }
0x5d: {  	_ =	shalt  }
0x5e: {  	_ =	shalt  }
0x5f: {  	_ =	shalt  }
0x60: {  	_ =	shalt  }
0x61: {  	_ =	shalt  }
0x62: {  	_ =	shalt  }
0x63: {  	_ =	shalt  }
0x64: {  	_ =	shalt  }
0x65: {  	_ =	shalt  }
0x66: {  	_ =	shalt  }
0x67: {  	_ =	shalt  }
0x68: {  	_ =	shalt  }
0x69: {  	_ =	shalt  }
0x6a: {  	_ =	shalt  }
0x6b: {  	_ =	shalt  }
0x6c: {  	_ =	shalt  }
0x6d: {  	_ =	shalt  }
0x6e: {  	_ =	shalt  }
0x6f: {  	_ =	shalt  }
0x70: {  	_ =	shalt  }
0x71: {  	_ =	shalt  }
0x72: {  	_ =	shalt  }
0x73: {  	_ =	shalt  }
0x74: {  	_ =	shalt  }
0x75: {  	_ =	shalt  }
0x76: {  	_ =	shalt  }
0x77: {  	_ =	shalt  }
0x78: {  	_ =	shalt  }
0x79: {  	_ =	shalt  }
0x7a: {  	_ =	shalt  }
0x7b: {  	_ =	shalt  }
0x7c: {  	_ =	shalt  }
0x7d: {  	_ =	shalt  }
0x7e: {  	_ =	shalt  }
0x7f: {  	_ =	shalt  }
0x80: {  	_ =	shalt  }
0x81: {  	_ =	shalt  }
0x82: {  	_ =	shalt  }
0x83: {  	_ =	shalt  }
0x84: {  	_ =	shalt  }
0x85: {  	_ =	shalt  }
0x86: {  	_ =	shalt  }
0x87: {  	_ =	shalt  }
.Lfunc_end0:
.L_simem_size_0:
called_computation.1_lowered:
.L_overlay_start_0:
0x88: {  	s2 =	sld [smem:$0x3FD9]  }
0x89: {  	s3 =	sld [smem:$0x3FFE];
	_ =	sdelay $0x1  }
0x8a: {  	s1 =	srdreg.scid  }
0x8b: {  	s0 =	sand.u32 $0x1, s1  }
0x8c: {  	s17 =	sshll.u32 s0, $0xA;
	s2 =	sadd.s32 s3, s2  }
0x8d: {  	s2 =	sadd.s32 s2, s17  }
0x8e: {  	[smem:$0x3FC1] =	sst s2  }
0x8f: {  	_ = 	snop  }
0x90: {  	s2 =	sld [smem:$0x3FD0];
	(tm) =	ssettm $0x1  }
0x91: {  	s18 =	sld [smem:$0x3FFB];
	_ =	sdelay $0x3  }
0x92: {  	_ =	strace s18  }
0x93: {  	s3 =	sld [smem:$0x3FFC];
	_ =	sdelay $0x3  }
0x94: {  	_ =	strace s3  }
0x95: {  	s3 =	sld [smem:$0x3FFD];
	_ =	sdelay $0x3  }
0x96: {  	_ =	strace s3  }
0x97: {  	_ =	strace $0x8FFFFFFF  }
0x98: {  	s19 =	sld [smem:$0x3FDB];
	_ =	sdelay $0x1  }
0x99: {  	s4 =	simm.s32 $_scs_section_size  }
0x9a: {  	s5 =	simm.s32 $_size__tile_overlayer_lowered;
	s6 =	simm.s32 $_tile_overlayer_lowered  }
0x9b: {  	s22 =	simm.s32 $0x1BFF;
	s21 =	sshll.u32 s6, $0x1;
	s3 =	sadd.s32 s4, s19  }
0x9c: {  	s7 =	simm.s32 $0x0;
	s20 =	sshll.u32 s5, $0x1;
	s5 =	sadd.s32 s21, s3  }
0x9d: {  	[timem:s7], [sflag:s22] =	dma.local [hbm:s5], s20  }
0x9e: {  	_ =	swait.ge [sflag:s22], s20  }
0x9f: {  	s4 =	ssub.s32 $0x0, s20;
	[sflag:s22] =	ssyncset.done $0x0  }
0xa0: {  	[sflag:s22] =	ssyncadd.s32 s4;
	_ =	sdelay $0x1  }
0xa1: {  	s23 =	simm.s32 $0x1B8B  }
0xa2: {  	_ =	swait.ge [sflag:s23], $0x1  }
0xa3: {  	[sflag:s23] =	ssyncset.done $0x0  }
0xa4: {  	s25 =	simm.s32 $0x1B8E;
	s24 =	sld [smem:$0x3FFE];
	[sflag:s23] =	ssyncadd.s32 $0xFFFFFFFF  }
0xa5: {  	s26 =	simm.s32 $execute0_lowered;
	[smem:$0x3FD2] =	sst s25  }
0xa6: {  	s5 =	sshll.u32 s26, $0x1;
	_ =	strace $0x80000049;
	[dreg:$0x1] =	wrdreg $0xFFFFFFFF  }
0xa7: {  	s28 =	simm.s32 $_size_execute0_lowered;
	s3 =	sadd.s32 s3, s5;
	[dreg:$0x0] =	wrdreg $0x0  }
0xa8: {  	s5 =	sshll.u32 s28, $0x1;
	[dreg:$0x2] =	wrdreg s3  }
0xa9: {  	[dreg:$0x3] =	wrdreg s5  }
0xaa: {  	[dreg:$0x4] =	wrdreg $0xC0  }
0xab: {  	_ =	task [dreg:s7], $0x5FFFF  }
0xac: {  	[dreg:$0x1] =	wrdreg $0xFFFFFFFF  }
0xad: {  	[dreg:$0x0] =	wrdreg $0x60  }
0xae: {  	[dreg:$0x2] =	wrdreg s24  }
0xaf: {  	[dreg:$0x3] =	wrdreg s2  }
0xb0: {  	[dreg:$0x4] =	wrdreg $0x0  }
0xb1: {  	[dreg:$0x5] =	wrdreg $0x9  }
0xb2: {  	_ =	task.clear_ibuf [dreg:s7], $0x6FFFF;
	_ =	strace $0x90000049  }
0xb3: {  	s29 =	simm.s32 $0x9;
	_ =	strace $0x8000004B  }
0xb4: {  	_ =	swait.ge [sflag:s29], $0x1  }
0xb5: {  	[sflag:s29] =	ssyncadd.s32 $0xFFFFFFFF  }
0xb6: {  	_ =	strace $0x9000004B  }
0xb7: {  	_ =	sfence  }
0xb8: {  	s30 =	sld [smem:$0x0];
	_ =	sdelay $0x2  }
0xb9: {  	s31 =	sshll.u32 s1, $0xD;
	s1 =	sshrl.u32 s1, $0x2  }
0xba: {  	s3 =	sand.u32 $0x4000, s31;
	s1 =	sadd.s32 s1, s30  }
0xbb: {  	s0 =	sor.u32 s3, s0;
	s1 =	sshll.u32 s1, $0x11  }
0xbc: {  	s0 =	sor.u32 s1, s0  }
0xbd: {  	s0 =	sadd.s32 $0x8F2B, s0  }
0xbe: {  	[sflag:s0] =	ssyncadd.remote.s32 $0x1  }
0xbf: {  	_ =	sfence.sel $0xFFFF  }
0xc0: {  	[dreg:$0x0] =	wrdreg $0xFFFFFFFF;
	(pc) =	sbr.abs _section_cstart, $3  }
0xc1: {  	[dreg:$0x1] =	wrdreg $0xFFFFFFFF  }
0xc2: {  	_ =	task.clear_ibuf [dreg:s7], $0x2FFFF;
	_ =	strace $0x9FFFFFFF  }
0xc3: {  	(tm) =	ssettm $0x7FFFFFFF  }
tec
execute0_lowered:
.L_overlay_start_1:
0x0: {  	(tag) =	ssettag $0x1  }
0x1: {  	s6 =	rddreg [dreg:$0x0]  }
0x2: {  	s0 =	srdreg.scid;
	s9 =	rddreg [dreg:$0x1]  }
0x3: {  	s2 =	rddreg [dreg:$0x2];
	s3 =	simm.s32 $0x0;
	s17 =	simm.s32 $0x16800  }
0x4: {  	s18 =	simm.s32 $0x1A800;
	s19 =	simm.s32 $0x1;
	s20 =	simm.s32 $0x2  }
0x5: {  	s21 =	simm.s32 $0x15380;
	s22 =	simm.s32 $0x16700;
	s26 =	simm.s32 $0x0  }
0x6: {  	s8 =	sand.u32 $0x1, s0;
	s0 =	stileid.u32;
	[smem:$0x7FF] =	sst s3  }
0x7: {  	s5 =	sadd.s32 $0x5D800, s6;
	s1 =	sshll.u32 s8, $0x4;
	s24 =	smul.u32 $0x2800, s0  }
0x8: {  	_ =	strace $0x8000004A;
	s11 =	smul.u32 $0x28000, s8;
	s12 =	ssub.s32 $0x2, s8  }
0x9: {  	s14 =	smul.u32 $0x50000, s0;
	p0 =	seq.s32 s8, $0x0;
	s4 =	sor.u32 s0, s1  }
0xa: {  	s31 =	sshll.u32 s0, $0x6;
	s13 =	sshrl.u32 s12, $0x1;
	s4 =	smul.u32 $0x280, s4  }
0xb: {  	s10 =	sadd.s32 s24, s6;
	s15 =	sadd.s32 s11, s6;
	s12 =	ssub.s32 s12, s13  }
0xc: {  	s30 =	sshrl.u32 s14, $0x2;
	s23 =	sadd.s32 s9, s11;
	s11 =	sadd.s32 s5, s24  }
0xd: {  	s14 =	sor.u32 $0x1C03, s31;
	s16 =	sadd.s32 s30, s2;
	s8 =	sadd.s32 $0x8800, s10  }
0xe: {  	s25 =	sadd.s32 $0xAD800, s15;
	s10 =	smax.u32 s12, $0x1;
	s12 =	simm.s32 $0x3  }
0xf: {  	s23 =	sadd.s32 s24, s23;
	s7 =	sadd.s32 s4, s6;
	s4 =	sadd.s32 $0x35800, s6  }
0x10: {  	s9 =	smov.u32 s8;
	s8 =	smov.u32 @p0 s11;
	s11 =	simm.s32 $0x14000  }
0x11: {  	s15 =	sshrl.u32 s16, $0x3;
	s16 =	simm.s32 $0x7D;
	s6 =	sadd.s32 $0x30800, s7  }
0x12: {  	s7 =	sadd.s32 $0x3000, s7;
	s13 =	sadd.s32 s4, s24;
	s24 =	sadd.s32 s24, s25  }
0x13: {  	s25 =	simm.s32 $0x16780;
	s9 =	smov.u32 @p0 s13;
	s13 =	simm.s32 $0x15400  }
.LBB2_1:
0x14: {  	[tilespmem:s11], [sflag:$0x3] =	stream.linear.gather [hbm4b:s6+s3], $0x1400, $0x38;
	[tilespmem:$0x1E800] =	vst v63  }
0x15: {  	_ =	swait.ge [sflag:s12], $0x1400  }
0x16: {  	[sflag:s12] =	ssyncset.done $0x0  }
0x17: {  	[sflag:s12] =	ssyncadd.s32 $0xFFFFEC00  }
0x18: {  	[tilespmem:s13], [sflag:$0x3] =	stream.linear.gather [hbm4b:s7+s3], $0x1400, $0x38;
	[tilespmem:$0x1E800] =	vst v63  }
0x19: {  	_ =	swait.ge [sflag:s12], $0x1400  }
0x1a: {  	[sflag:s12] =	ssyncset.done $0x0  }
0x1b: {  	[sflag:s12] =	ssyncadd.s32 $0xFFFFEC00  }
0x1c: {  	[spmem:s15], [sflag:s14] =	dma.local [hbm:s9], $0x2800  }
0x1d: {  	_ =	swait.ge [sflag:s12], $0x2800  }
0x1e: {  	[sflag:s12] =	ssyncset.done $0x0  }
0x1f: {  	[sflag:s12] =	ssyncadd.s32 $0xFFFFD800  }
0x20: {  	[bflag:$0x0] =	sbarrier.arrive $0xFFFF  }
0x21: {  	[tilespmem:s17], [sflag:$0x1] =	stream.indirect.gather [hbm4b:s4+s16], $0x80, s11, s16, $0xb8;
	[tilespmem:$0x1E800] =	vst v63  }
0x22: {  	s28 =	simm.s32 $0x14080  }
0x23: {  	[tilespmem:s18], [sflag:$0x2] =	stream.indirect.gather [hbm4b:s4+s16], $0x80, s28, s16, $0xb8;
	[tilespmem:$0x1E800] =	vst v63  }
0x24: {  	_ =	swait.ge [sflag:s19], $0x3E80  }
0x25: {  	[sflag:s19] =	ssyncset.done $0x0  }
0x26: {  	s28 =	simm.s32 $0x15400;
	[sflag:s19] =	ssyncadd.s32 $0xFFFFC180  }
0x27: {  	[spmem:s2] =	stream.indirect.scatter.add.f32 [tilespmem:s17], [sflag:$0x3], $0x80, s28, s16, $0xb8;
	[tilespmem:$0x1E800] =	vst v63  }
0x28: {  	_ =	swait.ge [sflag:s12], $0x3E80  }
0x29: {  	[sflag:s12] =	ssyncset.done $0x0  }
0x2a: {  	s28 =	simm.s32 $0x14100;
	[sflag:s12] =	ssyncadd.s32 $0xFFFFC180  }
0x2b: {  	[tilespmem:s17], [sflag:$0x1] =	stream.indirect.gather [hbm4b:s4+s16], $0x80, s28, s16, $0xb8;
	[tilespmem:$0x1E800] =	vst v63  }
0x2c: {  	_ =	swait.ge [sflag:s20], $0x3E80  }
0x2d: {  	[sflag:s20] =	ssyncset.done $0x0  }
0x2e: {  	s28 =	simm.s32 $0x15480;
	[sflag:s20] =	ssyncadd.s32 $0xFFFFC180  }
0x2f: {  	[spmem:s2] =	stream.indirect.scatter.add.f32 [tilespmem:s18], [sflag:$0x3], $0x80, s28, s16, $0xb8;
	[tilespmem:$0x1E800] =	vst v63  }
0x30: {  	_ =	swait.ge [sflag:s12], $0x3E80  }
0x31: {  	s29 =	simm.s32 $0x800;
	s28 =	simm.s32 $0x100;
	[sflag:s12] =	ssyncset.done $0x0  }
.LBB2_2:
0x32: {  	s30 =	sadd.s32 $0x14080, s28  }
0x33: {  	[sflag:s12] =	ssyncadd.s32 $0xFFFFC180;
	s31 =	smov.u32 s29;
	s1 =	sadd.s32 $0x400, s29  }
0x34: {  	[tilespmem:s18], [sflag:$0x2] =	stream.indirect.gather [hbm4b:s4+s16], $0x80, s30, s16, $0xb8;
	[tilespmem:$0x1E800] =	vst v63  }
0x35: {  	p0 =	sne.s32 s29, $0x4800;
	_ =	swait.ge [sflag:s19], $0x3E80  }
0x36: {  	[sflag:s19] =	ssyncset.done $0x0  }
0x37: {  	s29 =	sadd.s32 $0x15400, s28;
	[sflag:s19] =	ssyncadd.s32 $0xFFFFC180  }
0x38: {  	[spmem:s2] =	stream.indirect.scatter.add.f32 [tilespmem:s17], [sflag:$0x3], $0x80, s29, s16, $0xb8;
	[tilespmem:$0x1E800] =	vst v63  }
0x39: {  	_ =	swait.ge [sflag:s12], $0x3E80  }
0x3a: {  	[sflag:s12] =	ssyncset.done $0x0  }
0x3b: {  	s29 =	sadd.s32 $0x14100, s28;
	[sflag:s12] =	ssyncadd.s32 $0xFFFFC180  }
0x3c: {  	[tilespmem:s17], [sflag:$0x1] =	stream.indirect.gather [hbm4b:s4+s16], $0x80, s29, s16, $0xb8;
	[tilespmem:$0x1E800] =	vst v63  }
0x3d: {  	_ =	swait.ge [sflag:s20], $0x3E80  }
.Ltmp0:
0x3e: {  	[sflag:s20] =	ssyncset.done $0x0;
	(pc) =	sbr.rel @p0 .LBB2_2-.Ltmp0, $4  }
0x3f: {  	s28 =	sadd.s32 $0x15480, s28;
	[sflag:s20] =	ssyncadd.s32 $0xFFFFC180  }
0x40: {  	[spmem:s2] =	stream.indirect.scatter.add.f32 [tilespmem:s18], [sflag:$0x3], $0x80, s28, s16, $0xb8;
	[tilespmem:$0x1E800] =	vst v63  }
0x41: {  	_ =	swait.ge [sflag:s12], $0x3E80  }
0x42: {  	s29 =	smov.u32 s1;
	s28 =	sshra.s32 s31, $0x2;
	[sflag:s12] =	ssyncset.done $0x0  }
0x43: {  	s1 =	sadd.s32 $0x14080, s28;
	[sflag:s12] =	ssyncadd.s32 $0xFFFFC180  }
0x44: {  	[tilespmem:s18], [sflag:$0x2] =	stream.indirect.gather [hbm4b:s4+s16], $0x80, s1, s16, $0xb8;
	[tilespmem:$0x1E800] =	vst v63  }
0x45: {  	_ =	swait.ge [sflag:s19], $0x3E80  }
0x46: {  	[sflag:s19] =	ssyncset.done $0x0  }
0x47: {  	s31 =	sadd.s32 $0x15400, s28;
	[sflag:s19] =	ssyncadd.s32 $0xFFFFC180  }
0x48: {  	[spmem:s2] =	stream.indirect.scatter.add.f32 [tilespmem:s17], [sflag:$0x3], $0x80, s31, s16, $0xb8;
	[tilespmem:$0x1E800] =	vst v63  }
0x49: {  	_ =	swait.ge [sflag:s12], $0x3E80  }
0x4a: {  	[sflag:s12] =	ssyncset.done $0x0  }
0x4b: {  	s30 =	sadd.s32 $0x14100, s28;
	[sflag:s12] =	ssyncadd.s32 $0xFFFFC180  }
0x4c: {  	[tilespmem:s17], [sflag:$0x1] =	stream.indirect.gather [hbm4b:s4+s16], $0x80, s30, s16, $0xb8;
	[tilespmem:$0x1E800] =	vst v63  }
0x4d: {  	_ =	swait.ge [sflag:s20], $0x3E80  }
0x4e: {  	[sflag:s20] =	ssyncset.done $0x0  }
0x4f: {  	s31 =	sadd.s32 $0x15480, s28;
	[sflag:s20] =	ssyncadd.s32 $0xFFFFC180  }
0x50: {  	[spmem:s2] =	stream.indirect.scatter.add.f32 [tilespmem:s18], [sflag:$0x3], $0x80, s31, s16, $0xb8;
	[tilespmem:$0x1E800] =	vst v63  }
0x51: {  	_ =	swait.ge [sflag:s12], $0x3E80  }
0x52: {  	[sflag:s12] =	ssyncset.done $0x0  }
0x53: {  	[sflag:s12] =	ssyncadd.s32 $0xFFFFC180  }
0x54: {  	[tilespmem:s18], [sflag:$0x2] =	stream.indirect.gather [hbm4b:s4+s16], $0x80, s21, s16, $0xb8;
	[tilespmem:$0x1E800] =	vst v63  }
0x55: {  	_ =	swait.ge [sflag:s19], $0x3E80  }
0x56: {  	[sflag:s19] =	ssyncset.done $0x0  }
0x57: {  	[sflag:s19] =	ssyncadd.s32 $0xFFFFC180  }
0x58: {  	[spmem:s2] =	stream.indirect.scatter.add.f32 [tilespmem:s17], [sflag:$0x3], $0x80, s22, s16, $0xb8;
	[tilespmem:$0x1E800] =	vst v63  }
0x59: {  	_ =	swait.ge [sflag:s12], $0x3E80  }
0x5a: {  	[sflag:s12] =	ssyncset.done $0x0  }
0x5b: {  	[sflag:s12] =	ssyncadd.s32 $0xFFFFC180  }
0x5c: {  	_ =	swait.ge [sflag:s20], $0x3E80  }
0x5d: {  	[sflag:s20] =	ssyncset.done $0x0  }
0x5e: {  	[sflag:s20] =	ssyncadd.s32 $0xFFFFC180  }
0x5f: {  	[spmem:s2] =	stream.indirect.scatter.add.f32 [tilespmem:s18], [sflag:$0x3], $0x80, s25, s16, $0xb8;
	[tilespmem:$0x1E800] =	vst v63  }
0x60: {  	_ =	swait.ge [sflag:s12], $0x3E80  }
0x61: {  	[sflag:s12] =	ssyncset.done $0x0  }
0x62: {  	[sflag:s12] =	ssyncadd.s32 $0xFFFFC180  }
0x63: {  	[tilespmem:s17], [sflag:$0x1] =	stream.indirect.gather [hbm4b:s5+s16], $0x80, s11, s16, $0xb8;
	[tilespmem:$0x1E800] =	vst v63  }
0x64: {  	[bflag:$0x0] =	sbarrier.arrive $0xFFFF  }
0x65: {  	[hbm:s23], [sflag:s14] =	dma.local [spmem:s15], $0x2800  }
0x66: {  	_ =	swait.ge [sflag:s12], $0x2800  }
0x67: {  	[sflag:s12] =	ssyncset.done $0x0  }
0x68: {  	[sflag:s12] =	ssyncadd.s32 $0xFFFFD800  }
0x69: {  	[bflag:$0x0] =	sbarrier.arrive $0xFFFF  }
0x6a: {  	[spmem:s15], [sflag:s14] =	dma.local [hbm:s8], $0x2800  }
0x6b: {  	_ =	swait.ge [sflag:s12], $0x2800  }
0x6c: {  	[sflag:s12] =	ssyncset.done $0x0  }
0x6d: {  	[sflag:s12] =	ssyncadd.s32 $0xFFFFD800  }
0x6e: {  	s30 =	simm.s32 $0x14080;
	[bflag:$0x0] =	sbarrier.arrive $0xFFFF  }
0x6f: {  	[tilespmem:s18], [sflag:$0x2] =	stream.indirect.gather [hbm4b:s5+s16], $0x80, s30, s16, $0xb8;
	[tilespmem:$0x1E800] =	vst v63  }
0x70: {  	_ =	swait.ge [sflag:s19], $0x3E80  }
0x71: {  	[sflag:s19] =	ssyncset.done $0x0  }
0x72: {  	s31 =	simm.s32 $0x15400;
	[sflag:s19] =	ssyncadd.s32 $0xFFFFC180  }
0x73: {  	[spmem:s2] =	stream.indirect.scatter.add.f32 [tilespmem:s17], [sflag:$0x3], $0x80, s31, s16, $0xb8;
	[tilespmem:$0x1E800] =	vst v63  }
0x74: {  	_ =	swait.ge [sflag:s12], $0x3E80  }
0x75: {  	[sflag:s12] =	ssyncset.done $0x0  }
0x76: {  	s30 =	simm.s32 $0x14100;
	[sflag:s12] =	ssyncadd.s32 $0xFFFFC180  }
0x77: {  	[tilespmem:s17], [sflag:$0x1] =	stream.indirect.gather [hbm4b:s5+s16], $0x80, s30, s16, $0xb8;
	[tilespmem:$0x1E800] =	vst v63  }
0x78: {  	_ =	swait.ge [sflag:s20], $0x3E80  }
0x79: {  	[sflag:s20] =	ssyncset.done $0x0  }
0x7a: {  	s31 =	simm.s32 $0x15480;
	[sflag:s20] =	ssyncadd.s32 $0xFFFFC180  }
0x7b: {  	[spmem:s2] =	stream.indirect.scatter.add.f32 [tilespmem:s18], [sflag:$0x3], $0x80, s31, s16, $0xb8;
	[tilespmem:$0x1E800] =	vst v63  }
0x7c: {  	_ =	swait.ge [sflag:s12], $0x3E80  }
0x7d: {  	s29 =	simm.s32 $0x800;
	s28 =	simm.s32 $0x100;
	[sflag:s12] =	ssyncset.done $0x0  }
.LBB2_4:
0x7e: {  	s1 =	sadd.s32 $0x14080, s28  }
0x7f: {  	[sflag:s12] =	ssyncadd.s32 $0xFFFFC180;
	s30 =	smov.u32 s29;
	s31 =	sadd.s32 $0x400, s29  }
0x80: {  	[tilespmem:s18], [sflag:$0x2] =	stream.indirect.gather [hbm4b:s5+s16], $0x80, s1, s16, $0xb8;
	[tilespmem:$0x1E800] =	vst v63  }
0x81: {  	p0 =	sne.s32 s29, $0x4800;
	_ =	swait.ge [sflag:s19], $0x3E80  }
0x82: {  	[sflag:s19] =	ssyncset.done $0x0  }
0x83: {  	s1 =	sadd.s32 $0x15400, s28;
	[sflag:s19] =	ssyncadd.s32 $0xFFFFC180  }
0x84: {  	[spmem:s2] =	stream.indirect.scatter.add.f32 [tilespmem:s17], [sflag:$0x3], $0x80, s1, s16, $0xb8;
	[tilespmem:$0x1E800] =	vst v63  }
0x85: {  	_ =	swait.ge [sflag:s12], $0x3E80  }
0x86: {  	[sflag:s12] =	ssyncset.done $0x0  }
0x87: {  	s1 =	sadd.s32 $0x14100, s28;
	[sflag:s12] =	ssyncadd.s32 $0xFFFFC180  }
0x88: {  	[tilespmem:s17], [sflag:$0x1] =	stream.indirect.gather [hbm4b:s5+s16], $0x80, s1, s16, $0xb8;
	[tilespmem:$0x1E800] =	vst v63  }
0x89: {  	_ =	swait.ge [sflag:s20], $0x3E80  }
.Ltmp1:
0x8a: {  	[sflag:s20] =	ssyncset.done $0x0;
	(pc) =	sbr.rel @p0 .LBB2_4-.Ltmp1, $4  }
0x8b: {  	s1 =	sadd.s32 $0x15480, s28;
	[sflag:s20] =	ssyncadd.s32 $0xFFFFC180  }
0x8c: {  	[spmem:s2] =	stream.indirect.scatter.add.f32 [tilespmem:s18], [sflag:$0x3], $0x80, s1, s16, $0xb8;
	[tilespmem:$0x1E800] =	vst v63  }
0x8d: {  	_ =	swait.ge [sflag:s12], $0x3E80  }
0x8e: {  	s29 =	smov.u32 s31;
	s28 =	sshra.s32 s30, $0x2;
	[sflag:s12] =	ssyncset.done $0x0  }
0x8f: {  	s1 =	sadd.s32 $0x14080, s28;
	[sflag:s12] =	ssyncadd.s32 $0xFFFFC180  }
0x90: {  	[tilespmem:s18], [sflag:$0x2] =	stream.indirect.gather [hbm4b:s5+s16], $0x80, s1, s16, $0xb8;
	[tilespmem:$0x1E800] =	vst v63  }
0x91: {  	_ =	swait.ge [sflag:s19], $0x3E80  }
0x92: {  	[sflag:s19] =	ssyncset.done $0x0  }
0x93: {  	s29 =	sadd.s32 $0x15400, s28;
	[sflag:s19] =	ssyncadd.s32 $0xFFFFC180  }
0x94: {  	[spmem:s2] =	stream.indirect.scatter.add.f32 [tilespmem:s17], [sflag:$0x3], $0x80, s29, s16, $0xb8;
	[tilespmem:$0x1E800] =	vst v63  }
0x95: {  	_ =	swait.ge [sflag:s12], $0x3E80  }
0x96: {  	[sflag:s12] =	ssyncset.done $0x0  }
0x97: {  	s30 =	sadd.s32 $0x14100, s28;
	[sflag:s12] =	ssyncadd.s32 $0xFFFFC180  }
0x98: {  	[tilespmem:s17], [sflag:$0x1] =	stream.indirect.gather [hbm4b:s5+s16], $0x80, s30, s16, $0xb8;
	[tilespmem:$0x1E800] =	vst v63  }
0x99: {  	_ =	swait.ge [sflag:s20], $0x3E80  }
0x9a: {  	[sflag:s20] =	ssyncset.done $0x0  }
0x9b: {  	s31 =	sadd.s32 $0x15480, s28;
	[sflag:s20] =	ssyncadd.s32 $0xFFFFC180  }
0x9c: {  	[spmem:s2] =	stream.indirect.scatter.add.f32 [tilespmem:s18], [sflag:$0x3], $0x80, s31, s16, $0xb8;
	[tilespmem:$0x1E800] =	vst v63  }
0x9d: {  	_ =	swait.ge [sflag:s12], $0x3E80  }
0x9e: {  	[sflag:s12] =	ssyncset.done $0x0  }
0x9f: {  	[sflag:s12] =	ssyncadd.s32 $0xFFFFC180  }
0xa0: {  	[tilespmem:s18], [sflag:$0x2] =	stream.indirect.gather [hbm4b:s5+s16], $0x80, s21, s16, $0xb8;
	[tilespmem:$0x1E800] =	vst v63  }
0xa1: {  	_ =	swait.ge [sflag:s19], $0x3E80  }
0xa2: {  	[sflag:s19] =	ssyncset.done $0x0  }
0xa3: {  	[sflag:s19] =	ssyncadd.s32 $0xFFFFC180  }
0xa4: {  	[spmem:s2] =	stream.indirect.scatter.add.f32 [tilespmem:s17], [sflag:$0x3], $0x80, s22, s16, $0xb8;
	[tilespmem:$0x1E800] =	vst v63  }
0xa5: {  	_ =	swait.ge [sflag:s12], $0x3E80  }
0xa6: {  	[sflag:s12] =	ssyncset.done $0x0  }
0xa7: {  	[sflag:s12] =	ssyncadd.s32 $0xFFFFC180  }
0xa8: {  	_ =	swait.ge [sflag:s20], $0x3E80  }
0xa9: {  	[sflag:s20] =	ssyncset.done $0x0  }
0xaa: {  	[sflag:s20] =	ssyncadd.s32 $0xFFFFC180  }
0xab: {  	[spmem:s2] =	stream.indirect.scatter.add.f32 [tilespmem:s18], [sflag:$0x3], $0x80, s25, s16, $0xb8;
	[tilespmem:$0x1E800] =	vst v63  }
0xac: {  	_ =	swait.ge [sflag:s12], $0x3E80  }
0xad: {  	s26 =	sadd.s32 $0x1, s26;
	[sflag:s12] =	ssyncset.done $0x0  }
0xae: {  	p0 =	sne.s32 s26, s10;
	[sflag:s12] =	ssyncadd.s32 $0xFFFFC180  }
.Ltmp2:
0xaf: {  	[bflag:$0x0] =	sbarrier.arrive $0xFFFF;
	(pc) =	sbr.rel @p0 .LBB2_1-.Ltmp2, $4  }
0xb0: {  	[hbm:s24], [sflag:s14] =	dma.local [spmem:s15], $0x2800  }
0xb1: {  	_ =	swait.ge [sflag:s12], $0x2800  }
0xb2: {  	[sflag:s12] =	ssyncset.done $0x0  }
0xb3: {  	[sflag:s12] =	ssyncadd.s32 $0xFFFFD800  }
0xb4: {  	_ =	sfence.sel $0x180000  }
0xb5: {  	[bflag:$0x0] =	sbarrier.arrive $0xFFFF  }
0xb6: {  	_ =	strace $0x9000004A  }
0xb7: {  	[bflag:$0x2] =	sbarrier.arrive $0xFFFF  }
0xb8: {  	p0 =	sne.s32 s0, $0x0;
	s0 =	rddreg [dreg:$0x3]  }
0xb9: {  	s0 =	sadd.s32 @!p0 $0x100000, s0  }
0xba: {  	[sflag:s0] =	ssyncadd.tile.s32 @!p0 $0x1;
	_ =	shalt  }
.Lfunc_end2:
_tile_overlayer_lowered:
.L_overlay_start_2:
0xbb: {  	(tag) =	ssettag $0x2  }
0xbc: {  	s0 =	rddreg [dreg:$0x0];
	s2 =	stileid.u32  }
0xbd: {  	s1 =	rddreg [dreg:$0x1];
	p0 =	sne.s32 s2, $0x0  }
0xbe: {  	s3 =	rddreg [dreg:$0x2];
	[bflag:$0x3] =	sbarrier.arrive $0xFFFF;
	s2 =	simm.s32 @!p0 $0x1C03  }
0xbf: {  	[timem:s3], [sflag:s2] =	dma.local @!p0 [hbm:s0], s1  }
0xc0: {  	s0 =	simm.s32 @!p0 $0x3  }
0xc1: {  	_ =	swait.ge @!p0 [sflag:s0], s1  }
0xc2: {  	s1 =	ssub.s32 @!p0 $0x0, s1;
	[sflag:s0] =	ssyncset.done @!p0 $0x0  }
0xc3: {  	[sflag:s0] =	ssyncadd.s32 @!p0 s1  }
0xc4: {  	[bflag:$0x3] =	sbarrier.arrive $0xFFFF  }
0xc5: {  	_ =	shalt  }

// kernel: kernel.14.cloned.1.call-start
scs
__scs_entry_jumppad:
0x0: {  	(pc) =	sbr.rel $0x88, $3  }
0x1: {  	(tag) =	ssettag $0x0;
	lr =	simm.s32 $0x1  }
0x2: {  	[smem:$0x3F9A] =	sst lr;
	_ =	strace $0xD0000000  }
0x3: {  	_ = 	snop  }
0x4: {  	_ = 	snop  }
0x5: {  	_ = 	snop  }
0x6: {  	_ = 	snop  }
0x7: {  	_ = 	snop  }
__scs_overlays_trampoline_lowered:
0x8: {  	[smem:$0x3FA9] =	sst s0  }
0x9: {  	[smem:$0x3FAA] =	sst s1  }
0xa: {  	[smem:$0x3FAB] =	sst s2  }
0xb: {  	[smem:$0x3FAC] =	sst s3  }
0xc: {  	[smem:$0x3FAD] =	sst s4  }
0xd: {  	[smem:$0x3FAE] =	sst s5  }
0xe: {  	[smem:$0x3FAF] =	sst s6  }
0xf: {  	[smem:$0x3FB0] =	sst s7  }
0x10: {  	[smem:$0x3FB1] =	sst s8  }
0x11: {  	[smem:$0x3FB2] =	sst s9;
	s0 =	simm.s32 @!p0 $0x0  }
0x12: {  	s1 =	sld [smem:$0x3F98];
	s0 =	simm.s32 @p0 $0x1  }
0x13: {  	[smem:$0x3FB3] =	sst s0;
	s0 =	simm.s32 @!p1 $0x0  }
0x14: {  	s2 =	sld [smem:$0x3F97];
	s0 =	simm.s32 @p1 $0x1  }
0x15: {  	[smem:$0x3FB4] =	sst s0;
	s0 =	simm.s32 @!p2 $0x0  }
0x16: {  	s3 =	sld [smem:$0x3FDB];
	s0 =	simm.s32 @p2 $0x1  }
0x17: {  	s4 =	simm.s32 $0x1BF5;
	[smem:$0x3FB6] =	sst s0  }
0x18: {  	s0 =	sld [smem:$0x3F99];
	_ =	swait.ge [sflag:s4], $0x0  }
0x19: {  	s7 =	sld [smem:$0x3F9A]  }
0x1a: {  	s8 =	sadd.s32 $0xFFFFE003, lr  }
0x1b: {  	s9 =	sadd.s32 $0xFFFFFEF7, lr;
	s5 =	simm.s32 $0xFFFFFFFF;
	p2 =	slt.u32 s8, $0xFFFFF086  }
0x1c: {  	p1 =	slt.u32 s9, $0xF7A;
	s5 =	simm.s32 @!p2 $0x0  }
0x1d: {  	s5 =	simm.s32 @p1 $0x1;
	p0 =	seq.s32 s7, s2  }
0x1e: {  	s7 =	smul.u32 @!p0 $0xF7A, s2;
	p2 =	seq.s32 @!p0 s5, $0x0  }
0x1f: {  	s9 =	smul.u32 $0xF7A, s1;
	s8 =	simm.s32 @!p0 $0x1BF5;
	p2 =	por !p2, p0  }
0x20: {  	[sflag:s8] =	ssyncset.s32 @!p0 $0xFFFFF086;
	s6 =	sadd.s32 @!p0 s3, s7;
	s7 =	simm.s32 @!p0 $0x108  }
0x21: {  	s3 =	sadd.s32 s3, s9;
	s6 =	sadd.s32 @!p0 $0x88, s6;
	s7 =	simm.s32 @p2 $0x1082  }
0x22: {  	[simem:s7], [sflag:s8] =	dma.local @!p0 [hbm:s6], $0xF7A  }
0x23: {  	s9 =	sor.u32 $0xD0000000, s2;
	s6 =	simm.s32 $0x108;
	_ =	swait.ge @!p0 [sflag:s8], $0x0  }
0x24: {  	s3 =	sadd.s32 $0x88, s3;
	s6 =	simm.s32 @!p1 $0x1082;
	[sflag:s4] =	ssyncset.s32 $0xFFFFF086  }
0x25: {  	[simem:s6], [sflag:s4] =	dma.local [hbm:s3], $0xF7A  }
0x26: {  	[smem:$0x3F9A] =	sst s1;
	(tag) =	ssettag s2;
	_ =	strace s9  }
0x27: {  	s1 =	sld [smem:$0x3FAA]  }
0x28: {  	s2 =	sld [smem:$0x3FAB]  }
0x29: {  	s4 =	sld [smem:$0x3FAD]  }
0x2a: {  	p0 =	seq.s32 s5, $0x0;
	s5 =	sld [smem:$0x3FAE]  }
0x2b: {  	s6 =	sld [smem:$0x3FAF]  }
0x2c: {  	s7 =	sld [smem:$0x3FB0]  }
0x2d: {  	s3 =	simm.s32 $0x108;
	s8 =	sld [smem:$0x3FB1]  }
0x2e: {  	s3 =	simm.s32 @!p0 $0x1082;
	s9 =	sld [smem:$0x3FB2]  }
0x2f: {  	lr =	sadd.s32 s0, s3;
	s0 =	sld [smem:$0x3FA9]  }
0x30: {  	s3 =	sld [smem:$0x3FAC]  }
0x31: {  	[smem:$0x3FB5] =	sst s10  }
0x32: {  	s10 =	sld [smem:$0x3FB3];
	_ =	sdelay $0x3  }
0x33: {  	p0 =	seq.s32 s10, $0x1;
	s10 =	sld [smem:$0x3FB5];
	_ =	sdelay $0x3  }
0x34: {  	[smem:$0x3FB5] =	sst s10  }
0x35: {  	s10 =	sld [smem:$0x3FB4];
	_ =	sdelay $0x3  }
0x36: {  	p1 =	seq.s32 s10, $0x1;
	s10 =	sld [smem:$0x3FB5];
	_ =	sdelay $0x3  }
0x37: {  	[smem:$0x3FB5] =	sst s10  }
0x38: {  	s10 =	sld [smem:$0x3FB6]  }
0x39: {  	_ = 	snop;
	(pc) =	sbr.ind lr, $3  }
0x3a: {  	_ = 	snop  }
0x3b: {  	_ = 	snop  }
0x3c: {  	p2 =	seq.s32 s10, $0x1;
	s10 =	sld [smem:$0x3FB5]  }
0x3d: {  	_ =	shalt  }
0x3e: {  	_ =	shalt  }
0x3f: {  	_ =	shalt  }
0x40: {  	_ =	shalt  }
0x41: {  	_ =	shalt  }
0x42: {  	_ =	shalt  }
0x43: {  	_ =	shalt  }
0x44: {  	_ =	shalt  }
0x45: {  	_ =	shalt  }
0x46: {  	_ =	shalt  }
0x47: {  	_ =	shalt  }
0x48: {  	_ =	shalt  }
0x49: {  	_ =	shalt  }
0x4a: {  	_ =	shalt  }
0x4b: {  	_ =	shalt  }
0x4c: {  	_ =	shalt  }
0x4d: {  	_ =	shalt  }
0x4e: {  	_ =	shalt  }
0x4f: {  	_ =	shalt  }
0x50: {  	_ =	shalt  }
0x51: {  	_ =	shalt  }
0x52: {  	_ =	shalt  }
0x53: {  	_ =	shalt  }
0x54: {  	_ =	shalt  }
0x55: {  	_ =	shalt  }
0x56: {  	_ =	shalt  }
0x57: {  	_ =	shalt  }
0x58: {  	_ =	shalt  }
0x59: {  	_ =	shalt  }
0x5a: {  	_ =	shalt  }
0x5b: {  	_ =	shalt  }
0x5c: {  	_ =	shalt  }
0x5d: {  	_ =	shalt  }
0x5e: {  	_ =	shalt  }
0x5f: {  	_ =	shalt  }
0x60: {  	_ =	shalt  }
0x61: {  	_ =	shalt  }
0x62: {  	_ =	shalt  }
0x63: {  	_ =	shalt  }
0x64: {  	_ =	shalt  }
0x65: {  	_ =	shalt  }
0x66: {  	_ =	shalt  }
0x67: {  	_ =	shalt  }
0x68: {  	_ =	shalt  }
0x69: {  	_ =	shalt  }
0x6a: {  	_ =	shalt  }
0x6b: {  	_ =	shalt  }
0x6c: {  	_ =	shalt  }
0x6d: {  	_ =	shalt  }
0x6e: {  	_ =	shalt  }
0x6f: {  	_ =	shalt  }
0x70: {  	_ =	shalt  }
0x71: {  	_ =	shalt  }
0x72: {  	_ =	shalt  }
0x73: {  	_ =	shalt  }
0x74: {  	_ =	shalt  }
0x75: {  	_ =	shalt  }
0x76: {  	_ =	shalt  }
0x77: {  	_ =	shalt  }
0x78: {  	_ =	shalt  }
0x79: {  	_ =	shalt  }
0x7a: {  	_ =	shalt  }
0x7b: {  	_ =	shalt  }
0x7c: {  	_ =	shalt  }
0x7d: {  	_ =	shalt  }
0x7e: {  	_ =	shalt  }
0x7f: {  	_ =	shalt  }
0x80: {  	_ =	shalt  }
0x81: {  	_ =	shalt  }
0x82: {  	_ =	shalt  }
0x83: {  	_ =	shalt  }
0x84: {  	_ =	shalt  }
0x85: {  	_ =	shalt  }
0x86: {  	_ =	shalt  }
0x87: {  	_ =	shalt  }
.Lfunc_end0:
.L_simem_size_0:
called_computation.2_lowered:
.L_overlay_start_0:
0x88: {  	s2 =	sld [smem:$0x3FD9]  }
0x89: {  	s3 =	sld [smem:$0x3FFE];
	_ =	sdelay $0x1  }
0x8a: {  	s1 =	srdreg.scid  }
0x8b: {  	s0 =	sand.u32 $0x1, s1  }
0x8c: {  	s17 =	sshll.u32 s0, $0xA;
	s2 =	sadd.s32 s3, s2  }
0x8d: {  	s2 =	sadd.s32 s2, s17  }
0x8e: {  	[smem:$0x3FC1] =	sst s2  }
0x8f: {  	_ = 	snop  }
0x90: {  	s2 =	sld [smem:$0x3FD0];
	(tm) =	ssettm $0x1  }
0x91: {  	s18 =	sld [smem:$0x3FFB];
	_ =	sdelay $0x3  }
0x92: {  	_ =	strace s18  }
0x93: {  	s3 =	sld [smem:$0x3FFC];
	_ =	sdelay $0x3  }
0x94: {  	_ =	strace s3  }
0x95: {  	s3 =	sld [smem:$0x3FFD];
	_ =	sdelay $0x3  }
0x96: {  	_ =	strace s3  }
0x97: {  	_ =	strace $0x8FFFFFFF  }
0x98: {  	s19 =	sld [smem:$0x3FDB];
	_ =	sdelay $0x1  }
0x99: {  	s4 =	simm.s32 $_scs_section_size  }
0x9a: {  	s5 =	simm.s32 $_size__tile_overlayer_lowered;
	s6 =	simm.s32 $_tile_overlayer_lowered  }
0x9b: {  	s22 =	simm.s32 $0x1BFF;
	s21 =	sshll.u32 s6, $0x1;
	s3 =	sadd.s32 s4, s19  }
0x9c: {  	s7 =	simm.s32 $0x0;
	s20 =	sshll.u32 s5, $0x1;
	s5 =	sadd.s32 s21, s3  }
0x9d: {  	[timem:s7], [sflag:s22] =	dma.local [hbm:s5], s20  }
0x9e: {  	_ =	swait.ge [sflag:s22], s20  }
0x9f: {  	s4 =	ssub.s32 $0x0, s20;
	[sflag:s22] =	ssyncset.done $0x0  }
0xa0: {  	[sflag:s22] =	ssyncadd.s32 s4;
	_ =	sdelay $0x1  }
0xa1: {  	s23 =	simm.s32 $0x1B8B  }
0xa2: {  	_ =	swait.ge [sflag:s23], $0x1  }
0xa3: {  	[sflag:s23] =	ssyncset.done $0x0  }
0xa4: {  	s25 =	simm.s32 $0x1B8E;
	s24 =	sld [smem:$0x3FFE];
	[sflag:s23] =	ssyncadd.s32 $0xFFFFFFFF  }
0xa5: {  	s26 =	simm.s32 $execute0_lowered;
	[smem:$0x3FD2] =	sst s25  }
0xa6: {  	s5 =	sshll.u32 s26, $0x1;
	_ =	strace $0x8000004C;
	[dreg:$0x1] =	wrdreg $0xFFFFFFFF  }
0xa7: {  	s28 =	simm.s32 $_size_execute0_lowered;
	s3 =	sadd.s32 s3, s5;
	[dreg:$0x0] =	wrdreg $0x0  }
0xa8: {  	s5 =	sshll.u32 s28, $0x1;
	[dreg:$0x2] =	wrdreg s3  }
0xa9: {  	[dreg:$0x3] =	wrdreg s5  }
0xaa: {  	[dreg:$0x4] =	wrdreg $0xC0  }
0xab: {  	_ =	task [dreg:s7], $0x5FFFF  }
0xac: {  	[dreg:$0x1] =	wrdreg $0xFFFFFFFF  }
0xad: {  	[dreg:$0x0] =	wrdreg $0x60  }
0xae: {  	[dreg:$0x2] =	wrdreg s24  }
0xaf: {  	[dreg:$0x3] =	wrdreg s2  }
0xb0: {  	[dreg:$0x4] =	wrdreg $0x0  }
0xb1: {  	[dreg:$0x5] =	wrdreg $0x9  }
0xb2: {  	_ =	task.clear_ibuf [dreg:s7], $0x6FFFF;
	_ =	strace $0x9000004C  }
0xb3: {  	s29 =	simm.s32 $0x9;
	_ =	strace $0x8000004E  }
0xb4: {  	_ =	swait.ge [sflag:s29], $0x1  }
0xb5: {  	[sflag:s29] =	ssyncadd.s32 $0xFFFFFFFF  }
0xb6: {  	_ =	strace $0x9000004E  }
0xb7: {  	_ =	sfence  }
0xb8: {  	s30 =	sld [smem:$0x0];
	_ =	sdelay $0x2  }
0xb9: {  	s31 =	sshll.u32 s1, $0xD;
	s1 =	sshrl.u32 s1, $0x2  }
0xba: {  	s3 =	sand.u32 $0x4000, s31;
	s1 =	sadd.s32 s1, s30  }
0xbb: {  	s0 =	sor.u32 s3, s0;
	s1 =	sshll.u32 s1, $0x11  }
0xbc: {  	s0 =	sor.u32 s1, s0  }
0xbd: {  	s0 =	sadd.s32 $0x8F2B, s0  }
0xbe: {  	[sflag:s0] =	ssyncadd.remote.s32 $0x1  }
0xbf: {  	_ =	sfence.sel $0xFFFF  }
0xc0: {  	[dreg:$0x0] =	wrdreg $0xFFFFFFFF;
	(pc) =	sbr.abs _section_cstart, $3  }
0xc1: {  	[dreg:$0x1] =	wrdreg $0xFFFFFFFF  }
0xc2: {  	_ =	task.clear_ibuf [dreg:s7], $0x2FFFF;
	_ =	strace $0x9FFFFFFF  }
0xc3: {  	(tm) =	ssettm $0x7FFFFFFF  }
tec
execute0_lowered:
.L_overlay_start_1:
0x0: {  	(tag) =	ssettag $0x1  }
0x1: {  	s0 =	srdreg.scid  }
0x2: {  	s1 =	rddreg [dreg:$0x0];
	s7 =	stileid.u32  }
0x3: {  	s3 =	rddreg [dreg:$0x1];
	s5 =	simm.s32 $0x0;
	s19 =	simm.s32 $0x7D  }
0x4: {  	s20 =	simm.s32 $0x16800;
	s28 =	simm.s32 $0x2;
	s29 =	simm.s32 $0x15380  }
0x5: {  	s30 =	simm.s32 $0x16700;
	s31 =	simm.s32 $0x16780;
	s0 =	sand.u32 $0x1, s0  }
0x6: {  	s8 =	smul.u32 $0x2800, s7;
	[smem:$0x7FF] =	sst s5;
	s5 =	sadd.s32 $0x5D800, s1  }
0x7: {  	s6 =	sadd.s32 $0xAD800, s1;
	s13 =	smul.u32 $0x50000, s7;
	s2 =	sshll.u32 s0, $0x4  }
0x8: {  	s12 =	smul.u32 $0x28000, s0;
	s10 =	ssub.s32 $0x2, s0;
	p0 =	seq.s32 s0, $0x0  }
0x9: {  	s4 =	sor.u32 s7, s2;
	s2 =	rddreg [dreg:$0x2];
	_ =	strace $0x8000004D  }
0xa: {  	s11 =	sadd.s32 s8, s1;
	s7 =	sadd.s32 $0xD5800, s1;
	s14 =	sshrl.u32 s10, $0x1  }
0xb: {  	s24 =	sshrl.u32 s13, $0x2;
	s15 =	sadd.s32 s5, s8;
	s16 =	sadd.s32 s6, s8  }
0xc: {  	s4 =	smul.u32 $0x280, s4;
	s14 =	ssub.s32 s10, s14;
	s25 =	sadd.s32 s24, s2  }
0xd: {  	s11 =	sadd.s32 $0x8800, s11;
	s3 =	sadd.s32 s3, s12;
	s17 =	sadd.s32 s7, s8  }
0xe: {  	[dreg:$0x6] =	wrdreg s25;
	s13 =	smov.u32 s11;
	s26 =	smax.u32 s14, $0x1  }
0xf: {  	s21 =	sadd.s32 s8, s3;
	s25 =	simm.s32 $0x1A800;
	s9 =	sadd.s32 s4, s1  }
0x10: {  	s4 =	sadd.s32 $0x35800, s1;
	s1 =	sadd.s32 s12, s1;
	s12 =	smov.u32 s11  }
0x11: {  	[dreg:$0x7] =	wrdreg s26;
	s13 =	smov.u32 @p0 s15;
	s15 =	smov.u32 s11  }
0x12: {  	s11 =	smov.u32 @p0 s17;
	s17 =	simm.s32 $0x3;
	s26 =	simm.s32 $0x1  }
0x13: {  	s23 =	sadd.s32 $0x30800, s9;
	s9 =	sadd.s32 $0x3000, s9;
	s0 =	sadd.s32 s4, s8  }
0x14: {  	s18 =	sadd.s32 $0xFD800, s1;
	s15 =	smov.u32 @p0 s16;
	[dreg:$0x4] =	wrdreg s23  }
0x15: {  	s16 =	simm.s32 $0x14000;
	[dreg:$0x5] =	wrdreg s9;
	s23 =	sadd.s32 $0x14D800, s1  }
0x16: {  	s1 =	sadd.s32 $0x19D800, s1;
	s12 =	smov.u32 @p0 s0;
	s22 =	sadd.s32 s8, s18  }
0x17: {  	s23 =	sadd.s32 s8, s23;
	s24 =	sadd.s32 s8, s1;
	s1 =	simm.s32 $0x0  }
.LBB2_1:
0x18: {  	s0 =	simm.s32 $0x0;
	s3 =	rddreg [dreg:$0x4]  }
0x19: {  	[tilespmem:s16], [sflag:$0x3] =	stream.linear.gather [hbm4b:s3+s0], $0x1400, $0x38;
	[tilespmem:$0x1E800] =	vst v63  }
0x1a: {  	_ =	swait.ge [sflag:s17], $0x1400  }
0x1b: {  	[sflag:s17] =	ssyncset.done $0x0  }
0x1c: {  	s8 =	simm.s32 $0x15400;
	s14 =	rddreg [dreg:$0x5];
	[sflag:s17] =	ssyncadd.s32 $0xFFFFEC00  }
0x1d: {  	[tilespmem:s8], [sflag:$0x3] =	stream.linear.gather [hbm4b:s14+s0], $0x1400, $0x38;
	[tilespmem:$0x1E800] =	vst v63  }
0x1e: {  	s18 =	stileid.u32;
	_ =	swait.ge [sflag:s17], $0x1400  }
0x1f: {  	s0 =	sshll.u32 s18, $0x6;
	[sflag:s17] =	ssyncset.done $0x0;
	s3 =	rddreg [dreg:$0x6]  }
0x20: {  	s18 =	sor.u32 $0x1C03, s0;
	[sflag:s17] =	ssyncadd.s32 $0xFFFFEC00;
	s0 =	sshrl.u32 s3, $0x3  }
0x21: {  	[spmem:s0], [sflag:s18] =	dma.local [hbm:s12], $0x2800  }
0x22: {  	_ =	swait.ge [sflag:s17], $0x2800  }
0x23: {  	[sflag:s17] =	ssyncset.done $0x0  }
0x24: {  	[sflag:s17] =	ssyncadd.s32 $0xFFFFD800  }
0x25: {  	[bflag:$0x0] =	sbarrier.arrive $0xFFFF  }
0x26: {  	[tilespmem:s20], [sflag:$0x1] =	stream.indirect.gather [hbm4b:s4+s19], $0x80, s16, s19, $0xb8;
	[tilespmem:$0x1E800] =	vst v63  }
0x27: {  	s8 =	simm.s32 $0x14080  }
0x28: {  	[tilespmem:s25], [sflag:$0x2] =	stream.indirect.gather [hbm4b:s4+s19], $0x80, s8, s19, $0xb8;
	[tilespmem:$0x1E800] =	vst v63  }
0x29: {  	_ =	swait.ge [sflag:s26], $0x3E80  }
0x2a: {  	[sflag:s26] =	ssyncset.done $0x0  }
0x2b: {  	s9 =	simm.s32 $0x15400;
	[sflag:s26] =	ssyncadd.s32 $0xFFFFC180  }
0x2c: {  	[spmem:s2] =	stream.indirect.scatter.add.f32 [tilespmem:s20], [sflag:$0x3], $0x80, s9, s19, $0xb8;
	[tilespmem:$0x1E800] =	vst v63  }
0x2d: {  	_ =	swait.ge [sflag:s17], $0x3E80  }
0x2e: {  	[sflag:s17] =	ssyncset.done $0x0  }
0x2f: {  	s10 =	simm.s32 $0x14100;
	[sflag:s17] =	ssyncadd.s32 $0xFFFFC180  }
0x30: {  	[tilespmem:s20], [sflag:$0x1] =	stream.indirect.gather [hbm4b:s4+s19], $0x80, s10, s19, $0xb8;
	[tilespmem:$0x1E800] =	vst v63  }
0x31: {  	_ =	swait.ge [sflag:s28], $0x3E80  }
0x32: {  	[sflag:s28] =	ssyncset.done $0x0  }
0x33: {  	s14 =	simm.s32 $0x15480;
	[sflag:s28] =	ssyncadd.s32 $0xFFFFC180  }
0x34: {  	[spmem:s2] =	stream.indirect.scatter.add.f32 [tilespmem:s25], [sflag:$0x3], $0x80, s14, s19, $0xb8;
	[tilespmem:$0x1E800] =	vst v63  }
0x35: {  	_ =	swait.ge [sflag:s17], $0x3E80  }
0x36: {  	s3 =	simm.s32 $0x100;
	s8 =	simm.s32 $0x800;
	[sflag:s17] =	ssyncset.done $0x0  }
.LBB2_2:
0x37: {  	s9 =	sadd.s32 $0x14080, s3  }
0x38: {  	[sflag:s17] =	ssyncadd.s32 $0xFFFFC180;
	s10 =	smov.u32 s8;
	s14 =	sadd.s32 $0x400, s8  }
0x39: {  	[tilespmem:s25], [sflag:$0x2] =	stream.indirect.gather [hbm4b:s4+s19], $0x80, s9, s19, $0xb8;
	[tilespmem:$0x1E800] =	vst v63  }
0x3a: {  	p0 =	sne.s32 s8, $0x4800;
	_ =	swait.ge [sflag:s26], $0x3E80  }
0x3b: {  	[sflag:s26] =	ssyncset.done $0x0  }
0x3c: {  	s8 =	sadd.s32 $0x15400, s3;
	[sflag:s26] =	ssyncadd.s32 $0xFFFFC180  }
0x3d: {  	[spmem:s2] =	stream.indirect.scatter.add.f32 [tilespmem:s20], [sflag:$0x3], $0x80, s8, s19, $0xb8;
	[tilespmem:$0x1E800] =	vst v63  }
0x3e: {  	_ =	swait.ge [sflag:s17], $0x3E80  }
0x3f: {  	[sflag:s17] =	ssyncset.done $0x0  }
0x40: {  	s8 =	sadd.s32 $0x14100, s3;
	[sflag:s17] =	ssyncadd.s32 $0xFFFFC180  }
0x41: {  	[tilespmem:s20], [sflag:$0x1] =	stream.indirect.gather [hbm4b:s4+s19], $0x80, s8, s19, $0xb8;
	[tilespmem:$0x1E800] =	vst v63  }
0x42: {  	_ =	swait.ge [sflag:s28], $0x3E80  }
.Ltmp0:
0x43: {  	[sflag:s28] =	ssyncset.done $0x0;
	(pc) =	sbr.rel @p0 .LBB2_2-.Ltmp0, $4  }
0x44: {  	s3 =	sadd.s32 $0x15480, s3;
	[sflag:s28] =	ssyncadd.s32 $0xFFFFC180  }
0x45: {  	[spmem:s2] =	stream.indirect.scatter.add.f32 [tilespmem:s25], [sflag:$0x3], $0x80, s3, s19, $0xb8;
	[tilespmem:$0x1E800] =	vst v63  }
0x46: {  	_ =	swait.ge [sflag:s17], $0x3E80  }
0x47: {  	s8 =	smov.u32 s14;
	s3 =	sshra.s32 s10, $0x2;
	[sflag:s17] =	ssyncset.done $0x0  }
0x48: {  	s8 =	sadd.s32 $0x14080, s3;
	[sflag:s17] =	ssyncadd.s32 $0xFFFFC180  }
0x49: {  	[tilespmem:s25], [sflag:$0x2] =	stream.indirect.gather [hbm4b:s4+s19], $0x80, s8, s19, $0xb8;
	[tilespmem:$0x1E800] =	vst v63  }
0x4a: {  	_ =	swait.ge [sflag:s26], $0x3E80  }
0x4b: {  	[sflag:s26] =	ssyncset.done $0x0  }
0x4c: {  	s9 =	sadd.s32 $0x15400, s3;
	[sflag:s26] =	ssyncadd.s32 $0xFFFFC180  }
0x4d: {  	[spmem:s2] =	stream.indirect.scatter.add.f32 [tilespmem:s20], [sflag:$0x3], $0x80, s9, s19, $0xb8;
	[tilespmem:$0x1E800] =	vst v63  }
0x4e: {  	_ =	swait.ge [sflag:s17], $0x3E80  }
0x4f: {  	[sflag:s17] =	ssyncset.done $0x0  }
0x50: {  	s10 =	sadd.s32 $0x14100, s3;
	[sflag:s17] =	ssyncadd.s32 $0xFFFFC180  }
0x51: {  	[tilespmem:s20], [sflag:$0x1] =	stream.indirect.gather [hbm4b:s4+s19], $0x80, s10, s19, $0xb8;
	[tilespmem:$0x1E800] =	vst v63  }
0x52: {  	_ =	swait.ge [sflag:s28], $0x3E80  }
0x53: {  	[sflag:s28] =	ssyncset.done $0x0  }
0x54: {  	s14 =	sadd.s32 $0x15480, s3;
	[sflag:s28] =	ssyncadd.s32 $0xFFFFC180  }
0x55: {  	[spmem:s2] =	stream.indirect.scatter.add.f32 [tilespmem:s25], [sflag:$0x3], $0x80, s14, s19, $0xb8;
	[tilespmem:$0x1E800] =	vst v63  }
0x56: {  	_ =	swait.ge [sflag:s17], $0x3E80  }
0x57: {  	[sflag:s17] =	ssyncset.done $0x0  }
0x58: {  	[sflag:s17] =	ssyncadd.s32 $0xFFFFC180  }
0x59: {  	[tilespmem:s25], [sflag:$0x2] =	stream.indirect.gather [hbm4b:s4+s19], $0x80, s29, s19, $0xb8;
	[tilespmem:$0x1E800] =	vst v63  }
0x5a: {  	_ =	swait.ge [sflag:s26], $0x3E80  }
0x5b: {  	[sflag:s26] =	ssyncset.done $0x0  }
0x5c: {  	[sflag:s26] =	ssyncadd.s32 $0xFFFFC180  }
0x5d: {  	[spmem:s2] =	stream.indirect.scatter.add.f32 [tilespmem:s20], [sflag:$0x3], $0x80, s30, s19, $0xb8;
	[tilespmem:$0x1E800] =	vst v63  }
0x5e: {  	_ =	swait.ge [sflag:s17], $0x3E80  }
0x5f: {  	[sflag:s17] =	ssyncset.done $0x0  }
0x60: {  	[sflag:s17] =	ssyncadd.s32 $0xFFFFC180  }
0x61: {  	_ =	swait.ge [sflag:s28], $0x3E80  }
0x62: {  	[sflag:s28] =	ssyncset.done $0x0  }
0x63: {  	[sflag:s28] =	ssyncadd.s32 $0xFFFFC180  }
0x64: {  	[spmem:s2] =	stream.indirect.scatter.add.f32 [tilespmem:s25], [sflag:$0x3], $0x80, s31, s19, $0xb8;
	[tilespmem:$0x1E800] =	vst v63  }
0x65: {  	_ =	swait.ge [sflag:s17], $0x3E80  }
0x66: {  	[sflag:s17] =	ssyncset.done $0x0  }
0x67: {  	[sflag:s17] =	ssyncadd.s32 $0xFFFFC180  }
0x68: {  	[tilespmem:s20], [sflag:$0x1] =	stream.indirect.gather [hbm4b:s5+s19], $0x80, s16, s19, $0xb8;
	[tilespmem:$0x1E800] =	vst v63  }
0x69: {  	[bflag:$0x0] =	sbarrier.arrive $0xFFFF  }
0x6a: {  	[hbm:s21], [sflag:s18] =	dma.local [spmem:s0], $0x2800  }
0x6b: {  	_ =	swait.ge [sflag:s17], $0x2800  }
0x6c: {  	[sflag:s17] =	ssyncset.done $0x0  }
0x6d: {  	[sflag:s17] =	ssyncadd.s32 $0xFFFFD800  }
0x6e: {  	[bflag:$0x0] =	sbarrier.arrive $0xFFFF  }
0x6f: {  	[spmem:s0], [sflag:s18] =	dma.local [hbm:s13], $0x2800  }
0x70: {  	_ =	swait.ge [sflag:s17], $0x2800  }
0x71: {  	[sflag:s17] =	ssyncset.done $0x0  }
0x72: {  	[sflag:s17] =	ssyncadd.s32 $0xFFFFD800  }
0x73: {  	s8 =	simm.s32 $0x14080;
	[bflag:$0x0] =	sbarrier.arrive $0xFFFF  }
0x74: {  	[tilespmem:s25], [sflag:$0x2] =	stream.indirect.gather [hbm4b:s5+s19], $0x80, s8, s19, $0xb8;
	[tilespmem:$0x1E800] =	vst v63  }
0x75: {  	_ =	swait.ge [sflag:s26], $0x3E80  }
0x76: {  	[sflag:s26] =	ssyncset.done $0x0  }
0x77: {  	s9 =	simm.s32 $0x15400;
	[sflag:s26] =	ssyncadd.s32 $0xFFFFC180  }
0x78: {  	[spmem:s2] =	stream.indirect.scatter.add.f32 [tilespmem:s20], [sflag:$0x3], $0x80, s9, s19, $0xb8;
	[tilespmem:$0x1E800] =	vst v63  }
0x79: {  	_ =	swait.ge [sflag:s17], $0x3E80  }
0x7a: {  	[sflag:s17] =	ssyncset.done $0x0  }
0x7b: {  	s10 =	simm.s32 $0x14100;
	[sflag:s17] =	ssyncadd.s32 $0xFFFFC180  }
0x7c: {  	[tilespmem:s20], [sflag:$0x1] =	stream.indirect.gather [hbm4b:s5+s19], $0x80, s10, s19, $0xb8;
	[tilespmem:$0x1E800] =	vst v63  }
0x7d: {  	_ =	swait.ge [sflag:s28], $0x3E80  }
0x7e: {  	[sflag:s28] =	ssyncset.done $0x0  }
0x7f: {  	s14 =	simm.s32 $0x15480;
	[sflag:s28] =	ssyncadd.s32 $0xFFFFC180  }
0x80: {  	[spmem:s2] =	stream.indirect.scatter.add.f32 [tilespmem:s25], [sflag:$0x3], $0x80, s14, s19, $0xb8;
	[tilespmem:$0x1E800] =	vst v63  }
0x81: {  	_ =	swait.ge [sflag:s17], $0x3E80  }
0x82: {  	s3 =	simm.s32 $0x100;
	s8 =	simm.s32 $0x800;
	[sflag:s17] =	ssyncset.done $0x0  }
.LBB2_4:
0x83: {  	s9 =	sadd.s32 $0x14080, s3  }
0x84: {  	[sflag:s17] =	ssyncadd.s32 $0xFFFFC180;
	s10 =	smov.u32 s8;
	s14 =	sadd.s32 $0x400, s8  }
0x85: {  	[tilespmem:s25], [sflag:$0x2] =	stream.indirect.gather [hbm4b:s5+s19], $0x80, s9, s19, $0xb8;
	[tilespmem:$0x1E800] =	vst v63  }
0x86: {  	p0 =	sne.s32 s8, $0x4800;
	_ =	swait.ge [sflag:s26], $0x3E80  }
0x87: {  	[sflag:s26] =	ssyncset.done $0x0  }
0x88: {  	s8 =	sadd.s32 $0x15400, s3;
	[sflag:s26] =	ssyncadd.s32 $0xFFFFC180  }
0x89: {  	[spmem:s2] =	stream.indirect.scatter.add.f32 [tilespmem:s20], [sflag:$0x3], $0x80, s8, s19, $0xb8;
	[tilespmem:$0x1E800] =	vst v63  }
0x8a: {  	_ =	swait.ge [sflag:s17], $0x3E80  }
0x8b: {  	[sflag:s17] =	ssyncset.done $0x0  }
0x8c: {  	s8 =	sadd.s32 $0x14100, s3;
	[sflag:s17] =	ssyncadd.s32 $0xFFFFC180  }
0x8d: {  	[tilespmem:s20], [sflag:$0x1] =	stream.indirect.gather [hbm4b:s5+s19], $0x80, s8, s19, $0xb8;
	[tilespmem:$0x1E800] =	vst v63  }
0x8e: {  	_ =	swait.ge [sflag:s28], $0x3E80  }
.Ltmp1:
0x8f: {  	[sflag:s28] =	ssyncset.done $0x0;
	(pc) =	sbr.rel @p0 .LBB2_4-.Ltmp1, $4  }
0x90: {  	s3 =	sadd.s32 $0x15480, s3;
	[sflag:s28] =	ssyncadd.s32 $0xFFFFC180  }
0x91: {  	[spmem:s2] =	stream.indirect.scatter.add.f32 [tilespmem:s25], [sflag:$0x3], $0x80, s3, s19, $0xb8;
	[tilespmem:$0x1E800] =	vst v63  }
0x92: {  	_ =	swait.ge [sflag:s17], $0x3E80  }
0x93: {  	s8 =	smov.u32 s14;
	s3 =	sshra.s32 s10, $0x2;
	[sflag:s17] =	ssyncset.done $0x0  }
0x94: {  	s8 =	sadd.s32 $0x14080, s3;
	[sflag:s17] =	ssyncadd.s32 $0xFFFFC180  }
0x95: {  	[tilespmem:s25], [sflag:$0x2] =	stream.indirect.gather [hbm4b:s5+s19], $0x80, s8, s19, $0xb8;
	[tilespmem:$0x1E800] =	vst v63  }
0x96: {  	_ =	swait.ge [sflag:s26], $0x3E80  }
0x97: {  	[sflag:s26] =	ssyncset.done $0x0  }
0x98: {  	s9 =	sadd.s32 $0x15400, s3;
	[sflag:s26] =	ssyncadd.s32 $0xFFFFC180  }
0x99: {  	[spmem:s2] =	stream.indirect.scatter.add.f32 [tilespmem:s20], [sflag:$0x3], $0x80, s9, s19, $0xb8;
	[tilespmem:$0x1E800] =	vst v63  }
0x9a: {  	_ =	swait.ge [sflag:s17], $0x3E80  }
0x9b: {  	[sflag:s17] =	ssyncset.done $0x0  }
0x9c: {  	s10 =	sadd.s32 $0x14100, s3;
	[sflag:s17] =	ssyncadd.s32 $0xFFFFC180  }
0x9d: {  	[tilespmem:s20], [sflag:$0x1] =	stream.indirect.gather [hbm4b:s5+s19], $0x80, s10, s19, $0xb8;
	[tilespmem:$0x1E800] =	vst v63  }
0x9e: {  	_ =	swait.ge [sflag:s28], $0x3E80  }
0x9f: {  	[sflag:s28] =	ssyncset.done $0x0  }
0xa0: {  	s14 =	sadd.s32 $0x15480, s3;
	[sflag:s28] =	ssyncadd.s32 $0xFFFFC180  }
0xa1: {  	[spmem:s2] =	stream.indirect.scatter.add.f32 [tilespmem:s25], [sflag:$0x3], $0x80, s14, s19, $0xb8;
	[tilespmem:$0x1E800] =	vst v63  }
0xa2: {  	_ =	swait.ge [sflag:s17], $0x3E80  }
0xa3: {  	[sflag:s17] =	ssyncset.done $0x0  }
0xa4: {  	[sflag:s17] =	ssyncadd.s32 $0xFFFFC180  }
0xa5: {  	[tilespmem:s25], [sflag:$0x2] =	stream.indirect.gather [hbm4b:s5+s19], $0x80, s29, s19, $0xb8;
	[tilespmem:$0x1E800] =	vst v63  }
0xa6: {  	_ =	swait.ge [sflag:s26], $0x3E80  }
0xa7: {  	[sflag:s26] =	ssyncset.done $0x0  }
0xa8: {  	[sflag:s26] =	ssyncadd.s32 $0xFFFFC180  }
0xa9: {  	[spmem:s2] =	stream.indirect.scatter.add.f32 [tilespmem:s20], [sflag:$0x3], $0x80, s30, s19, $0xb8;
	[tilespmem:$0x1E800] =	vst v63  }
0xaa: {  	_ =	swait.ge [sflag:s17], $0x3E80  }
0xab: {  	[sflag:s17] =	ssyncset.done $0x0  }
0xac: {  	[sflag:s17] =	ssyncadd.s32 $0xFFFFC180  }
0xad: {  	_ =	swait.ge [sflag:s28], $0x3E80  }
0xae: {  	[sflag:s28] =	ssyncset.done $0x0  }
0xaf: {  	[sflag:s28] =	ssyncadd.s32 $0xFFFFC180  }
0xb0: {  	[spmem:s2] =	stream.indirect.scatter.add.f32 [tilespmem:s25], [sflag:$0x3], $0x80, s31, s19, $0xb8;
	[tilespmem:$0x1E800] =	vst v63  }
0xb1: {  	_ =	swait.ge [sflag:s17], $0x3E80  }
0xb2: {  	[sflag:s17] =	ssyncset.done $0x0  }
0xb3: {  	[sflag:s17] =	ssyncadd.s32 $0xFFFFC180  }
0xb4: {  	[tilespmem:s20], [sflag:$0x1] =	stream.indirect.gather [hbm4b:s6+s19], $0x80, s16, s19, $0xb8;
	[tilespmem:$0x1E800] =	vst v63  }
0xb5: {  	[bflag:$0x0] =	sbarrier.arrive $0xFFFF  }
0xb6: {  	[hbm:s22], [sflag:s18] =	dma.local [spmem:s0], $0x2800  }
0xb7: {  	_ =	swait.ge [sflag:s17], $0x2800  }
0xb8: {  	[sflag:s17] =	ssyncset.done $0x0  }
0xb9: {  	[sflag:s17] =	ssyncadd.s32 $0xFFFFD800  }
0xba: {  	[bflag:$0x0] =	sbarrier.arrive $0xFFFF  }
0xbb: {  	[spmem:s0], [sflag:s18] =	dma.local [hbm:s15], $0x2800  }
0xbc: {  	_ =	swait.ge [sflag:s17], $0x2800  }
0xbd: {  	[sflag:s17] =	ssyncset.done $0x0  }
0xbe: {  	[sflag:s17] =	ssyncadd.s32 $0xFFFFD800  }
0xbf: {  	s8 =	simm.s32 $0x14080;
	[bflag:$0x0] =	sbarrier.arrive $0xFFFF  }
0xc0: {  	[tilespmem:s25], [sflag:$0x2] =	stream.indirect.gather [hbm4b:s6+s19], $0x80, s8, s19, $0xb8;
	[tilespmem:$0x1E800] =	vst v63  }
0xc1: {  	_ =	swait.ge [sflag:s26], $0x3E80  }
0xc2: {  	[sflag:s26] =	ssyncset.done $0x0  }
0xc3: {  	s9 =	simm.s32 $0x15400;
	[sflag:s26] =	ssyncadd.s32 $0xFFFFC180  }
0xc4: {  	[spmem:s2] =	stream.indirect.scatter.add.f32 [tilespmem:s20], [sflag:$0x3], $0x80, s9, s19, $0xb8;
	[tilespmem:$0x1E800] =	vst v63  }
0xc5: {  	_ =	swait.ge [sflag:s17], $0x3E80  }
0xc6: {  	[sflag:s17] =	ssyncset.done $0x0  }
0xc7: {  	s10 =	simm.s32 $0x14100;
	[sflag:s17] =	ssyncadd.s32 $0xFFFFC180  }
0xc8: {  	[tilespmem:s20], [sflag:$0x1] =	stream.indirect.gather [hbm4b:s6+s19], $0x80, s10, s19, $0xb8;
	[tilespmem:$0x1E800] =	vst v63  }
0xc9: {  	_ =	swait.ge [sflag:s28], $0x3E80  }
0xca: {  	[sflag:s28] =	ssyncset.done $0x0  }
0xcb: {  	s14 =	simm.s32 $0x15480;
	[sflag:s28] =	ssyncadd.s32 $0xFFFFC180  }
0xcc: {  	[spmem:s2] =	stream.indirect.scatter.add.f32 [tilespmem:s25], [sflag:$0x3], $0x80, s14, s19, $0xb8;
	[tilespmem:$0x1E800] =	vst v63  }
0xcd: {  	_ =	swait.ge [sflag:s17], $0x3E80  }
0xce: {  	s3 =	simm.s32 $0x100;
	s8 =	simm.s32 $0x800;
	[sflag:s17] =	ssyncset.done $0x0  }
.LBB2_6:
0xcf: {  	s9 =	sadd.s32 $0x14080, s3  }
0xd0: {  	[sflag:s17] =	ssyncadd.s32 $0xFFFFC180;
	s10 =	smov.u32 s8;
	s14 =	sadd.s32 $0x400, s8  }
0xd1: {  	[tilespmem:s25], [sflag:$0x2] =	stream.indirect.gather [hbm4b:s6+s19], $0x80, s9, s19, $0xb8;
	[tilespmem:$0x1E800] =	vst v63  }
0xd2: {  	p0 =	sne.s32 s8, $0x4800;
	_ =	swait.ge [sflag:s26], $0x3E80  }
0xd3: {  	[sflag:s26] =	ssyncset.done $0x0  }
0xd4: {  	s8 =	sadd.s32 $0x15400, s3;
	[sflag:s26] =	ssyncadd.s32 $0xFFFFC180  }
0xd5: {  	[spmem:s2] =	stream.indirect.scatter.add.f32 [tilespmem:s20], [sflag:$0x3], $0x80, s8, s19, $0xb8;
	[tilespmem:$0x1E800] =	vst v63  }
0xd6: {  	_ =	swait.ge [sflag:s17], $0x3E80  }
0xd7: {  	[sflag:s17] =	ssyncset.done $0x0  }
0xd8: {  	s8 =	sadd.s32 $0x14100, s3;
	[sflag:s17] =	ssyncadd.s32 $0xFFFFC180  }
0xd9: {  	[tilespmem:s20], [sflag:$0x1] =	stream.indirect.gather [hbm4b:s6+s19], $0x80, s8, s19, $0xb8;
	[tilespmem:$0x1E800] =	vst v63  }
0xda: {  	_ =	swait.ge [sflag:s28], $0x3E80  }
.Ltmp2:
0xdb: {  	[sflag:s28] =	ssyncset.done $0x0;
	(pc) =	sbr.rel @p0 .LBB2_6-.Ltmp2, $4  }
0xdc: {  	s3 =	sadd.s32 $0x15480, s3;
	[sflag:s28] =	ssyncadd.s32 $0xFFFFC180  }
0xdd: {  	[spmem:s2] =	stream.indirect.scatter.add.f32 [tilespmem:s25], [sflag:$0x3], $0x80, s3, s19, $0xb8;
	[tilespmem:$0x1E800] =	vst v63  }
0xde: {  	_ =	swait.ge [sflag:s17], $0x3E80  }
0xdf: {  	s8 =	smov.u32 s14;
	s3 =	sshra.s32 s10, $0x2;
	[sflag:s17] =	ssyncset.done $0x0  }
0xe0: {  	s8 =	sadd.s32 $0x14080, s3;
	[sflag:s17] =	ssyncadd.s32 $0xFFFFC180  }
0xe1: {  	[tilespmem:s25], [sflag:$0x2] =	stream.indirect.gather [hbm4b:s6+s19], $0x80, s8, s19, $0xb8;
	[tilespmem:$0x1E800] =	vst v63  }
0xe2: {  	_ =	swait.ge [sflag:s26], $0x3E80  }
0xe3: {  	[sflag:s26] =	ssyncset.done $0x0  }
0xe4: {  	s9 =	sadd.s32 $0x15400, s3;
	[sflag:s26] =	ssyncadd.s32 $0xFFFFC180  }
0xe5: {  	[spmem:s2] =	stream.indirect.scatter.add.f32 [tilespmem:s20], [sflag:$0x3], $0x80, s9, s19, $0xb8;
	[tilespmem:$0x1E800] =	vst v63  }
0xe6: {  	_ =	swait.ge [sflag:s17], $0x3E80  }
0xe7: {  	[sflag:s17] =	ssyncset.done $0x0  }
0xe8: {  	s10 =	sadd.s32 $0x14100, s3;
	[sflag:s17] =	ssyncadd.s32 $0xFFFFC180  }
0xe9: {  	[tilespmem:s20], [sflag:$0x1] =	stream.indirect.gather [hbm4b:s6+s19], $0x80, s10, s19, $0xb8;
	[tilespmem:$0x1E800] =	vst v63  }
0xea: {  	_ =	swait.ge [sflag:s28], $0x3E80  }
0xeb: {  	[sflag:s28] =	ssyncset.done $0x0  }
0xec: {  	s14 =	sadd.s32 $0x15480, s3;
	[sflag:s28] =	ssyncadd.s32 $0xFFFFC180  }
0xed: {  	[spmem:s2] =	stream.indirect.scatter.add.f32 [tilespmem:s25], [sflag:$0x3], $0x80, s14, s19, $0xb8;
	[tilespmem:$0x1E800] =	vst v63  }
0xee: {  	_ =	swait.ge [sflag:s17], $0x3E80  }
0xef: {  	[sflag:s17] =	ssyncset.done $0x0  }
0xf0: {  	[sflag:s17] =	ssyncadd.s32 $0xFFFFC180  }
0xf1: {  	[tilespmem:s25], [sflag:$0x2] =	stream.indirect.gather [hbm4b:s6+s19], $0x80, s29, s19, $0xb8;
	[tilespmem:$0x1E800] =	vst v63  }
0xf2: {  	_ =	swait.ge [sflag:s26], $0x3E80  }
0xf3: {  	[sflag:s26] =	ssyncset.done $0x0  }
0xf4: {  	[sflag:s26] =	ssyncadd.s32 $0xFFFFC180  }
0xf5: {  	[spmem:s2] =	stream.indirect.scatter.add.f32 [tilespmem:s20], [sflag:$0x3], $0x80, s30, s19, $0xb8;
	[tilespmem:$0x1E800] =	vst v63  }
0xf6: {  	_ =	swait.ge [sflag:s17], $0x3E80  }
0xf7: {  	[sflag:s17] =	ssyncset.done $0x0  }
0xf8: {  	[sflag:s17] =	ssyncadd.s32 $0xFFFFC180  }
0xf9: {  	_ =	swait.ge [sflag:s28], $0x3E80  }
0xfa: {  	[sflag:s28] =	ssyncset.done $0x0  }
0xfb: {  	[sflag:s28] =	ssyncadd.s32 $0xFFFFC180  }
0xfc: {  	[spmem:s2] =	stream.indirect.scatter.add.f32 [tilespmem:s25], [sflag:$0x3], $0x80, s31, s19, $0xb8;
	[tilespmem:$0x1E800] =	vst v63  }
0xfd: {  	_ =	swait.ge [sflag:s17], $0x3E80  }
0xfe: {  	[sflag:s17] =	ssyncset.done $0x0  }
0xff: {  	[sflag:s17] =	ssyncadd.s32 $0xFFFFC180  }
0x100: {  	[tilespmem:s20], [sflag:$0x1] =	stream.indirect.gather [hbm4b:s7+s19], $0x80, s16, s19, $0xb8;
	[tilespmem:$0x1E800] =	vst v63  }
0x101: {  	[bflag:$0x0] =	sbarrier.arrive $0xFFFF  }
0x102: {  	[hbm:s23], [sflag:s18] =	dma.local [spmem:s0], $0x2800  }
0x103: {  	_ =	swait.ge [sflag:s17], $0x2800  }
0x104: {  	[sflag:s17] =	ssyncset.done $0x0  }
0x105: {  	[sflag:s17] =	ssyncadd.s32 $0xFFFFD800  }
0x106: {  	[bflag:$0x0] =	sbarrier.arrive $0xFFFF  }
0x107: {  	[spmem:s0], [sflag:s18] =	dma.local [hbm:s11], $0x2800  }
0x108: {  	_ =	swait.ge [sflag:s17], $0x2800  }
0x109: {  	[sflag:s17] =	ssyncset.done $0x0  }
0x10a: {  	[sflag:s17] =	ssyncadd.s32 $0xFFFFD800  }
0x10b: {  	s8 =	simm.s32 $0x14080;
	[bflag:$0x0] =	sbarrier.arrive $0xFFFF  }
0x10c: {  	[tilespmem:s25], [sflag:$0x2] =	stream.indirect.gather [hbm4b:s7+s19], $0x80, s8, s19, $0xb8;
	[tilespmem:$0x1E800] =	vst v63  }
0x10d: {  	_ =	swait.ge [sflag:s26], $0x3E80  }
0x10e: {  	[sflag:s26] =	ssyncset.done $0x0  }
0x10f: {  	s9 =	simm.s32 $0x15400;
	[sflag:s26] =	ssyncadd.s32 $0xFFFFC180  }
0x110: {  	[spmem:s2] =	stream.indirect.scatter.add.f32 [tilespmem:s20], [sflag:$0x3], $0x80, s9, s19, $0xb8;
	[tilespmem:$0x1E800] =	vst v63  }
0x111: {  	_ =	swait.ge [sflag:s17], $0x3E80  }
0x112: {  	[sflag:s17] =	ssyncset.done $0x0  }
0x113: {  	s10 =	simm.s32 $0x14100;
	[sflag:s17] =	ssyncadd.s32 $0xFFFFC180  }
0x114: {  	[tilespmem:s20], [sflag:$0x1] =	stream.indirect.gather [hbm4b:s7+s19], $0x80, s10, s19, $0xb8;
	[tilespmem:$0x1E800] =	vst v63  }
0x115: {  	_ =	swait.ge [sflag:s28], $0x3E80  }
0x116: {  	[sflag:s28] =	ssyncset.done $0x0  }
0x117: {  	s14 =	simm.s32 $0x15480;
	[sflag:s28] =	ssyncadd.s32 $0xFFFFC180  }
0x118: {  	[spmem:s2] =	stream.indirect.scatter.add.f32 [tilespmem:s25], [sflag:$0x3], $0x80, s14, s19, $0xb8;
	[tilespmem:$0x1E800] =	vst v63  }
0x119: {  	_ =	swait.ge [sflag:s17], $0x3E80  }
0x11a: {  	s3 =	simm.s32 $0x100;
	s8 =	simm.s32 $0x800;
	[sflag:s17] =	ssyncset.done $0x0  }
.LBB2_8:
0x11b: {  	s9 =	sadd.s32 $0x14080, s3  }
0x11c: {  	[sflag:s17] =	ssyncadd.s32 $0xFFFFC180;
	s10 =	smov.u32 s8;
	s14 =	sadd.s32 $0x400, s8  }
0x11d: {  	[tilespmem:s25], [sflag:$0x2] =	stream.indirect.gather [hbm4b:s7+s19], $0x80, s9, s19, $0xb8;
	[tilespmem:$0x1E800] =	vst v63  }
0x11e: {  	p0 =	sne.s32 s8, $0x4800;
	_ =	swait.ge [sflag:s26], $0x3E80  }
0x11f: {  	[sflag:s26] =	ssyncset.done $0x0  }
0x120: {  	s8 =	sadd.s32 $0x15400, s3;
	[sflag:s26] =	ssyncadd.s32 $0xFFFFC180  }
0x121: {  	[spmem:s2] =	stream.indirect.scatter.add.f32 [tilespmem:s20], [sflag:$0x3], $0x80, s8, s19, $0xb8;
	[tilespmem:$0x1E800] =	vst v63  }
0x122: {  	_ =	swait.ge [sflag:s17], $0x3E80  }
0x123: {  	[sflag:s17] =	ssyncset.done $0x0  }
0x124: {  	s8 =	sadd.s32 $0x14100, s3;
	[sflag:s17] =	ssyncadd.s32 $0xFFFFC180  }
0x125: {  	[tilespmem:s20], [sflag:$0x1] =	stream.indirect.gather [hbm4b:s7+s19], $0x80, s8, s19, $0xb8;
	[tilespmem:$0x1E800] =	vst v63  }
0x126: {  	_ =	swait.ge [sflag:s28], $0x3E80  }
.Ltmp3:
0x127: {  	[sflag:s28] =	ssyncset.done $0x0;
	(pc) =	sbr.rel @p0 .LBB2_8-.Ltmp3, $4  }
0x128: {  	s3 =	sadd.s32 $0x15480, s3;
	[sflag:s28] =	ssyncadd.s32 $0xFFFFC180  }
0x129: {  	[spmem:s2] =	stream.indirect.scatter.add.f32 [tilespmem:s25], [sflag:$0x3], $0x80, s3, s19, $0xb8;
	[tilespmem:$0x1E800] =	vst v63  }
0x12a: {  	_ =	swait.ge [sflag:s17], $0x3E80  }
0x12b: {  	s8 =	smov.u32 s14;
	s3 =	sshra.s32 s10, $0x2;
	[sflag:s17] =	ssyncset.done $0x0  }
0x12c: {  	s8 =	sadd.s32 $0x14080, s3;
	[sflag:s17] =	ssyncadd.s32 $0xFFFFC180  }
0x12d: {  	[tilespmem:s25], [sflag:$0x2] =	stream.indirect.gather [hbm4b:s7+s19], $0x80, s8, s19, $0xb8;
	[tilespmem:$0x1E800] =	vst v63  }
0x12e: {  	_ =	swait.ge [sflag:s26], $0x3E80  }
0x12f: {  	[sflag:s26] =	ssyncset.done $0x0  }
0x130: {  	s9 =	sadd.s32 $0x15400, s3;
	[sflag:s26] =	ssyncadd.s32 $0xFFFFC180  }
0x131: {  	[spmem:s2] =	stream.indirect.scatter.add.f32 [tilespmem:s20], [sflag:$0x3], $0x80, s9, s19, $0xb8;
	[tilespmem:$0x1E800] =	vst v63  }
0x132: {  	_ =	swait.ge [sflag:s17], $0x3E80  }
0x133: {  	[sflag:s17] =	ssyncset.done $0x0  }
0x134: {  	s10 =	sadd.s32 $0x14100, s3;
	[sflag:s17] =	ssyncadd.s32 $0xFFFFC180  }
0x135: {  	[tilespmem:s20], [sflag:$0x1] =	stream.indirect.gather [hbm4b:s7+s19], $0x80, s10, s19, $0xb8;
	[tilespmem:$0x1E800] =	vst v63  }
0x136: {  	_ =	swait.ge [sflag:s28], $0x3E80  }
0x137: {  	[sflag:s28] =	ssyncset.done $0x0  }
0x138: {  	s14 =	sadd.s32 $0x15480, s3;
	[sflag:s28] =	ssyncadd.s32 $0xFFFFC180  }
0x139: {  	[spmem:s2] =	stream.indirect.scatter.add.f32 [tilespmem:s25], [sflag:$0x3], $0x80, s14, s19, $0xb8;
	[tilespmem:$0x1E800] =	vst v63  }
0x13a: {  	_ =	swait.ge [sflag:s17], $0x3E80  }
0x13b: {  	[sflag:s17] =	ssyncset.done $0x0  }
0x13c: {  	[sflag:s17] =	ssyncadd.s32 $0xFFFFC180  }
0x13d: {  	[tilespmem:s25], [sflag:$0x2] =	stream.indirect.gather [hbm4b:s7+s19], $0x80, s29, s19, $0xb8;
	[tilespmem:$0x1E800] =	vst v63  }
0x13e: {  	_ =	swait.ge [sflag:s26], $0x3E80  }
0x13f: {  	[sflag:s26] =	ssyncset.done $0x0  }
0x140: {  	[sflag:s26] =	ssyncadd.s32 $0xFFFFC180  }
0x141: {  	[spmem:s2] =	stream.indirect.scatter.add.f32 [tilespmem:s20], [sflag:$0x3], $0x80, s30, s19, $0xb8;
	[tilespmem:$0x1E800] =	vst v63  }
0x142: {  	_ =	swait.ge [sflag:s17], $0x3E80  }
0x143: {  	[sflag:s17] =	ssyncset.done $0x0  }
0x144: {  	[sflag:s17] =	ssyncadd.s32 $0xFFFFC180  }
0x145: {  	_ =	swait.ge [sflag:s28], $0x3E80  }
0x146: {  	[sflag:s28] =	ssyncset.done $0x0  }
0x147: {  	[sflag:s28] =	ssyncadd.s32 $0xFFFFC180  }
0x148: {  	[spmem:s2] =	stream.indirect.scatter.add.f32 [tilespmem:s25], [sflag:$0x3], $0x80, s31, s19, $0xb8;
	[tilespmem:$0x1E800] =	vst v63  }
0x149: {  	_ =	swait.ge [sflag:s17], $0x3E80  }
0x14a: {  	[sflag:s17] =	ssyncset.done $0x0  }
0x14b: {  	[sflag:s17] =	ssyncadd.s32 $0xFFFFC180  }
0x14c: {  	[bflag:$0x0] =	sbarrier.arrive $0xFFFF  }
0x14d: {  	[hbm:s24], [sflag:s18] =	dma.local [spmem:s0], $0x2800  }
0x14e: {  	_ =	swait.ge [sflag:s17], $0x2800  }
0x14f: {  	s1 =	sadd.s32 $0x1, s1;
	s18 =	rddreg [dreg:$0x7]  }
0x150: {  	p0 =	sne.s32 s1, s18  }
.Ltmp4:
0x151: {  	_ = 	snop;
	(pc) =	sbr.rel @p0 .LBB2_1-.Ltmp4, $3  }
0x152: {  	_ =	sdelay $0x1  }
0x153: {  	[sflag:s17] =	ssyncset.done $0x0  }
0x154: {  	[sflag:s17] =	ssyncadd.s32 $0xFFFFD800  }
0x155: {  	_ =	sfence.sel $0x180000  }
0x156: {  	[bflag:$0x0] =	sbarrier.arrive $0xFFFF  }
0x157: {  	_ =	strace $0x9000004D  }
0x158: {  	s0 =	stileid.u32;
	[bflag:$0x2] =	sbarrier.arrive $0xFFFF  }
0x159: {  	p0 =	sne.s32 s0, $0x0;
	s0 =	rddreg [dreg:$0x3]  }
0x15a: {  	s0 =	sadd.s32 @!p0 $0x100000, s0  }
0x15b: {  	[sflag:s0] =	ssyncadd.tile.s32 @!p0 $0x1;
	_ =	shalt  }
.Lfunc_end2:
_tile_overlayer_lowered:
.L_overlay_start_2:
0x15c: {  	(tag) =	ssettag $0x2  }
0x15d: {  	s0 =	rddreg [dreg:$0x0];
	s2 =	stileid.u32  }
0x15e: {  	s1 =	rddreg [dreg:$0x1];
	p0 =	sne.s32 s2, $0x0  }
0x15f: {  	s3 =	rddreg [dreg:$0x2];
	[bflag:$0x3] =	sbarrier.arrive $0xFFFF;
	s2 =	simm.s32 @!p0 $0x1C03  }
0x160: {  	[timem:s3], [sflag:s2] =	dma.local @!p0 [hbm:s0], s1  }
0x161: {  	s0 =	simm.s32 @!p0 $0x3  }
0x162: {  	_ =	swait.ge @!p0 [sflag:s0], s1  }
0x163: {  	s1 =	ssub.s32 @!p0 $0x0, s1;
	[sflag:s0] =	ssyncset.done @!p0 $0x0  }
0x164: {  	[sflag:s0] =	ssyncadd.s32 @!p0 s1  }
0x165: {  	[bflag:$0x3] =	sbarrier.arrive $0xFFFF  }
0x166: {  	_ =	shalt  }

// kernel: kernel.8.cloned.1.call-start
scs
__scs_entry_jumppad:
0x0: {  	(pc) =	sbr.rel $0x88, $3  }
0x1: {  	(tag) =	ssettag $0x0;
	lr =	simm.s32 $0x1  }
0x2: {  	[smem:$0x3F9A] =	sst lr;
	_ =	strace $0xD0000000  }
0x3: {  	_ = 	snop  }
0x4: {  	_ = 	snop  }
0x5: {  	_ = 	snop  }
0x6: {  	_ = 	snop  }
0x7: {  	_ = 	snop  }
__scs_overlays_trampoline_lowered:
0x8: {  	[smem:$0x3FA9] =	sst s0  }
0x9: {  	[smem:$0x3FAA] =	sst s1  }
0xa: {  	[smem:$0x3FAB] =	sst s2  }
0xb: {  	[smem:$0x3FAC] =	sst s3  }
0xc: {  	[smem:$0x3FAD] =	sst s4  }
0xd: {  	[smem:$0x3FAE] =	sst s5  }
0xe: {  	[smem:$0x3FAF] =	sst s6  }
0xf: {  	[smem:$0x3FB0] =	sst s7  }
0x10: {  	[smem:$0x3FB1] =	sst s8  }
0x11: {  	[smem:$0x3FB2] =	sst s9;
	s0 =	simm.s32 @!p0 $0x0  }
0x12: {  	s1 =	sld [smem:$0x3F98];
	s0 =	simm.s32 @p0 $0x1  }
0x13: {  	[smem:$0x3FB3] =	sst s0;
	s0 =	simm.s32 @!p1 $0x0  }
0x14: {  	s2 =	sld [smem:$0x3F97];
	s0 =	simm.s32 @p1 $0x1  }
0x15: {  	[smem:$0x3FB4] =	sst s0;
	s0 =	simm.s32 @!p2 $0x0  }
0x16: {  	s3 =	sld [smem:$0x3FDB];
	s0 =	simm.s32 @p2 $0x1  }
0x17: {  	s4 =	simm.s32 $0x1BF5;
	[smem:$0x3FB6] =	sst s0  }
0x18: {  	s0 =	sld [smem:$0x3F99];
	_ =	swait.ge [sflag:s4], $0x0  }
0x19: {  	s7 =	sld [smem:$0x3F9A]  }
0x1a: {  	s8 =	sadd.s32 $0xFFFFE003, lr  }
0x1b: {  	s9 =	sadd.s32 $0xFFFFFEF7, lr;
	s5 =	simm.s32 $0xFFFFFFFF;
	p2 =	slt.u32 s8, $0xFFFFF086  }
0x1c: {  	p1 =	slt.u32 s9, $0xF7A;
	s5 =	simm.s32 @!p2 $0x0  }
0x1d: {  	s5 =	simm.s32 @p1 $0x1;
	p0 =	seq.s32 s7, s2  }
0x1e: {  	s7 =	smul.u32 @!p0 $0xF7A, s2;
	p2 =	seq.s32 @!p0 s5, $0x0  }
0x1f: {  	s9 =	smul.u32 $0xF7A, s1;
	s8 =	simm.s32 @!p0 $0x1BF5;
	p2 =	por !p2, p0  }
0x20: {  	[sflag:s8] =	ssyncset.s32 @!p0 $0xFFFFF086;
	s6 =	sadd.s32 @!p0 s3, s7;
	s7 =	simm.s32 @!p0 $0x108  }
0x21: {  	s3 =	sadd.s32 s3, s9;
	s6 =	sadd.s32 @!p0 $0x88, s6;
	s7 =	simm.s32 @p2 $0x1082  }
0x22: {  	[simem:s7], [sflag:s8] =	dma.local @!p0 [hbm:s6], $0xF7A  }
0x23: {  	s9 =	sor.u32 $0xD0000000, s2;
	s6 =	simm.s32 $0x108;
	_ =	swait.ge @!p0 [sflag:s8], $0x0  }
0x24: {  	s3 =	sadd.s32 $0x88, s3;
	s6 =	simm.s32 @!p1 $0x1082;
	[sflag:s4] =	ssyncset.s32 $0xFFFFF086  }
0x25: {  	[simem:s6], [sflag:s4] =	dma.local [hbm:s3], $0xF7A  }
0x26: {  	[smem:$0x3F9A] =	sst s1;
	(tag) =	ssettag s2;
	_ =	strace s9  }
0x27: {  	s1 =	sld [smem:$0x3FAA]  }
0x28: {  	s2 =	sld [smem:$0x3FAB]  }
0x29: {  	s4 =	sld [smem:$0x3FAD]  }
0x2a: {  	p0 =	seq.s32 s5, $0x0;
	s5 =	sld [smem:$0x3FAE]  }
0x2b: {  	s6 =	sld [smem:$0x3FAF]  }
0x2c: {  	s7 =	sld [smem:$0x3FB0]  }
0x2d: {  	s3 =	simm.s32 $0x108;
	s8 =	sld [smem:$0x3FB1]  }
0x2e: {  	s3 =	simm.s32 @!p0 $0x1082;
	s9 =	sld [smem:$0x3FB2]  }
0x2f: {  	lr =	sadd.s32 s0, s3;
	s0 =	sld [smem:$0x3FA9]  }
0x30: {  	s3 =	sld [smem:$0x3FAC]  }
0x31: {  	[smem:$0x3FB5] =	sst s10  }
0x32: {  	s10 =	sld [smem:$0x3FB3];
	_ =	sdelay $0x3  }
0x33: {  	p0 =	seq.s32 s10, $0x1;
	s10 =	sld [smem:$0x3FB5];
	_ =	sdelay $0x3  }
0x34: {  	[smem:$0x3FB5] =	sst s10  }
0x35: {  	s10 =	sld [smem:$0x3FB4];
	_ =	sdelay $0x3  }
0x36: {  	p1 =	seq.s32 s10, $0x1;
	s10 =	sld [smem:$0x3FB5];
	_ =	sdelay $0x3  }
0x37: {  	[smem:$0x3FB5] =	sst s10  }
0x38: {  	s10 =	sld [smem:$0x3FB6]  }
0x39: {  	_ = 	snop;
	(pc) =	sbr.ind lr, $3  }
0x3a: {  	_ = 	snop  }
0x3b: {  	_ = 	snop  }
0x3c: {  	p2 =	seq.s32 s10, $0x1;
	s10 =	sld [smem:$0x3FB5]  }
0x3d: {  	_ =	shalt  }
0x3e: {  	_ =	shalt  }
0x3f: {  	_ =	shalt  }
0x40: {  	_ =	shalt  }
0x41: {  	_ =	shalt  }
0x42: {  	_ =	shalt  }
0x43: {  	_ =	shalt  }
0x44: {  	_ =	shalt  }
0x45: {  	_ =	shalt  }
0x46: {  	_ =	shalt  }
0x47: {  	_ =	shalt  }
0x48: {  	_ =	shalt  }
0x49: {  	_ =	shalt  }
0x4a: {  	_ =	shalt  }
0x4b: {  	_ =	shalt  }
0x4c: {  	_ =	shalt  }
0x4d: {  	_ =	shalt  }
0x4e: {  	_ =	shalt  }
0x4f: {  	_ =	shalt  }
0x50: {  	_ =	shalt  }
0x51: {  	_ =	shalt  }
0x52: {  	_ =	shalt  }
0x53: {  	_ =	shalt  }
0x54: {  	_ =	shalt  }
0x55: {  	_ =	shalt  }
0x56: {  	_ =	shalt  }
0x57: {  	_ =	shalt  }
0x58: {  	_ =	shalt  }
0x59: {  	_ =	shalt  }
0x5a: {  	_ =	shalt  }
0x5b: {  	_ =	shalt  }
0x5c: {  	_ =	shalt  }
0x5d: {  	_ =	shalt  }
0x5e: {  	_ =	shalt  }
0x5f: {  	_ =	shalt  }
0x60: {  	_ =	shalt  }
0x61: {  	_ =	shalt  }
0x62: {  	_ =	shalt  }
0x63: {  	_ =	shalt  }
0x64: {  	_ =	shalt  }
0x65: {  	_ =	shalt  }
0x66: {  	_ =	shalt  }
0x67: {  	_ =	shalt  }
0x68: {  	_ =	shalt  }
0x69: {  	_ =	shalt  }
0x6a: {  	_ =	shalt  }
0x6b: {  	_ =	shalt  }
0x6c: {  	_ =	shalt  }
0x6d: {  	_ =	shalt  }
0x6e: {  	_ =	shalt  }
0x6f: {  	_ =	shalt  }
0x70: {  	_ =	shalt  }
0x71: {  	_ =	shalt  }
0x72: {  	_ =	shalt  }
0x73: {  	_ =	shalt  }
0x74: {  	_ =	shalt  }
0x75: {  	_ =	shalt  }
0x76: {  	_ =	shalt  }
0x77: {  	_ =	shalt  }
0x78: {  	_ =	shalt  }
0x79: {  	_ =	shalt  }
0x7a: {  	_ =	shalt  }
0x7b: {  	_ =	shalt  }
0x7c: {  	_ =	shalt  }
0x7d: {  	_ =	shalt  }
0x7e: {  	_ =	shalt  }
0x7f: {  	_ =	shalt  }
0x80: {  	_ =	shalt  }
0x81: {  	_ =	shalt  }
0x82: {  	_ =	shalt  }
0x83: {  	_ =	shalt  }
0x84: {  	_ =	shalt  }
0x85: {  	_ =	shalt  }
0x86: {  	_ =	shalt  }
0x87: {  	_ =	shalt  }
.Lfunc_end0:
.L_simem_size_0:
called_computation_lowered:
.L_overlay_start_0:
0x88: {  	s2 =	sld [smem:$0x3FD9]  }
0x89: {  	s3 =	sld [smem:$0x3FFE];
	_ =	sdelay $0x1  }
0x8a: {  	s1 =	srdreg.scid  }
0x8b: {  	s0 =	sand.u32 $0x1, s1  }
0x8c: {  	s17 =	sshll.u32 s0, $0xA;
	s2 =	sadd.s32 s3, s2  }
0x8d: {  	s2 =	sadd.s32 s2, s17  }
0x8e: {  	[smem:$0x3FC1] =	sst s2  }
0x8f: {  	_ = 	snop  }
0x90: {  	s2 =	sld [smem:$0x3FD0];
	(tm) =	ssettm $0x1  }
0x91: {  	s18 =	sld [smem:$0x3FFB];
	_ =	sdelay $0x3  }
0x92: {  	_ =	strace s18  }
0x93: {  	s3 =	sld [smem:$0x3FFC];
	_ =	sdelay $0x3  }
0x94: {  	_ =	strace s3  }
0x95: {  	s3 =	sld [smem:$0x3FFD];
	_ =	sdelay $0x3  }
0x96: {  	_ =	strace s3  }
0x97: {  	_ =	strace $0x8FFFFFFF  }
0x98: {  	s19 =	sld [smem:$0x3FDB];
	_ =	sdelay $0x1  }
0x99: {  	s4 =	simm.s32 $_scs_section_size  }
0x9a: {  	s5 =	simm.s32 $_size__tile_overlayer_lowered;
	s6 =	simm.s32 $_tile_overlayer_lowered  }
0x9b: {  	s22 =	simm.s32 $0x1BFF;
	s21 =	sshll.u32 s6, $0x1;
	s3 =	sadd.s32 s4, s19  }
0x9c: {  	s7 =	simm.s32 $0x0;
	s20 =	sshll.u32 s5, $0x1;
	s5 =	sadd.s32 s21, s3  }
0x9d: {  	[timem:s7], [sflag:s22] =	dma.local [hbm:s5], s20  }
0x9e: {  	_ =	swait.ge [sflag:s22], s20  }
0x9f: {  	s4 =	ssub.s32 $0x0, s20;
	[sflag:s22] =	ssyncset.done $0x0  }
0xa0: {  	[sflag:s22] =	ssyncadd.s32 s4;
	_ =	sdelay $0x1  }
0xa1: {  	s23 =	simm.s32 $0x1B8B  }
0xa2: {  	_ =	swait.ge [sflag:s23], $0x1  }
0xa3: {  	[sflag:s23] =	ssyncset.done $0x0  }
0xa4: {  	s25 =	simm.s32 $0x1B8E;
	s24 =	sld [smem:$0x3FFE];
	[sflag:s23] =	ssyncadd.s32 $0xFFFFFFFF  }
0xa5: {  	s26 =	simm.s32 $execute0_lowered;
	[smem:$0x3FD2] =	sst s25  }
0xa6: {  	s5 =	sshll.u32 s26, $0x1;
	_ =	strace $0x80000046;
	[dreg:$0x1] =	wrdreg $0xFFFFFFFF  }
0xa7: {  	s28 =	simm.s32 $_size_execute0_lowered;
	s3 =	sadd.s32 s3, s5;
	[dreg:$0x0] =	wrdreg $0x0  }
0xa8: {  	s5 =	sshll.u32 s28, $0x1;
	[dreg:$0x2] =	wrdreg s3  }
0xa9: {  	[dreg:$0x3] =	wrdreg s5  }
0xaa: {  	[dreg:$0x4] =	wrdreg $0xC0  }
0xab: {  	_ =	task [dreg:s7], $0x5FFFF  }
0xac: {  	[dreg:$0x1] =	wrdreg $0xFFFFFFFF  }
0xad: {  	[dreg:$0x0] =	wrdreg $0x60  }
0xae: {  	[dreg:$0x2] =	wrdreg s24  }
0xaf: {  	[dreg:$0x3] =	wrdreg s2  }
0xb0: {  	[dreg:$0x4] =	wrdreg $0x0  }
0xb1: {  	[dreg:$0x5] =	wrdreg $0x9  }
0xb2: {  	_ =	task.clear_ibuf [dreg:s7], $0x6FFFF;
	_ =	strace $0x90000046  }
0xb3: {  	s29 =	simm.s32 $0x9;
	_ =	strace $0x80000048  }
0xb4: {  	_ =	swait.ge [sflag:s29], $0x1  }
0xb5: {  	[sflag:s29] =	ssyncadd.s32 $0xFFFFFFFF  }
0xb6: {  	_ =	strace $0x90000048  }
0xb7: {  	_ =	sfence  }
0xb8: {  	s30 =	sld [smem:$0x0];
	_ =	sdelay $0x2  }
0xb9: {  	s31 =	sshll.u32 s1, $0xD;
	s1 =	sshrl.u32 s1, $0x2  }
0xba: {  	s3 =	sand.u32 $0x4000, s31;
	s1 =	sadd.s32 s1, s30  }
0xbb: {  	s0 =	sor.u32 s3, s0;
	s1 =	sshll.u32 s1, $0x11  }
0xbc: {  	s0 =	sor.u32 s1, s0  }
0xbd: {  	s0 =	sadd.s32 $0x8F2B, s0  }
0xbe: {  	[sflag:s0] =	ssyncadd.remote.s32 $0x1  }
0xbf: {  	_ =	sfence.sel $0xFFFF  }
0xc0: {  	[dreg:$0x0] =	wrdreg $0xFFFFFFFF;
	(pc) =	sbr.abs _section_cstart, $3  }
0xc1: {  	[dreg:$0x1] =	wrdreg $0xFFFFFFFF  }
0xc2: {  	_ =	task.clear_ibuf [dreg:s7], $0x2FFFF;
	_ =	strace $0x9FFFFFFF  }
0xc3: {  	(tm) =	ssettm $0x7FFFFFFF  }
tec
execute0_lowered:
.L_overlay_start_1:
0x0: {  	(tag) =	ssettag $0x1  }
0x1: {  	s5 =	rddreg [dreg:$0x0]  }
0x2: {  	s7 =	rddreg [dreg:$0x1]  }
0x3: {  	s0 =	srdreg.scid;
	s2 =	rddreg [dreg:$0x2]  }
0x4: {  	s3 =	simm.s32 $0x0;
	s6 =	sand.u32 $0x1, s0;
	s0 =	stileid.u32  }
0x5: {  	s13 =	simm.s32 $0x7D;
	[smem:$0x7FF] =	sst s3;
	s14 =	smul.u32 $0x2800, s0  }
0x6: {  	s1 =	sshll.u32 s6, $0x4;
	s9 =	smul.u32 $0x50000, s0;
	s10 =	ssub.s32 $0x2, s6  }
0x7: {  	s12 =	smul.u32 $0x28000, s6;
	s31 =	sshll.u32 s0, $0x6;
	s4 =	sor.u32 s0, s1  }
0x8: {  	s1 =	rddreg [dreg:$0x3];
	_ =	strace $0x80000047;
	s11 =	sshrl.u32 s10, $0x1  }
0x9: {  	s4 =	smul.u32 $0x280, s4;
	s9 =	sshrl.u32 s9, $0x2;
	s10 =	ssub.s32 s10, s11  }
0xa: {  	s15 =	sadd.s32 s7, s12;
	s12 =	simm.s32 $0x14000;
	s30 =	sadd.s32 s9, s2  }
0xb: {  	s7 =	smax.u32 s10, $0x1;
	s9 =	simm.s32 $0x1;
	s10 =	sor.u32 $0x1C01, s31  }
0xc: {  	s8 =	sadd.s32 s4, s5;
	s4 =	sadd.s32 $0x8000, s5;
	s5 =	sadd.s32 s14, s5  }
0xd: {  	s11 =	sshrl.u32 s30, $0x3;
	s14 =	sadd.s32 s14, s15;
	s15 =	simm.s32 $0x0  }
0xe: {  	s5 =	sadd.s32 $0x8800, s5;
	s6 =	sadd.s32 $0x3000, s8;
	s8 =	simm.s32 $0x15400  }
.LBB2_1:
0xf: {  	[tilespmem:s8], [sflag:$0x1] =	stream.linear.gather [hbm4b:s4+s3], $0x3E80, $0x38;
	[tilespmem:$0x19400] =	vst v63  }
0x10: {  	_ =	swait.ge [sflag:s9], $0x3E80  }
0x11: {  	[sflag:s9] =	ssyncset.done $0x0  }
0x12: {  	[sflag:s9] =	ssyncadd.s32 $0xFFFFC180  }
0x13: {  	[spmem:s11], [sflag:s10] =	dma.local [hbm:s5], $0x2800  }
0x14: {  	_ =	swait.ge [sflag:s9], $0x2800  }
0x15: {  	[sflag:s9] =	ssyncset.done $0x0  }
0x16: {  	[sflag:s9] =	ssyncadd.s32 $0xFFFFD800  }
0x17: {  	[tilespmem:s12], [sflag:$0x1] =	stream.linear.gather [hbm4b:s6+s3], $0x1400, $0x38;
	[tilespmem:$0x19400] =	vst v63  }
0x18: {  	_ =	swait.ge [sflag:s9], $0x1400  }
0x19: {  	[sflag:s9] =	ssyncset.done $0x0  }
0x1a: {  	[sflag:s9] =	ssyncadd.s32 $0xFFFFEC00  }
0x1b: {  	s16 =	simm.s32 $0x14000;
	[bflag:$0x0] =	sbarrier.arrive $0xFFFF  }
0x1c: {  	[spmem:s2] =	stream.indirect.scatter.add.f32 [tilespmem:s8], [sflag:$0x1], $0x80, s16, s13, $0xb8;
	[tilespmem:$0x19400] =	vst v63  }
0x1d: {  	s16 =	simm.s32 $0x200;
	_ =	swait.ge [sflag:s9], $0x3E80  }
.LBB2_2:
0x1e: {  	s17 =	sshra.s32 s16, $0x2;
	[sflag:s9] =	ssyncset.done $0x0;
	p0 =	sne.s32 s16, $0x4E00  }
.Ltmp0:
0x1f: {  	s17 =	sadd.s32 $0x14000, s17;
	[sflag:s9] =	ssyncadd.s32 $0xFFFFC180;
	(pc) =	sbr.rel @p0 .LBB2_2-.Ltmp0, $3  }
0x20: {  	[spmem:s2] =	stream.indirect.scatter.add.f32 [tilespmem:s8], [sflag:$0x1], $0x80, s17, s13, $0xb8;
	[tilespmem:$0x19400] =	vst v63  }
0x21: {  	s16 =	sadd.s32 $0x200, s16;
	_ =	sdelay $0x1  }
0x22: {  	_ =	swait.ge [sflag:s9], $0x3E80  }
0x23: {  	[sflag:s9] =	ssyncset.done $0x0;
	s15 =	sadd.s32 $0x1, s15  }
0x24: {  	[sflag:s9] =	ssyncadd.s32 $0xFFFFC180;
	p0 =	sne.s32 s15, s7  }
.Ltmp1:
0x25: {  	[bflag:$0x0] =	sbarrier.arrive $0xFFFF;
	(pc) =	sbr.rel @p0 .LBB2_1-.Ltmp1, $4  }
0x26: {  	[hbm:s14], [sflag:s10] =	dma.local [spmem:s11], $0x2800  }
0x27: {  	_ =	swait.ge [sflag:s9], $0x2800  }
0x28: {  	[sflag:s9] =	ssyncset.done $0x0  }
0x29: {  	[sflag:s9] =	ssyncadd.s32 $0xFFFFD800  }
0x2a: {  	_ =	sfence.sel $0x180000  }
0x2b: {  	[bflag:$0x0] =	sbarrier.arrive $0xFFFF  }
0x2c: {  	p0 =	sne.s32 s0, $0x0;
	_ =	strace $0x90000047  }
0x2d: {  	s0 =	sadd.s32 @!p0 $0x100000, s1;
	[bflag:$0x2] =	sbarrier.arrive $0xFFFF  }
0x2e: {  	[sflag:s0] =	ssyncadd.tile.s32 @!p0 $0x1;
	_ =	shalt  }
.Lfunc_end2:
_tile_overlayer_lowered:
.L_overlay_start_2:
0x2f: {  	(tag) =	ssettag $0x2  }
0x30: {  	s0 =	rddreg [dreg:$0x0];
	s2 =	stileid.u32  }
0x31: {  	s1 =	rddreg [dreg:$0x1];
	p0 =	sne.s32 s2, $0x0  }
0x32: {  	s3 =	rddreg [dreg:$0x2];
	[bflag:$0x3] =	sbarrier.arrive $0xFFFF;
	s2 =	simm.s32 @!p0 $0x1C01  }
0x33: {  	[timem:s3], [sflag:s2] =	dma.local @!p0 [hbm:s0], s1  }
0x34: {  	s0 =	simm.s32 @!p0 $0x1  }
0x35: {  	_ =	swait.ge @!p0 [sflag:s0], s1  }
0x36: {  	s1 =	ssub.s32 @!p0 $0x0, s1;
	[sflag:s0] =	ssyncset.done @!p0 $0x0  }
0x37: {  	[sflag:s0] =	ssyncadd.s32 @!p0 s1  }
0x38: {  	[bflag:$0x3] =	sbarrier.arrive $0xFFFF  }
0x39: {  	_ =	shalt  }

</sc_bundles>
